<compile_context>
chip_gen: v7x
topology: tpu7x:2x2x1
jax: 0.10.2.dev20260603
libtpu: 0.0.44.dev20260713+nightly
codegen_flags: <defaults>
</compile_context>

<pallas_src>
import functools

import jax
import jax.numpy as jnp
from jax import lax
from jax.experimental import pallas as pl
from jax.experimental.pallas import tpu as pltpu
from jax.experimental.pallas import tpu_sc as plsc

_NC, _NS, _L = 2, 16, 16
_NW = _NC * _NS
_H = 64
_EPS = 1e-12
_CHUNK = 128
_NSEG, _NAGE, _NTYP = 2, 180, 20
_NCOMB = _NSEG * _NAGE * _NTYP


def _lane_gather(v, idx):
    dnums = lax.GatherDimensionNumbers(
        offset_dims=(), collapsed_slice_dims=(0,), start_index_map=(0,))
    return lax.gather(v, idx[:, None], dnums, (1,),
                      mode=lax.GatherScatterMode.PROMISE_IN_BOUNDS)


def _lane_sum(v):
    lanes = lax.iota(jnp.int32, _L)
    for m in (1, 2, 4, 8):
        v = v + _lane_gather(v, lanes ^ m)
    return v


def _rsqrt(x):
    xi = lax.bitcast_convert_type(x, jnp.int32)
    yi = jnp.int32(0x5F3759DF) - (xi >> 1)
    y = lax.bitcast_convert_type(yi, jnp.float32)
    for _ in range(3):
        y = y * (jnp.float32(1.5) - jnp.float32(0.5) * x * y * y)
    return y


def _combined_table(age, seg, typ):
    def body(seg_ref, age_ref, typ_ref, out_ref):
        s = seg_ref[...]
        a = age_ref[...]
        t = typ_ref[...]
        ap = (s[:, None, :] + a[None, :, :]).reshape(_NSEG * _NAGE, _H)
        out_ref[...] = (ap[:, None, :] + t[None, :, :]).reshape(_NCOMB, _H)
    return pl.pallas_call(
        body,
        out_shape=jax.ShapeDtypeStruct((_NCOMB, _H), jnp.float32),
    )(seg, age, typ)


@functools.lru_cache(maxsize=None)
def _build(n_tokens, chunk, interpret=False):
    tok_per_w = n_tokens // _NW
    n_chunks = tok_per_w // chunk
    assert n_chunks % 2 == 0
    mesh = plsc.VectorSubcoreMesh(core_axis_name="c", subcore_axis_name="s",
                                  num_cores=_NC, num_subcores=_NS)

    def body(ids_hbm, tt_hbm, pos_hbm, lt_hbm,
             concept_hbm, comb_hbm, gamma_hbm, beta_hbm,
             out_hbm,
             ids2, tt_v, pos_v, lt_v, cidx2, crow2, mrow2, outb2, gb_v,
             sem_g, sem_o):
        wid = lax.axis_index("s") * _NC + lax.axis_index("c")
        base = wid * tok_per_w

        pltpu.sync_copy(gamma_hbm, gb_v.at[0])
        pltpu.sync_copy(beta_hbm, gb_v.at[1])
        gammas = [gb_v[0, pl.ds(k * _L, _L)] for k in range(_H // _L)]
        betas = [gb_v[1, pl.ds(k * _L, _L)] for k in range(_H // _L)]

        def load_idx(c, slot):
            off = base + c * chunk
            pltpu.sync_copy(ids_hbm.at[pl.ds(off, chunk)], ids2.at[slot])
            pltpu.sync_copy(tt_hbm.at[pl.ds(off, chunk)], tt_v)
            pltpu.sync_copy(pos_hbm.at[pl.ds(off, chunk)], pos_v)
            pltpu.sync_copy(lt_hbm.at[pl.ds(off, chunk)], lt_v)
            for j in range(chunk // _L):
                sl = pl.ds(j * _L, _L)
                cidx2[slot, sl] = (tt_v[sl] * jnp.int32(_NAGE * _NTYP)
                                   + pos_v[sl] * jnp.int32(_NTYP) + lt_v[sl])

        def start_gathers(slot):
            pltpu.make_async_copy(concept_hbm.at[ids2.at[slot]],
                                  crow2.at[slot], sem_g.at[slot]).start()
            pltpu.make_async_copy(comb_hbm.at[cidx2.at[slot]],
                                  mrow2.at[slot], sem_g.at[slot]).start()

        def wait_gathers(slot):
            pltpu.make_async_copy(concept_hbm.at[ids2.at[slot]],
                                  crow2.at[slot], sem_g.at[slot]).wait()
            pltpu.make_async_copy(comb_hbm.at[cidx2.at[slot]],
                                  mrow2.at[slot], sem_g.at[slot]).wait()

        def out_copy_desc(c, slot):
            off = base + c * chunk
            return pltpu.make_async_copy(
                outb2.at[slot], out_hbm.at[pl.ds(off, chunk)], sem_o.at[slot])

        def compute(slot):
            def tok(t):
                vs = []
                for k in range(_H // _L):
                    sl = pl.ds(k * _L, _L)
                    vs.append(crow2[slot, t, sl] + mrow2[slot, t, sl])
                tot = (vs[0] + vs[1]) + (vs[2] + vs[3])
                sq = (vs[0] * vs[0] + vs[1] * vs[1]) \
                    + (vs[2] * vs[2] + vs[3] * vs[3])
                s1 = _lane_sum(tot)
                s2 = _lane_sum(sq)
                mean = s1 * jnp.float32(1.0 / _H)
                var = s2 * jnp.float32(1.0 / _H) - mean * mean
                r = _rsqrt(var + jnp.float32(_EPS))
                for k in range(_H // _L):
                    outb2[slot, t, pl.ds(k * _L, _L)] = \
                        (vs[k] - mean) * r * gammas[k] + betas[k]
            plsc.parallel_loop(0, chunk, 1, unroll=4)(tok)

        load_idx(0, 0)
        start_gathers(0)

        def outer(i, carry):
            for b in (0, 1):
                c = i * 2 + b
                nb = 1 - b

                @pl.when(c + 1 < n_chunks)
                def _():
                    load_idx(c + 1, nb)
                    start_gathers(nb)

                wait_gathers(b)

                @pl.when(c >= 2)
                def _():
                    out_copy_desc(c - 2, b).wait()

                compute(b)
                out_copy_desc(c, b).start()
            return carry

        lax.fori_loop(0, n_chunks // 2, outer, 0)
        out_copy_desc(n_chunks - 2, 0).wait()
        out_copy_desc(n_chunks - 1, 1).wait()

    return pl.kernel(
        body,
        out_type=jax.ShapeDtypeStruct((n_tokens, _H), jnp.float32),
        mesh=mesh,
        scratch_types=(
            [pltpu.VMEM((2, chunk), jnp.int32)]
            + [pltpu.VMEM((chunk,), jnp.int32)] * 3
            + [pltpu.VMEM((2, chunk), jnp.int32)]
            + [pltpu.VMEM((2, chunk, _H), jnp.float32)] * 3
            + [pltpu.VMEM((2, _H), jnp.float32)]
            + [pltpu.SemaphoreType.DMA((2,)), pltpu.SemaphoreType.DMA((2,))]
        ),
        compiler_params=pltpu.CompilerParams(use_tc_tiling_on_sc=False),
        interpret=interpret,
    )


def kernel(input_ids, token_type_ids, position_ids, label_type_ids,
           concept_table, age_table, segment_table, type_table,
           ln_gamma, ln_beta):
    b, s = input_ids.shape
    n = b * s
    comb = _combined_table(age_table, segment_table, type_table)
    f = _build(n, _CHUNK)
    out = f(input_ids.reshape(n).astype(jnp.int32),
            token_type_ids.reshape(n).astype(jnp.int32),
            position_ids.reshape(n).astype(jnp.int32),
            label_type_ids.reshape(n).astype(jnp.int32),
            concept_table, comb, ln_gamma, ln_beta)
    return out.reshape(b, s, _H)

# --- scband reference (transcript-rebuilt; emitter-appended) ---
"""Pipeline reference for scband-ehr-embeddings-65635690218132 (READ-ONLY COPY).

The authoritative reference and input builder live on the scoring server;
editing this copy changes nothing except your own understanding.
"""

import jax, jax.numpy as jnp
import numpy as np

B, S, H, V = 1024, 200, 64, 100000
EPS = 1e-12


def setup_inputs(seed: int = 0) -> dict:
    key = jax.random.key(seed)
    ks = jax.random.split(key, 10)
    input_ids = jax.random.randint(ks[0], (B, S), 0, V, dtype=jnp.int64 if jax.config.read('jax_enable_x64') else jnp.int32)
    token_type_ids = jax.random.randint(ks[1], (B, S), 0, 2)
    position_ids = jax.random.randint(ks[2], (B, S), 0, 180)
    label_type_ids = jax.random.randint(ks[3], (B, S), 0, 20)
    concept_table = jax.random.normal(ks[4], (V, H), dtype=jnp.float32) * 0.02
    age_table = jax.random.normal(ks[5], (180, H), dtype=jnp.float32) * 0.02
    segment_table = jax.random.normal(ks[6], (2, H), dtype=jnp.float32) * 0.02
    type_table = jax.random.normal(ks[7], (20, H), dtype=jnp.float32) * 0.02
    ln_gamma = jnp.ones((H,), dtype=jnp.float32)
    ln_beta = jnp.zeros((H,), dtype=jnp.float32)
    return {
        'input_ids': input_ids,
        'token_type_ids': token_type_ids,
        'position_ids': position_ids,
        'label_type_ids': label_type_ids,
        'concept_table': concept_table,
        'age_table': age_table,
        'segment_table': segment_table,
        'type_table': type_table,
        'ln_gamma': ln_gamma,
        'ln_beta': ln_beta,
    }


def reference(input_ids, token_type_ids, position_ids, label_type_ids,
              concept_table, age_table, segment_table, type_table,
              ln_gamma, ln_beta):
    # a = b = c = d = 1 (linear=False); dropout is identity in eval mode
    emb = jnp.take(concept_table, input_ids, axis=0)
    emb = emb + jnp.take(segment_table, token_type_ids, axis=0)
    emb = emb + jnp.take(age_table, position_ids, axis=0)
    emb = emb + jnp.take(type_table, label_type_ids, axis=0)
    mean = jnp.mean(emb, axis=-1, keepdims=True)
    var = jnp.var(emb, axis=-1, keepdims=True)
    out = (emb - mean) / jnp.sqrt(var + EPS)
    out = out * ln_gamma + ln_beta
    return out

if __name__ == "__main__":
    import jax
    _d = setup_inputs()
    print(jax.jit(kernel)(*tuple(_d.values())))

</pallas_src>

<mosaic_0001>
#map = affine_map<(d0, d1) -> (0)>
#map1 = affine_map<(d0, d1) -> (0, 0)>
module attributes {stable_mosaic.version = 14 : i64} {
  func.func @body(%arg0: i32, %arg1: i32, %arg2: memref<204800xi32, #tpu.memory_space<hbm>>, %arg3: memref<204800xi32, #tpu.memory_space<hbm>>, %arg4: memref<204800xi32, #tpu.memory_space<hbm>>, %arg5: memref<204800xi32, #tpu.memory_space<hbm>>, %arg6: memref<100000x64xf32, #tpu.memory_space<hbm>>, %arg7: memref<7200x64xf32, #tpu.memory_space<hbm>>, %arg8: memref<64xf32, #tpu.memory_space<hbm>>, %arg9: memref<64xf32, #tpu.memory_space<hbm>>, %arg10: memref<204800x64xf32, #tpu.memory_space<hbm>>, %arg11: memref<2x128xi32, #tpu.memory_space<vmem>>, %arg12: memref<128xi32, #tpu.memory_space<vmem>>, %arg13: memref<128xi32, #tpu.memory_space<vmem>>, %arg14: memref<128xi32, #tpu.memory_space<vmem>>, %arg15: memref<2x128xi32, #tpu.memory_space<vmem>>, %arg16: memref<2x128x64xf32, #tpu.memory_space<vmem>>, %arg17: memref<2x128x64xf32, #tpu.memory_space<vmem>>, %arg18: memref<2x128x64xf32, #tpu.memory_space<vmem>>, %arg19: memref<2x64xf32, #tpu.memory_space<vmem>>, %arg20: memref<2x!tpu.dma_semaphore, #tpu.memory_space<semaphore_mem>>, %arg21: memref<2x!tpu.dma_semaphore, #tpu.memory_space<semaphore_mem>>) attributes {dimension_semantics = [#tpu.dimension_semantics<core_parallel>, #tpu.dimension_semantics<subcore_parallel>], iteration_bounds = array<i64: 2, 16>, scalar_prefetch = 0 : i64, scratch_operands = 11 : i64, tpu.core_type = #tpu.core_type<sc_vector_subcore>, window_params = [{transform_indices = #map}, {transform_indices = #map}, {transform_indices = #map}, {transform_indices = #map}, {transform_indices = #map1}, {transform_indices = #map1}, {transform_indices = #map}, {transform_indices = #map}, {transform_indices = #map1}]} {
    %mul3A = arith.constant 2 : i32
    %mul3A_0 = arith.muli %arg1, %mul3A : i32
    %add3A = arith.addi %mul3A_0, %arg0 : i32
    %mul3A_1 = arith.constant 6400 : i32
    %mul3A_2 = arith.muli %add3A, %mul3A_1 : i32
    %run_scoped3A = arith.constant 0 : i32
    "tpu.region"() ({
      %run_scoped3A_298 = tpu.sem_alloc : memref<!tpu.dma_semaphore, #tpu.memory_space<semaphore_mem>>
      %dma_start3A_299 = arith.constant 0 : i32
      %dma_start3A_300 = tpu.memref_slice %arg19[%run_scoped3A, %dma_start3A_299] : memref<2x64xf32, #tpu.memory_space<vmem>> -> memref<1x64xf32, #tpu.memory_space<vmem>>
      %dma_start3A_301 = tpu.memref_squeeze %dma_start3A_300 : memref<1x64xf32, #tpu.memory_space<vmem>> -> memref<64xf32, #tpu.memory_space<vmem>>
      %dma_start3A_302 = arith.constant 0 : i32
      %dma_start3A_303 = tpu.memref_slice %arg19[%run_scoped3A, %dma_start3A_302] : memref<2x64xf32, #tpu.memory_space<vmem>> -> memref<1x64xf32, #tpu.memory_space<vmem>>
      %dma_start3A_304 = tpu.memref_squeeze %dma_start3A_303 : memref<1x64xf32, #tpu.memory_space<vmem>> -> memref<64xf32, #tpu.memory_space<vmem>>
      tpu.enqueue_dma source(%arg8 : memref<64xf32, #tpu.memory_space<hbm>>) target(%dma_start3A_304 : memref<64xf32, #tpu.memory_space<vmem>>) target_semaphore(%run_scoped3A_298 : memref<!tpu.dma_semaphore, #tpu.memory_space<semaphore_mem>>)
      %dma_wait3A_305 = arith.constant 0 : i32
      %dma_wait3A_306 = tpu.memref_slice %arg19[%run_scoped3A, %dma_wait3A_305] : memref<2x64xf32, #tpu.memory_space<vmem>> -> memref<1x64xf32, #tpu.memory_space<vmem>>
      %dma_wait3A_307 = tpu.memref_squeeze %dma_wait3A_306 : memref<1x64xf32, #tpu.memory_space<vmem>> -> memref<64xf32, #tpu.memory_space<vmem>>
      %dma_wait3A_308 = arith.constant 0 : i32
      %dma_wait3A_309 = tpu.memref_slice %arg19[%run_scoped3A, %dma_wait3A_308] : memref<2x64xf32, #tpu.memory_space<vmem>> -> memref<1x64xf32, #tpu.memory_space<vmem>>
      %dma_wait3A_310 = tpu.memref_squeeze %dma_wait3A_309 : memref<1x64xf32, #tpu.memory_space<vmem>> -> memref<64xf32, #tpu.memory_space<vmem>>
      tpu.wait_dma2 semaphore(%run_scoped3A_298 : memref<!tpu.dma_semaphore, #tpu.memory_space<semaphore_mem>>) src(%arg8 : memref<64xf32, #tpu.memory_space<hbm>>) dst(%dma_wait3A_310 : memref<64xf32, #tpu.memory_space<vmem>>)
      tpu.yield
    }) : () -> ()
    %run_scoped3A_3 = arith.constant 1 : i32
    "tpu.region"() ({
      %run_scoped3A_298 = tpu.sem_alloc : memref<!tpu.dma_semaphore, #tpu.memory_space<semaphore_mem>>
      %dma_start3A_299 = arith.constant 0 : i32
      %dma_start3A_300 = tpu.memref_slice %arg19[%run_scoped3A_3, %dma_start3A_299] : memref<2x64xf32, #tpu.memory_space<vmem>> -> memref<1x64xf32, #tpu.memory_space<vmem>>
      %dma_start3A_301 = tpu.memref_squeeze %dma_start3A_300 : memref<1x64xf32, #tpu.memory_space<vmem>> -> memref<64xf32, #tpu.memory_space<vmem>>
      %dma_start3A_302 = arith.constant 0 : i32
      %dma_start3A_303 = tpu.memref_slice %arg19[%run_scoped3A_3, %dma_start3A_302] : memref<2x64xf32, #tpu.memory_space<vmem>> -> memref<1x64xf32, #tpu.memory_space<vmem>>
      %dma_start3A_304 = tpu.memref_squeeze %dma_start3A_303 : memref<1x64xf32, #tpu.memory_space<vmem>> -> memref<64xf32, #tpu.memory_space<vmem>>
      tpu.enqueue_dma source(%arg9 : memref<64xf32, #tpu.memory_space<hbm>>) target(%dma_start3A_304 : memref<64xf32, #tpu.memory_space<vmem>>) target_semaphore(%run_scoped3A_298 : memref<!tpu.dma_semaphore, #tpu.memory_space<semaphore_mem>>)
      %dma_wait3A_305 = arith.constant 0 : i32
      %dma_wait3A_306 = tpu.memref_slice %arg19[%run_scoped3A_3, %dma_wait3A_305] : memref<2x64xf32, #tpu.memory_space<vmem>> -> memref<1x64xf32, #tpu.memory_space<vmem>>
      %dma_wait3A_307 = tpu.memref_squeeze %dma_wait3A_306 : memref<1x64xf32, #tpu.memory_space<vmem>> -> memref<64xf32, #tpu.memory_space<vmem>>
      %dma_wait3A_308 = arith.constant 0 : i32
      %dma_wait3A_309 = tpu.memref_slice %arg19[%run_scoped3A_3, %dma_wait3A_308] : memref<2x64xf32, #tpu.memory_space<vmem>> -> memref<1x64xf32, #tpu.memory_space<vmem>>
      %dma_wait3A_310 = tpu.memref_squeeze %dma_wait3A_309 : memref<1x64xf32, #tpu.memory_space<vmem>> -> memref<64xf32, #tpu.memory_space<vmem>>
      tpu.wait_dma2 semaphore(%run_scoped3A_298 : memref<!tpu.dma_semaphore, #tpu.memory_space<semaphore_mem>>) src(%arg9 : memref<64xf32, #tpu.memory_space<hbm>>) dst(%dma_wait3A_310 : memref<64xf32, #tpu.memory_space<vmem>>)
      tpu.yield
    }) : () -> ()
    %get3A = arith.constant 0 : i32
    %get3A_4 = arith.index_cast %get3A : i32 to index
    %get3A_5 = arith.constant 0 : index
    %get3A_6 = tpu.vector_load %arg19[%get3A_4, %get3A_5] {strides = array<i32>} : memref<2x64xf32, #tpu.memory_space<vmem>>, vector<1x16xf32>,
    %get3A_7 = vector.shape_cast %get3A_6 : vector<1x16xf32> to vector<16xf32>
    %get3A_8 = arith.constant 0 : i32
    %get3A_9 = arith.index_cast %get3A_8 : i32 to index
    %get3A_10 = arith.constant 16 : index
    %get3A_11 = tpu.vector_load %arg19[%get3A_9, %get3A_10] {strides = array<i32>} : memref<2x64xf32, #tpu.memory_space<vmem>>, vector<1x16xf32>,
    %get3A_12 = vector.shape_cast %get3A_11 : vector<1x16xf32> to vector<16xf32>
    %get3A_13 = arith.constant 0 : i32
    %get3A_14 = arith.index_cast %get3A_13 : i32 to index
    %get3A_15 = arith.constant 32 : index
    %get3A_16 = tpu.vector_load %arg19[%get3A_14, %get3A_15] {strides = array<i32>} : memref<2x64xf32, #tpu.memory_space<vmem>>, vector<1x16xf32>,
    %get3A_17 = vector.shape_cast %get3A_16 : vector<1x16xf32> to vector<16xf32>
    %get3A_18 = arith.constant 0 : i32
    %get3A_19 = arith.index_cast %get3A_18 : i32 to index
    %get3A_20 = arith.constant 48 : index
    %get3A_21 = tpu.vector_load %arg19[%get3A_19, %get3A_20] {strides = array<i32>} : memref<2x64xf32, #tpu.memory_space<vmem>>, vector<1x16xf32>,
    %get3A_22 = vector.shape_cast %get3A_21 : vector<1x16xf32> to vector<16xf32>
    %get3A_23 = arith.constant 1 : i32
    %get3A_24 = arith.index_cast %get3A_23 : i32 to index
    %get3A_25 = arith.constant 0 : index
    %get3A_26 = tpu.vector_load %arg19[%get3A_24, %get3A_25] {strides = array<i32>} : memref<2x64xf32, #tpu.memory_space<vmem>>, vector<1x16xf32>,
    %get3A_27 = vector.shape_cast %get3A_26 : vector<1x16xf32> to vector<16xf32>
    %get3A_28 = arith.constant 1 : i32
    %get3A_29 = arith.index_cast %get3A_28 : i32 to index
    %get3A_30 = arith.constant 16 : index
    %get3A_31 = tpu.vector_load %arg19[%get3A_29, %get3A_30] {strides = array<i32>} : memref<2x64xf32, #tpu.memory_space<vmem>>, vector<1x16xf32>,
    %get3A_32 = vector.shape_cast %get3A_31 : vector<1x16xf32> to vector<16xf32>
    %get3A_33 = arith.constant 1 : i32
    %get3A_34 = arith.index_cast %get3A_33 : i32 to index
    %get3A_35 = arith.constant 32 : index
    %get3A_36 = tpu.vector_load %arg19[%get3A_34, %get3A_35] {strides = array<i32>} : memref<2x64xf32, #tpu.memory_space<vmem>>, vector<1x16xf32>,
    %get3A_37 = vector.shape_cast %get3A_36 : vector<1x16xf32> to vector<16xf32>
    %get3A_38 = arith.constant 1 : i32
    %get3A_39 = arith.index_cast %get3A_38 : i32 to index
    %get3A_40 = arith.constant 48 : index
    %get3A_41 = tpu.vector_load %arg19[%get3A_39, %get3A_40] {strides = array<i32>} : memref<2x64xf32, #tpu.memory_space<vmem>>, vector<1x16xf32>,
    %get3A_42 = vector.shape_cast %get3A_41 : vector<1x16xf32> to vector<16xf32>
    %add3A_43 = arith.constant 0 : i32
    %add3A_44 = arith.addi %mul3A_2, %add3A_43 : i32
    %run_scoped3A_45 = arith.constant 0 : i32
    "tpu.region"() ({
      %run_scoped3A_298 = tpu.sem_alloc : memref<!tpu.dma_semaphore, #tpu.memory_space<semaphore_mem>>
      %dma_start3A_299 = arith.constant 0 : i32
      %dma_start3A_300 = tpu.memref_slice %arg11[%run_scoped3A_45, %dma_start3A_299] : memref<2x128xi32, #tpu.memory_space<vmem>> -> memref<1x128xi32, #tpu.memory_space<vmem>>
      %dma_start3A_301 = tpu.memref_squeeze %dma_start3A_300 : memref<1x128xi32, #tpu.memory_space<vmem>> -> memref<128xi32, #tpu.memory_space<vmem>>
      %dma_start3A_302 = tpu.memref_slice %arg2[%add3A_44] : memref<204800xi32, #tpu.memory_space<hbm>> -> memref<128xi32, #tpu.memory_space<hbm>>
      %dma_start3A_303 = arith.constant 0 : i32
      %dma_start3A_304 = tpu.memref_slice %arg11[%run_scoped3A_45, %dma_start3A_303] : memref<2x128xi32, #tpu.memory_space<vmem>> -> memref<1x128xi32, #tpu.memory_space<vmem>>
      %dma_start3A_305 = tpu.memref_squeeze %dma_start3A_304 : memref<1x128xi32, #tpu.memory_space<vmem>> -> memref<128xi32, #tpu.memory_space<vmem>>
      %dma_start3A_306 = tpu.memref_slice %arg2[%add3A_44] : memref<204800xi32, #tpu.memory_space<hbm>> -> memref<128xi32, #tpu.memory_space<hbm>>
      tpu.enqueue_dma source(%dma_start3A_306 : memref<128xi32, #tpu.memory_space<hbm>>) target(%dma_start3A_305 : memref<128xi32, #tpu.memory_space<vmem>>) target_semaphore(%run_scoped3A_298 : memref<!tpu.dma_semaphore, #tpu.memory_space<semaphore_mem>>)
      %dma_wait3A_307 = arith.constant 0 : i32
      %dma_wait3A_308 = tpu.memref_slice %arg11[%run_scoped3A_45, %dma_wait3A_307] : memref<2x128xi32, #tpu.memory_space<vmem>> -> memref<1x128xi32, #tpu.memory_space<vmem>>
      %dma_wait3A_309 = tpu.memref_squeeze %dma_wait3A_308 : memref<1x128xi32, #tpu.memory_space<vmem>> -> memref<128xi32, #tpu.memory_space<vmem>>
      %dma_wait3A_310 = tpu.memref_slice %arg2[%add3A_44] : memref<204800xi32, #tpu.memory_space<hbm>> -> memref<128xi32, #tpu.memory_space<hbm>>
      %dma_wait3A_311 = arith.constant 0 : i32
      %dma_wait3A_312 = tpu.memref_slice %arg11[%run_scoped3A_45, %dma_wait3A_311] : memref<2x128xi32, #tpu.memory_space<vmem>> -> memref<1x128xi32, #tpu.memory_space<vmem>>
      %dma_wait3A_313 = tpu.memref_squeeze %dma_wait3A_312 : memref<1x128xi32, #tpu.memory_space<vmem>> -> memref<128xi32, #tpu.memory_space<vmem>>
      %dma_wait3A_314 = tpu.memref_slice %arg2[%add3A_44] : memref<204800xi32, #tpu.memory_space<hbm>> -> memref<128xi32, #tpu.memory_space<hbm>>
      tpu.wait_dma2 semaphore(%run_scoped3A_298 : memref<!tpu.dma_semaphore, #tpu.memory_space<semaphore_mem>>) src(%dma_wait3A_314 : memref<128xi32, #tpu.memory_space<hbm>>) dst(%dma_wait3A_313 : memref<128xi32, #tpu.memory_space<vmem>>)
      tpu.yield
    }) : () -> ()
    "tpu.region"() ({
      %run_scoped3A_298 = tpu.sem_alloc : memref<!tpu.dma_semaphore, #tpu.memory_space<semaphore_mem>>
      %dma_start3A_299 = tpu.memref_slice %arg3[%add3A_44] : memref<204800xi32, #tpu.memory_space<hbm>> -> memref<128xi32, #tpu.memory_space<hbm>>
      %dma_start3A_300 = tpu.memref_slice %arg3[%add3A_44] : memref<204800xi32, #tpu.memory_space<hbm>> -> memref<128xi32, #tpu.memory_space<hbm>>
      tpu.enqueue_dma source(%dma_start3A_300 : memref<128xi32, #tpu.memory_space<hbm>>) target(%arg12 : memref<128xi32, #tpu.memory_space<vmem>>) target_semaphore(%run_scoped3A_298 : memref<!tpu.dma_semaphore, #tpu.memory_space<semaphore_mem>>)
      %dma_wait3A_301 = tpu.memref_slice %arg3[%add3A_44] : memref<204800xi32, #tpu.memory_space<hbm>> -> memref<128xi32, #tpu.memory_space<hbm>>
      %dma_wait3A_302 = tpu.memref_slice %arg3[%add3A_44] : memref<204800xi32, #tpu.memory_space<hbm>> -> memref<128xi32, #tpu.memory_space<hbm>>
      tpu.wait_dma2 semaphore(%run_scoped3A_298 : memref<!tpu.dma_semaphore, #tpu.memory_space<semaphore_mem>>) src(%dma_wait3A_302 : memref<128xi32, #tpu.memory_space<hbm>>) dst(%arg12 : memref<128xi32, #tpu.memory_space<vmem>>)
      tpu.yield
    }) : () -> ()
    "tpu.region"() ({
      %run_scoped3A_298 = tpu.sem_alloc : memref<!tpu.dma_semaphore, #tpu.memory_space<semaphore_mem>>
      %dma_start3A_299 = tpu.memref_slice %arg4[%add3A_44] : memref<204800xi32, #tpu.memory_space<hbm>> -> memref<128xi32, #tpu.memory_space<hbm>>
      %dma_start3A_300 = tpu.memref_slice %arg4[%add3A_44] : memref<204800xi32, #tpu.memory_space<hbm>> -> memref<128xi32, #tpu.memory_space<hbm>>
      tpu.enqueue_dma source(%dma_start3A_300 : memref<128xi32, #tpu.memory_space<hbm>>) target(%arg13 : memref<128xi32, #tpu.memory_space<vmem>>) target_semaphore(%run_scoped3A_298 : memref<!tpu.dma_semaphore, #tpu.memory_space<semaphore_mem>>)
      %dma_wait3A_301 = tpu.memref_slice %arg4[%add3A_44] : memref<204800xi32, #tpu.memory_space<hbm>> -> memref<128xi32, #tpu.memory_space<hbm>>
      %dma_wait3A_302 = tpu.memref_slice %arg4[%add3A_44] : memref<204800xi32, #tpu.memory_space<hbm>> -> memref<128xi32, #tpu.memory_space<hbm>>
      tpu.wait_dma2 semaphore(%run_scoped3A_298 : memref<!tpu.dma_semaphore, #tpu.memory_space<semaphore_mem>>) src(%dma_wait3A_302 : memref<128xi32, #tpu.memory_space<hbm>>) dst(%arg13 : memref<128xi32, #tpu.memory_space<vmem>>)
      tpu.yield
    }) : () -> ()
    "tpu.region"() ({
      %run_scoped3A_298 = tpu.sem_alloc : memref<!tpu.dma_semaphore, #tpu.memory_space<semaphore_mem>>
      %dma_start3A_299 = tpu.memref_slice %arg5[%add3A_44] : memref<204800xi32, #tpu.memory_space<hbm>> -> memref<128xi32, #tpu.memory_space<hbm>>
      %dma_start3A_300 = tpu.memref_slice %arg5[%add3A_44] : memref<204800xi32, #tpu.memory_space<hbm>> -> memref<128xi32, #tpu.memory_space<hbm>>
      tpu.enqueue_dma source(%dma_start3A_300 : memref<128xi32, #tpu.memory_space<hbm>>) target(%arg14 : memref<128xi32, #tpu.memory_space<vmem>>) target_semaphore(%run_scoped3A_298 : memref<!tpu.dma_semaphore, #tpu.memory_space<semaphore_mem>>)
      %dma_wait3A_301 = tpu.memref_slice %arg5[%add3A_44] : memref<204800xi32, #tpu.memory_space<hbm>> -> memref<128xi32, #tpu.memory_space<hbm>>
      %dma_wait3A_302 = tpu.memref_slice %arg5[%add3A_44] : memref<204800xi32, #tpu.memory_space<hbm>> -> memref<128xi32, #tpu.memory_space<hbm>>
      tpu.wait_dma2 semaphore(%run_scoped3A_298 : memref<!tpu.dma_semaphore, #tpu.memory_space<semaphore_mem>>) src(%dma_wait3A_302 : memref<128xi32, #tpu.memory_space<hbm>>) dst(%arg14 : memref<128xi32, #tpu.memory_space<vmem>>)
      tpu.yield
    }) : () -> ()
    %get3A_46 = arith.constant 0 : index
    %get3A_47 = tpu.vector_load %arg12[%get3A_46] {strides = array<i32>} : memref<128xi32, #tpu.memory_space<vmem>>, vector<16xi32>,
    %get3A_48 = vector.shape_cast %get3A_47 : vector<16xi32> to vector<16xi32>
    %mul3A_49 = arith.constant 3600 : i32
    %mul3A_50 = vector.broadcast %mul3A_49 : i32 to vector<16xi32>
    %mul3A_51 = arith.muli %get3A_48, %mul3A_50 : vector<16xi32>
    %get3A_52 = arith.constant 0 : index
    %get3A_53 = tpu.vector_load %arg13[%get3A_52] {strides = array<i32>} : memref<128xi32, #tpu.memory_space<vmem>>, vector<16xi32>,
    %get3A_54 = vector.shape_cast %get3A_53 : vector<16xi32> to vector<16xi32>
    %mul3A_55 = arith.constant 20 : i32
    %mul3A_56 = vector.broadcast %mul3A_55 : i32 to vector<16xi32>
    %mul3A_57 = arith.muli %get3A_54, %mul3A_56 : vector<16xi32>
    %add3A_58 = arith.addi %mul3A_51, %mul3A_57 : vector<16xi32>
    %get3A_59 = arith.constant 0 : index
    %get3A_60 = tpu.vector_load %arg14[%get3A_59] {strides = array<i32>} : memref<128xi32, #tpu.memory_space<vmem>>, vector<16xi32>,
    %get3A_61 = vector.shape_cast %get3A_60 : vector<16xi32> to vector<16xi32>
    %add3A_62 = arith.addi %add3A_58, %get3A_61 : vector<16xi32>
    %swap3A = arith.constant 0 : i32
    %swap3A_63 = arith.index_cast %swap3A : i32 to index
    %swap3A_64 = arith.constant 0 : index
    %swap3A_65 = tpu.vector_load %arg15[%swap3A_63, %swap3A_64] {strides = array<i32>} : memref<2x128xi32, #tpu.memory_space<vmem>>, vector<1x16xi32>,
    %swap3A_66 = vector.shape_cast %swap3A_65 : vector<1x16xi32> to vector<16xi32>
    %swap3A_67 = vector.shape_cast %add3A_62 : vector<16xi32> to vector<1x16xi32>
    tpu.vector_store %arg15[%swap3A_63, %swap3A_64], %swap3A_67 {strides = array<i32>} : memref<2x128xi32, #tpu.memory_space<vmem>>, vector<1x16xi32>,
    %get3A_68 = arith.constant 16 : index
    %get3A_69 = tpu.vector_load %arg12[%get3A_68] {strides = array<i32>} : memref<128xi32, #tpu.memory_space<vmem>>, vector<16xi32>,
    %get3A_70 = vector.shape_cast %get3A_69 : vector<16xi32> to vector<16xi32>
    %mul3A_71 = arith.constant 3600 : i32
    %mul3A_72 = vector.broadcast %mul3A_71 : i32 to vector<16xi32>
    %mul3A_73 = arith.muli %get3A_70, %mul3A_72 : vector<16xi32>
    %get3A_74 = arith.constant 16 : index
    %get3A_75 = tpu.vector_load %arg13[%get3A_74] {strides = array<i32>} : memref<128xi32, #tpu.memory_space<vmem>>, vector<16xi32>,
    %get3A_76 = vector.shape_cast %get3A_75 : vector<16xi32> to vector<16xi32>
    %mul3A_77 = arith.constant 20 : i32
    %mul3A_78 = vector.broadcast %mul3A_77 : i32 to vector<16xi32>
    %mul3A_79 = arith.muli %get3A_76, %mul3A_78 : vector<16xi32>
    %add3A_80 = arith.addi %mul3A_73, %mul3A_79 : vector<16xi32>
    %get3A_81 = arith.constant 16 : index
    %get3A_82 = tpu.vector_load %arg14[%get3A_81] {strides = array<i32>} : memref<128xi32, #tpu.memory_space<vmem>>, vector<16xi32>,
    %get3A_83 = vector.shape_cast %get3A_82 : vector<16xi32> to vector<16xi32>
    %add3A_84 = arith.addi %add3A_80, %get3A_83 : vector<16xi32>
    %swap3A_85 = arith.constant 0 : i32
    %swap3A_86 = arith.index_cast %swap3A_85 : i32 to index
    %swap3A_87 = arith.constant 16 : index
    %swap3A_88 = tpu.vector_load %arg15[%swap3A_86, %swap3A_87] {strides = array<i32>} : memref<2x128xi32, #tpu.memory_space<vmem>>, vector<1x16xi32>,
    %swap3A_89 = vector.shape_cast %swap3A_88 : vector<1x16xi32> to vector<16xi32>
    %swap3A_90 = vector.shape_cast %add3A_84 : vector<16xi32> to vector<1x16xi32>
    tpu.vector_store %arg15[%swap3A_86, %swap3A_87], %swap3A_90 {strides = array<i32>} : memref<2x128xi32, #tpu.memory_space<vmem>>, vector<1x16xi32>,
    %get3A_91 = arith.constant 32 : index
    %get3A_92 = tpu.vector_load %arg12[%get3A_91] {strides = array<i32>} : memref<128xi32, #tpu.memory_space<vmem>>, vector<16xi32>,
    %get3A_93 = vector.shape_cast %get3A_92 : vector<16xi32> to vector<16xi32>
    %mul3A_94 = arith.constant 3600 : i32
    %mul3A_95 = vector.broadcast %mul3A_94 : i32 to vector<16xi32>
    %mul3A_96 = arith.muli %get3A_93, %mul3A_95 : vector<16xi32>
    %get3A_97 = arith.constant 32 : index
    %get3A_98 = tpu.vector_load %arg13[%get3A_97] {strides = array<i32>} : memref<128xi32, #tpu.memory_space<vmem>>, vector<16xi32>,
    %get3A_99 = vector.shape_cast %get3A_98 : vector<16xi32> to vector<16xi32>
    %mul3A_100 = arith.constant 20 : i32
    %mul3A_101 = vector.broadcast %mul3A_100 : i32 to vector<16xi32>
    %mul3A_102 = arith.muli %get3A_99, %mul3A_101 : vector<16xi32>
    %add3A_103 = arith.addi %mul3A_96, %mul3A_102 : vector<16xi32>
    %get3A_104 = arith.constant 32 : index
    %get3A_105 = tpu.vector_load %arg14[%get3A_104] {strides = array<i32>} : memref<128xi32, #tpu.memory_space<vmem>>, vector<16xi32>,
    %get3A_106 = vector.shape_cast %get3A_105 : vector<16xi32> to vector<16xi32>
    %add3A_107 = arith.addi %add3A_103, %get3A_106 : vector<16xi32>
    %swap3A_108 = arith.constant 0 : i32
    %swap3A_109 = arith.index_cast %swap3A_108 : i32 to index
    %swap3A_110 = arith.constant 32 : index
    %swap3A_111 = tpu.vector_load %arg15[%swap3A_109, %swap3A_110] {strides = array<i32>} : memref<2x128xi32, #tpu.memory_space<vmem>>, vector<1x16xi32>,
    %swap3A_112 = vector.shape_cast %swap3A_111 : vector<1x16xi32> to vector<16xi32>
    %swap3A_113 = vector.shape_cast %add3A_107 : vector<16xi32> to vector<1x16xi32>
    tpu.vector_store %arg15[%swap3A_109, %swap3A_110], %swap3A_113 {strides = array<i32>} : memref<2x128xi32, #tpu.memory_space<vmem>>, vector<1x16xi32>,
    %get3A_114 = arith.constant 48 : index
    %get3A_115 = tpu.vector_load %arg12[%get3A_114] {strides = array<i32>} : memref<128xi32, #tpu.memory_space<vmem>>, vector<16xi32>,
    %get3A_116 = vector.shape_cast %get3A_115 : vector<16xi32> to vector<16xi32>
    %mul3A_117 = arith.constant 3600 : i32
    %mul3A_118 = vector.broadcast %mul3A_117 : i32 to vector<16xi32>
    %mul3A_119 = arith.muli %get3A_116, %mul3A_118 : vector<16xi32>
    %get3A_120 = arith.constant 48 : index
    %get3A_121 = tpu.vector_load %arg13[%get3A_120] {strides = array<i32>} : memref<128xi32, #tpu.memory_space<vmem>>, vector<16xi32>,
    %get3A_122 = vector.shape_cast %get3A_121 : vector<16xi32> to vector<16xi32>
    %mul3A_123 = arith.constant 20 : i32
    %mul3A_124 = vector.broadcast %mul3A_123 : i32 to vector<16xi32>
    %mul3A_125 = arith.muli %get3A_122, %mul3A_124 : vector<16xi32>
    %add3A_126 = arith.addi %mul3A_119, %mul3A_125 : vector<16xi32>
    %get3A_127 = arith.constant 48 : index
    %get3A_128 = tpu.vector_load %arg14[%get3A_127] {strides = array<i32>} : memref<128xi32, #tpu.memory_space<vmem>>, vector<16xi32>,
    %get3A_129 = vector.shape_cast %get3A_128 : vector<16xi32> to vector<16xi32>
    %add3A_130 = arith.addi %add3A_126, %get3A_129 : vector<16xi32>
    %swap3A_131 = arith.constant 0 : i32
    %swap3A_132 = arith.index_cast %swap3A_131 : i32 to index
    %swap3A_133 = arith.constant 48 : index
    %swap3A_134 = tpu.vector_load %arg15[%swap3A_132, %swap3A_133] {strides = array<i32>} : memref<2x128xi32, #tpu.memory_space<vmem>>, vector<1x16xi32>,
    %swap3A_135 = vector.shape_cast %swap3A_134 : vector<1x16xi32> to vector<16xi32>
    %swap3A_136 = vector.shape_cast %add3A_130 : vector<16xi32> to vector<1x16xi32>
    tpu.vector_store %arg15[%swap3A_132, %swap3A_133], %swap3A_136 {strides = array<i32>} : memref<2x128xi32, #tpu.memory_space<vmem>>, vector<1x16xi32>,
    %get3A_137 = arith.constant 64 : index
    %get3A_138 = tpu.vector_load %arg12[%get3A_137] {strides = array<i32>} : memref<128xi32, #tpu.memory_space<vmem>>, vector<16xi32>,
    %get3A_139 = vector.shape_cast %get3A_138 : vector<16xi32> to vector<16xi32>
    %mul3A_140 = arith.constant 3600 : i32
    %mul3A_141 = vector.broadcast %mul3A_140 : i32 to vector<16xi32>
    %mul3A_142 = arith.muli %get3A_139, %mul3A_141 : vector<16xi32>
    %get3A_143 = arith.constant 64 : index
    %get3A_144 = tpu.vector_load %arg13[%get3A_143] {strides = array<i32>} : memref<128xi32, #tpu.memory_space<vmem>>, vector<16xi32>,
    %get3A_145 = vector.shape_cast %get3A_144 : vector<16xi32> to vector<16xi32>
    %mul3A_146 = arith.constant 20 : i32
    %mul3A_147 = vector.broadcast %mul3A_146 : i32 to vector<16xi32>
    %mul3A_148 = arith.muli %get3A_145, %mul3A_147 : vector<16xi32>
    %add3A_149 = arith.addi %mul3A_142, %mul3A_148 : vector<16xi32>
    %get3A_150 = arith.constant 64 : index
    %get3A_151 = tpu.vector_load %arg14[%get3A_150] {strides = array<i32>} : memref<128xi32, #tpu.memory_space<vmem>>, vector<16xi32>,
    %get3A_152 = vector.shape_cast %get3A_151 : vector<16xi32> to vector<16xi32>
    %add3A_153 = arith.addi %add3A_149, %get3A_152 : vector<16xi32>
    %swap3A_154 = arith.constant 0 : i32
    %swap3A_155 = arith.index_cast %swap3A_154 : i32 to index
    %swap3A_156 = arith.constant 64 : index
    %swap3A_157 = tpu.vector_load %arg15[%swap3A_155, %swap3A_156] {strides = array<i32>} : memref<2x128xi32, #tpu.memory_space<vmem>>, vector<1x16xi32>,
    %swap3A_158 = vector.shape_cast %swap3A_157 : vector<1x16xi32> to vector<16xi32>
    %swap3A_159 = vector.shape_cast %add3A_153 : vector<16xi32> to vector<1x16xi32>
    tpu.vector_store %arg15[%swap3A_155, %swap3A_156], %swap3A_159 {strides = array<i32>} : memref<2x128xi32, #tpu.memory_space<vmem>>, vector<1x16xi32>,
    %get3A_160 = arith.constant 80 : index
    %get3A_161 = tpu.vector_load %arg12[%get3A_160] {strides = array<i32>} : memref<128xi32, #tpu.memory_space<vmem>>, vector<16xi32>,
    %get3A_162 = vector.shape_cast %get3A_161 : vector<16xi32> to vector<16xi32>
    %mul3A_163 = arith.constant 3600 : i32
    %mul3A_164 = vector.broadcast %mul3A_163 : i32 to vector<16xi32>
    %mul3A_165 = arith.muli %get3A_162, %mul3A_164 : vector<16xi32>
    %get3A_166 = arith.constant 80 : index
    %get3A_167 = tpu.vector_load %arg13[%get3A_166] {strides = array<i32>} : memref<128xi32, #tpu.memory_space<vmem>>, vector<16xi32>,
    %get3A_168 = vector.shape_cast %get3A_167 : vector<16xi32> to vector<16xi32>
    %mul3A_169 = arith.constant 20 : i32
    %mul3A_170 = vector.broadcast %mul3A_169 : i32 to vector<16xi32>
    %mul3A_171 = arith.muli %get3A_168, %mul3A_170 : vector<16xi32>
    %add3A_172 = arith.addi %mul3A_165, %mul3A_171 : vector<16xi32>
    %get3A_173 = arith.constant 80 : index
    %get3A_174 = tpu.vector_load %arg14[%get3A_173] {strides = array<i32>} : memref<128xi32, #tpu.memory_space<vmem>>, vector<16xi32>,
    %get3A_175 = vector.shape_cast %get3A_174 : vector<16xi32> to vector<16xi32>
    %add3A_176 = arith.addi %add3A_172, %get3A_175 : vector<16xi32>
    %swap3A_177 = arith.constant 0 : i32
    %swap3A_178 = arith.index_cast %swap3A_177 : i32 to index
    %swap3A_179 = arith.constant 80 : index
    %swap3A_180 = tpu.vector_load %arg15[%swap3A_178, %swap3A_179] {strides = array<i32>} : memref<2x128xi32, #tpu.memory_space<vmem>>, vector<1x16xi32>,
    %swap3A_181 = vector.shape_cast %swap3A_180 : vector<1x16xi32> to vector<16xi32>
    %swap3A_182 = vector.shape_cast %add3A_176 : vector<16xi32> to vector<1x16xi32>
    tpu.vector_store %arg15[%swap3A_178, %swap3A_179], %swap3A_182 {strides = array<i32>} : memref<2x128xi32, #tpu.memory_space<vmem>>, vector<1x16xi32>,
    %get3A_183 = arith.constant 96 : index
    %get3A_184 = tpu.vector_load %arg12[%get3A_183] {strides = array<i32>} : memref<128xi32, #tpu.memory_space<vmem>>, vector<16xi32>,
    %get3A_185 = vector.shape_cast %get3A_184 : vector<16xi32> to vector<16xi32>
    %mul3A_186 = arith.constant 3600 : i32
    %mul3A_187 = vector.broadcast %mul3A_186 : i32 to vector<16xi32>
    %mul3A_188 = arith.muli %get3A_185, %mul3A_187 : vector<16xi32>
    %get3A_189 = arith.constant 96 : index
    %get3A_190 = tpu.vector_load %arg13[%get3A_189] {strides = array<i32>} : memref<128xi32, #tpu.memory_space<vmem>>, vector<16xi32>,
    %get3A_191 = vector.shape_cast %get3A_190 : vector<16xi32> to vector<16xi32>
    %mul3A_192 = arith.constant 20 : i32
    %mul3A_193 = vector.broadcast %mul3A_192 : i32 to vector<16xi32>
    %mul3A_194 = arith.muli %get3A_191, %mul3A_193 : vector<16xi32>
    %add3A_195 = arith.addi %mul3A_188, %mul3A_194 : vector<16xi32>
    %get3A_196 = arith.constant 96 : index
    %get3A_197 = tpu.vector_load %arg14[%get3A_196] {strides = array<i32>} : memref<128xi32, #tpu.memory_space<vmem>>, vector<16xi32>,
    %get3A_198 = vector.shape_cast %get3A_197 : vector<16xi32> to vector<16xi32>
    %add3A_199 = arith.addi %add3A_195, %get3A_198 : vector<16xi32>
    %swap3A_200 = arith.constant 0 : i32
    %swap3A_201 = arith.index_cast %swap3A_200 : i32 to index
    %swap3A_202 = arith.constant 96 : index
    %swap3A_203 = tpu.vector_load %arg15[%swap3A_201, %swap3A_202] {strides = array<i32>} : memref<2x128xi32, #tpu.memory_space<vmem>>, vector<1x16xi32>,
    %swap3A_204 = vector.shape_cast %swap3A_203 : vector<1x16xi32> to vector<16xi32>
    %swap3A_205 = vector.shape_cast %add3A_199 : vector<16xi32> to vector<1x16xi32>
    tpu.vector_store %arg15[%swap3A_201, %swap3A_202], %swap3A_205 {strides = array<i32>} : memref<2x128xi32, #tpu.memory_space<vmem>>, vector<1x16xi32>,
    %get3A_206 = arith.constant 112 : index
    %get3A_207 = tpu.vector_load %arg12[%get3A_206] {strides = array<i32>} : memref<128xi32, #tpu.memory_space<vmem>>, vector<16xi32>,
    %get3A_208 = vector.shape_cast %get3A_207 : vector<16xi32> to vector<16xi32>
    %mul3A_209 = arith.constant 3600 : i32
    %mul3A_210 = vector.broadcast %mul3A_209 : i32 to vector<16xi32>
    %mul3A_211 = arith.muli %get3A_208, %mul3A_210 : vector<16xi32>
    %get3A_212 = arith.constant 112 : index
    %get3A_213 = tpu.vector_load %arg13[%get3A_212] {strides = array<i32>} : memref<128xi32, #tpu.memory_space<vmem>>, vector<16xi32>,
    %get3A_214 = vector.shape_cast %get3A_213 : vector<16xi32> to vector<16xi32>
    %mul3A_215 = arith.constant 20 : i32
    %mul3A_216 = vector.broadcast %mul3A_215 : i32 to vector<16xi32>
    %mul3A_217 = arith.muli %get3A_214, %mul3A_216 : vector<16xi32>
    %add3A_218 = arith.addi %mul3A_211, %mul3A_217 : vector<16xi32>
    %get3A_219 = arith.constant 112 : index
    %get3A_220 = tpu.vector_load %arg14[%get3A_219] {strides = array<i32>} : memref<128xi32, #tpu.memory_space<vmem>>, vector<16xi32>,
    %get3A_221 = vector.shape_cast %get3A_220 : vector<16xi32> to vector<16xi32>
    %add3A_222 = arith.addi %add3A_218, %get3A_221 : vector<16xi32>
    %swap3A_223 = arith.constant 0 : i32
    %swap3A_224 = arith.index_cast %swap3A_223 : i32 to index
    %swap3A_225 = arith.constant 112 : index
    %swap3A_226 = tpu.vector_load %arg15[%swap3A_224, %swap3A_225] {strides = array<i32>} : memref<2x128xi32, #tpu.memory_space<vmem>>, vector<1x16xi32>,
    %swap3A_227 = vector.shape_cast %swap3A_226 : vector<1x16xi32> to vector<16xi32>
    %swap3A_228 = vector.shape_cast %add3A_222 : vector<16xi32> to vector<1x16xi32>
    tpu.vector_store %arg15[%swap3A_224, %swap3A_225], %swap3A_228 {strides = array<i32>} : memref<2x128xi32, #tpu.memory_space<vmem>>, vector<1x16xi32>,
    %dma_start3A = arith.constant 0 : i32
    %dma_start3A_229 = arith.constant 0 : i32
    %dma_start3A_230 = arith.constant 0 : i32
    %dma_start3A_231 = arith.constant 0 : i32
    %dma_start3A_232 = arith.constant 0 : i32
    %dma_start3A_233 = tpu.memref_slice %arg16[%dma_start3A_229, %dma_start3A_231, %dma_start3A_232] : memref<2x128x64xf32, #tpu.memory_space<vmem>> -> memref<1x128x64xf32, #tpu.memory_space<vmem>>
    %dma_start3A_234 = tpu.memref_squeeze %dma_start3A_233 : memref<1x128x64xf32, #tpu.memory_space<vmem>> -> memref<128x64xf32, #tpu.memory_space<vmem>>
    %dma_start3A_235 = arith.constant 0 : i32
    %dma_start3A_236 = tpu.memref_slice %arg11[%dma_start3A, %dma_start3A_235] : memref<2x128xi32, #tpu.memory_space<vmem>> -> memref<1x128xi32, #tpu.memory_space<vmem>>
    %dma_start3A_237 = tpu.memref_squeeze %dma_start3A_236 : memref<1x128xi32, #tpu.memory_space<vmem>> -> memref<128xi32, #tpu.memory_space<vmem>>
    %dma_start3A_238 = arith.constant 0 : i32
    %dma_start3A_239 = arith.constant 0 : i32
    %dma_start3A_240 = tpu.memref_slice %arg6[%dma_start3A_238, %dma_start3A_239] : memref<100000x64xf32, #tpu.memory_space<hbm>> -> memref<100000x64xf32, #tpu.memory_space<hbm>>
    %dma_start3A_241 = tpu.memref_slice %arg20[%dma_start3A_230] : memref<2x!tpu.dma_semaphore, #tpu.memory_space<semaphore_mem>> -> memref<1x!tpu.dma_semaphore, #tpu.memory_space<semaphore_mem>>
    %dma_start3A_242 = tpu.memref_squeeze %dma_start3A_241 : memref<1x!tpu.dma_semaphore, #tpu.memory_space<semaphore_mem>> -> memref<!tpu.dma_semaphore, #tpu.memory_space<semaphore_mem>>
    tpu.enqueue_indirect_dma source(%dma_start3A_240 : memref<100000x64xf32, #tpu.memory_space<hbm>>) target(%dma_start3A_234 : memref<128x64xf32, #tpu.memory_space<vmem>>) offsets(%dma_start3A_237 : memref<128xi32, #tpu.memory_space<vmem>>) semaphore(%dma_start3A_242 : memref<!tpu.dma_semaphore, #tpu.memory_space<semaphore_mem>>)
    %dma_start3A_243 = arith.constant 0 : i32
    %dma_start3A_244 = arith.constant 0 : i32
    %dma_start3A_245 = arith.constant 0 : i32
    %dma_start3A_246 = arith.constant 0 : i32
    %dma_start3A_247 = arith.constant 0 : i32
    %dma_start3A_248 = tpu.memref_slice %arg17[%dma_start3A_244, %dma_start3A_246, %dma_start3A_247] : memref<2x128x64xf32, #tpu.memory_space<vmem>> -> memref<1x128x64xf32, #tpu.memory_space<vmem>>
    %dma_start3A_249 = tpu.memref_squeeze %dma_start3A_248 : memref<1x128x64xf32, #tpu.memory_space<vmem>> -> memref<128x64xf32, #tpu.memory_space<vmem>>
    %dma_start3A_250 = arith.constant 0 : i32
    %dma_start3A_251 = tpu.memref_slice %arg15[%dma_start3A_243, %dma_start3A_250] : memref<2x128xi32, #tpu.memory_space<vmem>> -> memref<1x128xi32, #tpu.memory_space<vmem>>
    %dma_start3A_252 = tpu.memref_squeeze %dma_start3A_251 : memref<1x128xi32, #tpu.memory_space<vmem>> -> memref<128xi32, #tpu.memory_space<vmem>>
    %dma_start3A_253 = arith.constant 0 : i32
    %dma_start3A_254 = arith.constant 0 : i32
    %dma_start3A_255 = tpu.memref_slice %arg7[%dma_start3A_253, %dma_start3A_254] : memref<7200x64xf32, #tpu.memory_space<hbm>> -> memref<7200x64xf32, #tpu.memory_space<hbm>>
    %dma_start3A_256 = tpu.memref_slice %arg20[%dma_start3A_245] : memref<2x!tpu.dma_semaphore, #tpu.memory_space<semaphore_mem>> -> memref<1x!tpu.dma_semaphore, #tpu.memory_space<semaphore_mem>>
    %dma_start3A_257 = tpu.memref_squeeze %dma_start3A_256 : memref<1x!tpu.dma_semaphore, #tpu.memory_space<semaphore_mem>> -> memref<!tpu.dma_semaphore, #tpu.memory_space<semaphore_mem>>
    tpu.enqueue_indirect_dma source(%dma_start3A_255 : memref<7200x64xf32, #tpu.memory_space<hbm>>) target(%dma_start3A_249 : memref<128x64xf32, #tpu.memory_space<vmem>>) offsets(%dma_start3A_252 : memref<128xi32, #tpu.memory_space<vmem>>) semaphore(%dma_start3A_257 : memref<!tpu.dma_semaphore, #tpu.memory_space<semaphore_mem>>)
    %scan3A = arith.constant 0 : i32
    %scan3A_258 = arith.constant 0 : i32
    %scan3A_259 = arith.constant 25 : i32
    %scan3A_260 = arith.addi %scan3A_258, %scan3A_259 : i32
    %scan3A_261 = arith.constant 1 : i32
    scf.for %scan3A_298 = %scan3A_258 to %scan3A_260 step %scan3A_261  : i32 {
      %mul3A_299 = arith.constant 2 : i32
      %mul3A_300 = arith.muli %scan3A_298, %mul3A_299 : i32
      %add3A_301 = arith.constant 0 : i32
      %add3A_302 = arith.addi %mul3A_300, %add3A_301 : i32
      %add3A_303 = arith.constant 1 : i32
      %add3A_304 = arith.addi %add3A_302, %add3A_303 : i32
      %lt3A = arith.constant 50 : i32
      %lt3A_305 = arith.cmpi slt, %add3A_304, %lt3A : i32
      %convert_element_type3A = arith.extui %lt3A_305 : i1 to i32
      %cond3A = arith.constant 0 : i32
      %cond3A_306 = arith.cmpi ne, %convert_element_type3A, %cond3A : i32
      scf.if %cond3A_306 {
        %add3A_430 = arith.constant 1 : i32
        %add3A_431 = arith.addi %add3A_302, %add3A_430 : i32
        %mul3A_432 = arith.constant 128 : i32
        %mul3A_433 = arith.muli %add3A_431, %mul3A_432 : i32
        %add3A_434 = arith.addi %mul3A_2, %mul3A_433 : i32
        %run_scoped3A_435 = arith.constant 1 : i32
        "tpu.region"() ({
          %run_scoped3A_650 = tpu.sem_alloc : memref<!tpu.dma_semaphore, #tpu.memory_space<semaphore_mem>>
          %dma_start3A_651 = arith.constant 0 : i32
          %dma_start3A_652 = tpu.memref_slice %arg11[%run_scoped3A_435, %dma_start3A_651] : memref<2x128xi32, #tpu.memory_space<vmem>> -> memref<1x128xi32, #tpu.memory_space<vmem>>
          %dma_start3A_653 = tpu.memref_squeeze %dma_start3A_652 : memref<1x128xi32, #tpu.memory_space<vmem>> -> memref<128xi32, #tpu.memory_space<vmem>>
          %dma_start3A_654 = tpu.memref_slice %arg2[%add3A_434] : memref<204800xi32, #tpu.memory_space<hbm>> -> memref<128xi32, #tpu.memory_space<hbm>>
          %dma_start3A_655 = arith.constant 0 : i32
          %dma_start3A_656 = tpu.memref_slice %arg11[%run_scoped3A_435, %dma_start3A_655] : memref<2x128xi32, #tpu.memory_space<vmem>> -> memref<1x128xi32, #tpu.memory_space<vmem>>
          %dma_start3A_657 = tpu.memref_squeeze %dma_start3A_656 : memref<1x128xi32, #tpu.memory_space<vmem>> -> memref<128xi32, #tpu.memory_space<vmem>>
          %dma_start3A_658 = tpu.memref_slice %arg2[%add3A_434] : memref<204800xi32, #tpu.memory_space<hbm>> -> memref<128xi32, #tpu.memory_space<hbm>>
          tpu.enqueue_dma source(%dma_start3A_658 : memref<128xi32, #tpu.memory_space<hbm>>) target(%dma_start3A_657 : memref<128xi32, #tpu.memory_space<vmem>>) target_semaphore(%run_scoped3A_650 : memref<!tpu.dma_semaphore, #tpu.memory_space<semaphore_mem>>)
          %dma_wait3A_659 = arith.constant 0 : i32
          %dma_wait3A_660 = tpu.memref_slice %arg11[%run_scoped3A_435, %dma_wait3A_659] : memref<2x128xi32, #tpu.memory_space<vmem>> -> memref<1x128xi32, #tpu.memory_space<vmem>>
          %dma_wait3A_661 = tpu.memref_squeeze %dma_wait3A_660 : memref<1x128xi32, #tpu.memory_space<vmem>> -> memref<128xi32, #tpu.memory_space<vmem>>
          %dma_wait3A_662 = tpu.memref_slice %arg2[%add3A_434] : memref<204800xi32, #tpu.memory_space<hbm>> -> memref<128xi32, #tpu.memory_space<hbm>>
          %dma_wait3A_663 = arith.constant 0 : i32
          %dma_wait3A_664 = tpu.memref_slice %arg11[%run_scoped3A_435, %dma_wait3A_663] : memref<2x128xi32, #tpu.memory_space<vmem>> -> memref<1x128xi32, #tpu.memory_space<vmem>>
          %dma_wait3A_665 = tpu.memref_squeeze %dma_wait3A_664 : memref<1x128xi32, #tpu.memory_space<vmem>> -> memref<128xi32, #tpu.memory_space<vmem>>
          %dma_wait3A_666 = tpu.memref_slice %arg2[%add3A_434] : memref<204800xi32, #tpu.memory_space<hbm>> -> memref<128xi32, #tpu.memory_space<hbm>>
          tpu.wait_dma2 semaphore(%run_scoped3A_650 : memref<!tpu.dma_semaphore, #tpu.memory_space<semaphore_mem>>) src(%dma_wait3A_666 : memref<128xi32, #tpu.memory_space<hbm>>) dst(%dma_wait3A_665 : memref<128xi32, #tpu.memory_space<vmem>>)
          tpu.yield
        }) : () -> ()
        "tpu.region"() ({
          %run_scoped3A_650 = tpu.sem_alloc : memref<!tpu.dma_semaphore, #tpu.memory_space<semaphore_mem>>
          %dma_start3A_651 = tpu.memref_slice %arg3[%add3A_434] : memref<204800xi32, #tpu.memory_space<hbm>> -> memref<128xi32, #tpu.memory_space<hbm>>
          %dma_start3A_652 = tpu.memref_slice %arg3[%add3A_434] : memref<204800xi32, #tpu.memory_space<hbm>> -> memref<128xi32, #tpu.memory_space<hbm>>
          tpu.enqueue_dma source(%dma_start3A_652 : memref<128xi32, #tpu.memory_space<hbm>>) target(%arg12 : memref<128xi32, #tpu.memory_space<vmem>>) target_semaphore(%run_scoped3A_650 : memref<!tpu.dma_semaphore, #tpu.memory_space<semaphore_mem>>)
          %dma_wait3A_653 = tpu.memref_slice %arg3[%add3A_434] : memref<204800xi32, #tpu.memory_space<hbm>> -> memref<128xi32, #tpu.memory_space<hbm>>
          %dma_wait3A_654 = tpu.memref_slice %arg3[%add3A_434] : memref<204800xi32, #tpu.memory_space<hbm>> -> memref<128xi32, #tpu.memory_space<hbm>>
          tpu.wait_dma2 semaphore(%run_scoped3A_650 : memref<!tpu.dma_semaphore, #tpu.memory_space<semaphore_mem>>) src(%dma_wait3A_654 : memref<128xi32, #tpu.memory_space<hbm>>) dst(%arg12 : memref<128xi32, #tpu.memory_space<vmem>>)
          tpu.yield
        }) : () -> ()
        "tpu.region"() ({
          %run_scoped3A_650 = tpu.sem_alloc : memref<!tpu.dma_semaphore, #tpu.memory_space<semaphore_mem>>
          %dma_start3A_651 = tpu.memref_slice %arg4[%add3A_434] : memref<204800xi32, #tpu.memory_space<hbm>> -> memref<128xi32, #tpu.memory_space<hbm>>
          %dma_start3A_652 = tpu.memref_slice %arg4[%add3A_434] : memref<204800xi32, #tpu.memory_space<hbm>> -> memref<128xi32, #tpu.memory_space<hbm>>
          tpu.enqueue_dma source(%dma_start3A_652 : memref<128xi32, #tpu.memory_space<hbm>>) target(%arg13 : memref<128xi32, #tpu.memory_space<vmem>>) target_semaphore(%run_scoped3A_650 : memref<!tpu.dma_semaphore, #tpu.memory_space<semaphore_mem>>)
          %dma_wait3A_653 = tpu.memref_slice %arg4[%add3A_434] : memref<204800xi32, #tpu.memory_space<hbm>> -> memref<128xi32, #tpu.memory_space<hbm>>
          %dma_wait3A_654 = tpu.memref_slice %arg4[%add3A_434] : memref<204800xi32, #tpu.memory_space<hbm>> -> memref<128xi32, #tpu.memory_space<hbm>>
          tpu.wait_dma2 semaphore(%run_scoped3A_650 : memref<!tpu.dma_semaphore, #tpu.memory_space<semaphore_mem>>) src(%dma_wait3A_654 : memref<128xi32, #tpu.memory_space<hbm>>) dst(%arg13 : memref<128xi32, #tpu.memory_space<vmem>>)
          tpu.yield
        }) : () -> ()
        "tpu.region"() ({
          %run_scoped3A_650 = tpu.sem_alloc : memref<!tpu.dma_semaphore, #tpu.memory_space<semaphore_mem>>
          %dma_start3A_651 = tpu.memref_slice %arg5[%add3A_434] : memref<204800xi32, #tpu.memory_space<hbm>> -> memref<128xi32, #tpu.memory_space<hbm>>
          %dma_start3A_652 = tpu.memref_slice %arg5[%add3A_434] : memref<204800xi32, #tpu.memory_space<hbm>> -> memref<128xi32, #tpu.memory_space<hbm>>
          tpu.enqueue_dma source(%dma_start3A_652 : memref<128xi32, #tpu.memory_space<hbm>>) target(%arg14 : memref<128xi32, #tpu.memory_space<vmem>>) target_semaphore(%run_scoped3A_650 : memref<!tpu.dma_semaphore, #tpu.memory_space<semaphore_mem>>)
          %dma_wait3A_653 = tpu.memref_slice %arg5[%add3A_434] : memref<204800xi32, #tpu.memory_space<hbm>> -> memref<128xi32, #tpu.memory_space<hbm>>
          %dma_wait3A_654 = tpu.memref_slice %arg5[%add3A_434] : memref<204800xi32, #tpu.memory_space<hbm>> -> memref<128xi32, #tpu.memory_space<hbm>>
          tpu.wait_dma2 semaphore(%run_scoped3A_650 : memref<!tpu.dma_semaphore, #tpu.memory_space<semaphore_mem>>) src(%dma_wait3A_654 : memref<128xi32, #tpu.memory_space<hbm>>) dst(%arg14 : memref<128xi32, #tpu.memory_space<vmem>>)
          tpu.yield
        }) : () -> ()
        %get3A_436 = arith.constant 0 : index
        %get3A_437 = tpu.vector_load %arg12[%get3A_436] {strides = array<i32>} : memref<128xi32, #tpu.memory_space<vmem>>, vector<16xi32>,
        %get3A_438 = vector.shape_cast %get3A_437 : vector<16xi32> to vector<16xi32>
        %mul3A_439 = arith.constant 3600 : i32
        %mul3A_440 = vector.broadcast %mul3A_439 : i32 to vector<16xi32>
        %mul3A_441 = arith.muli %get3A_438, %mul3A_440 : vector<16xi32>
        %get3A_442 = arith.constant 0 : index
        %get3A_443 = tpu.vector_load %arg13[%get3A_442] {strides = array<i32>} : memref<128xi32, #tpu.memory_space<vmem>>, vector<16xi32>,
        %get3A_444 = vector.shape_cast %get3A_443 : vector<16xi32> to vector<16xi32>
        %mul3A_445 = arith.constant 20 : i32
        %mul3A_446 = vector.broadcast %mul3A_445 : i32 to vector<16xi32>
        %mul3A_447 = arith.muli %get3A_444, %mul3A_446 : vector<16xi32>
        %add3A_448 = arith.addi %mul3A_441, %mul3A_447 : vector<16xi32>
        %get3A_449 = arith.constant 0 : index
        %get3A_450 = tpu.vector_load %arg14[%get3A_449] {strides = array<i32>} : memref<128xi32, #tpu.memory_space<vmem>>, vector<16xi32>,
        %get3A_451 = vector.shape_cast %get3A_450 : vector<16xi32> to vector<16xi32>
        %add3A_452 = arith.addi %add3A_448, %get3A_451 : vector<16xi32>
        %swap3A_453 = arith.constant 1 : i32
        %swap3A_454 = arith.index_cast %swap3A_453 : i32 to index
        %swap3A_455 = arith.constant 0 : index
        %swap3A_456 = tpu.vector_load %arg15[%swap3A_454, %swap3A_455] {strides = array<i32>} : memref<2x128xi32, #tpu.memory_space<vmem>>, vector<1x16xi32>,
        %swap3A_457 = vector.shape_cast %swap3A_456 : vector<1x16xi32> to vector<16xi32>
        %swap3A_458 = vector.shape_cast %add3A_452 : vector<16xi32> to vector<1x16xi32>
        tpu.vector_store %arg15[%swap3A_454, %swap3A_455], %swap3A_458 {strides = array<i32>} : memref<2x128xi32, #tpu.memory_space<vmem>>, vector<1x16xi32>,
        %get3A_459 = arith.constant 16 : index
        %get3A_460 = tpu.vector_load %arg12[%get3A_459] {strides = array<i32>} : memref<128xi32, #tpu.memory_space<vmem>>, vector<16xi32>,
        %get3A_461 = vector.shape_cast %get3A_460 : vector<16xi32> to vector<16xi32>
        %mul3A_462 = arith.constant 3600 : i32
        %mul3A_463 = vector.broadcast %mul3A_462 : i32 to vector<16xi32>
        %mul3A_464 = arith.muli %get3A_461, %mul3A_463 : vector<16xi32>
        %get3A_465 = arith.constant 16 : index
        %get3A_466 = tpu.vector_load %arg13[%get3A_465] {strides = array<i32>} : memref<128xi32, #tpu.memory_space<vmem>>, vector<16xi32>,
        %get3A_467 = vector.shape_cast %get3A_466 : vector<16xi32> to vector<16xi32>
        %mul3A_468 = arith.constant 20 : i32
        %mul3A_469 = vector.broadcast %mul3A_468 : i32 to vector<16xi32>
        %mul3A_470 = arith.muli %get3A_467, %mul3A_469 : vector<16xi32>
        %add3A_471 = arith.addi %mul3A_464, %mul3A_470 : vector<16xi32>
        %get3A_472 = arith.constant 16 : index
        %get3A_473 = tpu.vector_load %arg14[%get3A_472] {strides = array<i32>} : memref<128xi32, #tpu.memory_space<vmem>>, vector<16xi32>,
        %get3A_474 = vector.shape_cast %get3A_473 : vector<16xi32> to vector<16xi32>
        %add3A_475 = arith.addi %add3A_471, %get3A_474 : vector<16xi32>
        %swap3A_476 = arith.constant 1 : i32
        %swap3A_477 = arith.index_cast %swap3A_476 : i32 to index
        %swap3A_478 = arith.constant 16 : index
        %swap3A_479 = tpu.vector_load %arg15[%swap3A_477, %swap3A_478] {strides = array<i32>} : memref<2x128xi32, #tpu.memory_space<vmem>>, vector<1x16xi32>,
        %swap3A_480 = vector.shape_cast %swap3A_479 : vector<1x16xi32> to vector<16xi32>
        %swap3A_481 = vector.shape_cast %add3A_475 : vector<16xi32> to vector<1x16xi32>
        tpu.vector_store %arg15[%swap3A_477, %swap3A_478], %swap3A_481 {strides = array<i32>} : memref<2x128xi32, #tpu.memory_space<vmem>>, vector<1x16xi32>,
        %get3A_482 = arith.constant 32 : index
        %get3A_483 = tpu.vector_load %arg12[%get3A_482] {strides = array<i32>} : memref<128xi32, #tpu.memory_space<vmem>>, vector<16xi32>,
        %get3A_484 = vector.shape_cast %get3A_483 : vector<16xi32> to vector<16xi32>
        %mul3A_485 = arith.constant 3600 : i32
        %mul3A_486 = vector.broadcast %mul3A_485 : i32 to vector<16xi32>
        %mul3A_487 = arith.muli %get3A_484, %mul3A_486 : vector<16xi32>
        %get3A_488 = arith.constant 32 : index
        %get3A_489 = tpu.vector_load %arg13[%get3A_488] {strides = array<i32>} : memref<128xi32, #tpu.memory_space<vmem>>, vector<16xi32>,
        %get3A_490 = vector.shape_cast %get3A_489 : vector<16xi32> to vector<16xi32>
        %mul3A_491 = arith.constant 20 : i32
        %mul3A_492 = vector.broadcast %mul3A_491 : i32 to vector<16xi32>
        %mul3A_493 = arith.muli %get3A_490, %mul3A_492 : vector<16xi32>
        %add3A_494 = arith.addi %mul3A_487, %mul3A_493 : vector<16xi32>
        %get3A_495 = arith.constant 32 : index
        %get3A_496 = tpu.vector_load %arg14[%get3A_495] {strides = array<i32>} : memref<128xi32, #tpu.memory_space<vmem>>, vector<16xi32>,
        %get3A_497 = vector.shape_cast %get3A_496 : vector<16xi32> to vector<16xi32>
        %add3A_498 = arith.addi %add3A_494, %get3A_497 : vector<16xi32>
        %swap3A_499 = arith.constant 1 : i32
        %swap3A_500 = arith.index_cast %swap3A_499 : i32 to index
        %swap3A_501 = arith.constant 32 : index
        %swap3A_502 = tpu.vector_load %arg15[%swap3A_500, %swap3A_501] {strides = array<i32>} : memref<2x128xi32, #tpu.memory_space<vmem>>, vector<1x16xi32>,
        %swap3A_503 = vector.shape_cast %swap3A_502 : vector<1x16xi32> to vector<16xi32>
        %swap3A_504 = vector.shape_cast %add3A_498 : vector<16xi32> to vector<1x16xi32>
        tpu.vector_store %arg15[%swap3A_500, %swap3A_501], %swap3A_504 {strides = array<i32>} : memref<2x128xi32, #tpu.memory_space<vmem>>, vector<1x16xi32>,
        %get3A_505 = arith.constant 48 : index
        %get3A_506 = tpu.vector_load %arg12[%get3A_505] {strides = array<i32>} : memref<128xi32, #tpu.memory_space<vmem>>, vector<16xi32>,
        %get3A_507 = vector.shape_cast %get3A_506 : vector<16xi32> to vector<16xi32>
        %mul3A_508 = arith.constant 3600 : i32
        %mul3A_509 = vector.broadcast %mul3A_508 : i32 to vector<16xi32>
        %mul3A_510 = arith.muli %get3A_507, %mul3A_509 : vector<16xi32>
        %get3A_511 = arith.constant 48 : index
        %get3A_512 = tpu.vector_load %arg13[%get3A_511] {strides = array<i32>} : memref<128xi32, #tpu.memory_space<vmem>>, vector<16xi32>,
        %get3A_513 = vector.shape_cast %get3A_512 : vector<16xi32> to vector<16xi32>
        %mul3A_514 = arith.constant 20 : i32
        %mul3A_515 = vector.broadcast %mul3A_514 : i32 to vector<16xi32>
        %mul3A_516 = arith.muli %get3A_513, %mul3A_515 : vector<16xi32>
        %add3A_517 = arith.addi %mul3A_510, %mul3A_516 : vector<16xi32>
        %get3A_518 = arith.constant 48 : index
        %get3A_519 = tpu.vector_load %arg14[%get3A_518] {strides = array<i32>} : memref<128xi32, #tpu.memory_space<vmem>>, vector<16xi32>,
        %get3A_520 = vector.shape_cast %get3A_519 : vector<16xi32> to vector<16xi32>
        %add3A_521 = arith.addi %add3A_517, %get3A_520 : vector<16xi32>
        %swap3A_522 = arith.constant 1 : i32
        %swap3A_523 = arith.index_cast %swap3A_522 : i32 to index
        %swap3A_524 = arith.constant 48 : index
        %swap3A_525 = tpu.vector_load %arg15[%swap3A_523, %swap3A_524] {strides = array<i32>} : memref<2x128xi32, #tpu.memory_space<vmem>>, vector<1x16xi32>,
        %swap3A_526 = vector.shape_cast %swap3A_525 : vector<1x16xi32> to vector<16xi32>
        %swap3A_527 = vector.shape_cast %add3A_521 : vector<16xi32> to vector<1x16xi32>
        tpu.vector_store %arg15[%swap3A_523, %swap3A_524], %swap3A_527 {strides = array<i32>} : memref<2x128xi32, #tpu.memory_space<vmem>>, vector<1x16xi32>,
        %get3A_528 = arith.constant 64 : index
        %get3A_529 = tpu.vector_load %arg12[%get3A_528] {strides = array<i32>} : memref<128xi32, #tpu.memory_space<vmem>>, vector<16xi32>,
        %get3A_530 = vector.shape_cast %get3A_529 : vector<16xi32> to vector<16xi32>
        %mul3A_531 = arith.constant 3600 : i32
        %mul3A_532 = vector.broadcast %mul3A_531 : i32 to vector<16xi32>
        %mul3A_533 = arith.muli %get3A_530, %mul3A_532 : vector<16xi32>
        %get3A_534 = arith.constant 64 : index
        %get3A_535 = tpu.vector_load %arg13[%get3A_534] {strides = array<i32>} : memref<128xi32, #tpu.memory_space<vmem>>, vector<16xi32>,
        %get3A_536 = vector.shape_cast %get3A_535 : vector<16xi32> to vector<16xi32>
        %mul3A_537 = arith.constant 20 : i32
        %mul3A_538 = vector.broadcast %mul3A_537 : i32 to vector<16xi32>
        %mul3A_539 = arith.muli %get3A_536, %mul3A_538 : vector<16xi32>
        %add3A_540 = arith.addi %mul3A_533, %mul3A_539 : vector<16xi32>
        %get3A_541 = arith.constant 64 : index
        %get3A_542 = tpu.vector_load %arg14[%get3A_541] {strides = array<i32>} : memref<128xi32, #tpu.memory_space<vmem>>, vector<16xi32>,
        %get3A_543 = vector.shape_cast %get3A_542 : vector<16xi32> to vector<16xi32>
        %add3A_544 = arith.addi %add3A_540, %get3A_543 : vector<16xi32>
        %swap3A_545 = arith.constant 1 : i32
        %swap3A_546 = arith.index_cast %swap3A_545 : i32 to index
        %swap3A_547 = arith.constant 64 : index
        %swap3A_548 = tpu.vector_load %arg15[%swap3A_546, %swap3A_547] {strides = array<i32>} : memref<2x128xi32, #tpu.memory_space<vmem>>, vector<1x16xi32>,
        %swap3A_549 = vector.shape_cast %swap3A_548 : vector<1x16xi32> to vector<16xi32>
        %swap3A_550 = vector.shape_cast %add3A_544 : vector<16xi32> to vector<1x16xi32>
        tpu.vector_store %arg15[%swap3A_546, %swap3A_547], %swap3A_550 {strides = array<i32>} : memref<2x128xi32, #tpu.memory_space<vmem>>, vector<1x16xi32>,
        %get3A_551 = arith.constant 80 : index
        %get3A_552 = tpu.vector_load %arg12[%get3A_551] {strides = array<i32>} : memref<128xi32, #tpu.memory_space<vmem>>, vector<16xi32>,
        %get3A_553 = vector.shape_cast %get3A_552 : vector<16xi32> to vector<16xi32>
        %mul3A_554 = arith.constant 3600 : i32
        %mul3A_555 = vector.broadcast %mul3A_554 : i32 to vector<16xi32>
        %mul3A_556 = arith.muli %get3A_553, %mul3A_555 : vector<16xi32>
        %get3A_557 = arith.constant 80 : index
        %get3A_558 = tpu.vector_load %arg13[%get3A_557] {strides = array<i32>} : memref<128xi32, #tpu.memory_space<vmem>>, vector<16xi32>,
        %get3A_559 = vector.shape_cast %get3A_558 : vector<16xi32> to vector<16xi32>
        %mul3A_560 = arith.constant 20 : i32
        %mul3A_561 = vector.broadcast %mul3A_560 : i32 to vector<16xi32>
        %mul3A_562 = arith.muli %get3A_559, %mul3A_561 : vector<16xi32>
        %add3A_563 = arith.addi %mul3A_556, %mul3A_562 : vector<16xi32>
        %get3A_564 = arith.constant 80 : index
        %get3A_565 = tpu.vector_load %arg14[%get3A_564] {strides = array<i32>} : memref<128xi32, #tpu.memory_space<vmem>>, vector<16xi32>,
        %get3A_566 = vector.shape_cast %get3A_565 : vector<16xi32> to vector<16xi32>
        %add3A_567 = arith.addi %add3A_563, %get3A_566 : vector<16xi32>
        %swap3A_568 = arith.constant 1 : i32
        %swap3A_569 = arith.index_cast %swap3A_568 : i32 to index
        %swap3A_570 = arith.constant 80 : index
        %swap3A_571 = tpu.vector_load %arg15[%swap3A_569, %swap3A_570] {strides = array<i32>} : memref<2x128xi32, #tpu.memory_space<vmem>>, vector<1x16xi32>,
        %swap3A_572 = vector.shape_cast %swap3A_571 : vector<1x16xi32> to vector<16xi32>
        %swap3A_573 = vector.shape_cast %add3A_567 : vector<16xi32> to vector<1x16xi32>
        tpu.vector_store %arg15[%swap3A_569, %swap3A_570], %swap3A_573 {strides = array<i32>} : memref<2x128xi32, #tpu.memory_space<vmem>>, vector<1x16xi32>,
        %get3A_574 = arith.constant 96 : index
        %get3A_575 = tpu.vector_load %arg12[%get3A_574] {strides = array<i32>} : memref<128xi32, #tpu.memory_space<vmem>>, vector<16xi32>,
        %get3A_576 = vector.shape_cast %get3A_575 : vector<16xi32> to vector<16xi32>
        %mul3A_577 = arith.constant 3600 : i32
        %mul3A_578 = vector.broadcast %mul3A_577 : i32 to vector<16xi32>
        %mul3A_579 = arith.muli %get3A_576, %mul3A_578 : vector<16xi32>
        %get3A_580 = arith.constant 96 : index
        %get3A_581 = tpu.vector_load %arg13[%get3A_580] {strides = array<i32>} : memref<128xi32, #tpu.memory_space<vmem>>, vector<16xi32>,
        %get3A_582 = vector.shape_cast %get3A_581 : vector<16xi32> to vector<16xi32>
        %mul3A_583 = arith.constant 20 : i32
        %mul3A_584 = vector.broadcast %mul3A_583 : i32 to vector<16xi32>
        %mul3A_585 = arith.muli %get3A_582, %mul3A_584 : vector<16xi32>
        %add3A_586 = arith.addi %mul3A_579, %mul3A_585 : vector<16xi32>
        %get3A_587 = arith.constant 96 : index
        %get3A_588 = tpu.vector_load %arg14[%get3A_587] {strides = array<i32>} : memref<128xi32, #tpu.memory_space<vmem>>, vector<16xi32>,
        %get3A_589 = vector.shape_cast %get3A_588 : vector<16xi32> to vector<16xi32>
        %add3A_590 = arith.addi %add3A_586, %get3A_589 : vector<16xi32>
        %swap3A_591 = arith.constant 1 : i32
        %swap3A_592 = arith.index_cast %swap3A_591 : i32 to index
        %swap3A_593 = arith.constant 96 : index
        %swap3A_594 = tpu.vector_load %arg15[%swap3A_592, %swap3A_593] {strides = array<i32>} : memref<2x128xi32, #tpu.memory_space<vmem>>, vector<1x16xi32>,
        %swap3A_595 = vector.shape_cast %swap3A_594 : vector<1x16xi32> to vector<16xi32>
        %swap3A_596 = vector.shape_cast %add3A_590 : vector<16xi32> to vector<1x16xi32>
        tpu.vector_store %arg15[%swap3A_592, %swap3A_593], %swap3A_596 {strides = array<i32>} : memref<2x128xi32, #tpu.memory_space<vmem>>, vector<1x16xi32>,
        %get3A_597 = arith.constant 112 : index
        %get3A_598 = tpu.vector_load %arg12[%get3A_597] {strides = array<i32>} : memref<128xi32, #tpu.memory_space<vmem>>, vector<16xi32>,
        %get3A_599 = vector.shape_cast %get3A_598 : vector<16xi32> to vector<16xi32>
        %mul3A_600 = arith.constant 3600 : i32
        %mul3A_601 = vector.broadcast %mul3A_600 : i32 to vector<16xi32>
        %mul3A_602 = arith.muli %get3A_599, %mul3A_601 : vector<16xi32>
        %get3A_603 = arith.constant 112 : index
        %get3A_604 = tpu.vector_load %arg13[%get3A_603] {strides = array<i32>} : memref<128xi32, #tpu.memory_space<vmem>>, vector<16xi32>,
        %get3A_605 = vector.shape_cast %get3A_604 : vector<16xi32> to vector<16xi32>
        %mul3A_606 = arith.constant 20 : i32
        %mul3A_607 = vector.broadcast %mul3A_606 : i32 to vector<16xi32>
        %mul3A_608 = arith.muli %get3A_605, %mul3A_607 : vector<16xi32>
        %add3A_609 = arith.addi %mul3A_602, %mul3A_608 : vector<16xi32>
        %get3A_610 = arith.constant 112 : index
        %get3A_611 = tpu.vector_load %arg14[%get3A_610] {strides = array<i32>} : memref<128xi32, #tpu.memory_space<vmem>>, vector<16xi32>,
        %get3A_612 = vector.shape_cast %get3A_611 : vector<16xi32> to vector<16xi32>
        %add3A_613 = arith.addi %add3A_609, %get3A_612 : vector<16xi32>
        %swap3A_614 = arith.constant 1 : i32
        %swap3A_615 = arith.index_cast %swap3A_614 : i32 to index
        %swap3A_616 = arith.constant 112 : index
        %swap3A_617 = tpu.vector_load %arg15[%swap3A_615, %swap3A_616] {strides = array<i32>} : memref<2x128xi32, #tpu.memory_space<vmem>>, vector<1x16xi32>,
        %swap3A_618 = vector.shape_cast %swap3A_617 : vector<1x16xi32> to vector<16xi32>
        %swap3A_619 = vector.shape_cast %add3A_613 : vector<16xi32> to vector<1x16xi32>
        tpu.vector_store %arg15[%swap3A_615, %swap3A_616], %swap3A_619 {strides = array<i32>} : memref<2x128xi32, #tpu.memory_space<vmem>>, vector<1x16xi32>,
        %dma_start3A_620 = arith.constant 1 : i32
        %dma_start3A_621 = arith.constant 1 : i32
        %dma_start3A_622 = arith.constant 1 : i32
        %dma_start3A_623 = arith.constant 0 : i32
        %dma_start3A_624 = arith.constant 0 : i32
        %dma_start3A_625 = tpu.memref_slice %arg16[%dma_start3A_621, %dma_start3A_623, %dma_start3A_624] : memref<2x128x64xf32, #tpu.memory_space<vmem>> -> memref<1x128x64xf32, #tpu.memory_space<vmem>>
        %dma_start3A_626 = tpu.memref_squeeze %dma_start3A_625 : memref<1x128x64xf32, #tpu.memory_space<vmem>> -> memref<128x64xf32, #tpu.memory_space<vmem>>
        %dma_start3A_627 = arith.constant 0 : i32
        %dma_start3A_628 = tpu.memref_slice %arg11[%dma_start3A_620, %dma_start3A_627] : memref<2x128xi32, #tpu.memory_space<vmem>> -> memref<1x128xi32, #tpu.memory_space<vmem>>
        %dma_start3A_629 = tpu.memref_squeeze %dma_start3A_628 : memref<1x128xi32, #tpu.memory_space<vmem>> -> memref<128xi32, #tpu.memory_space<vmem>>
        %dma_start3A_630 = arith.constant 0 : i32
        %dma_start3A_631 = arith.constant 0 : i32
        %dma_start3A_632 = tpu.memref_slice %arg6[%dma_start3A_630, %dma_start3A_631] : memref<100000x64xf32, #tpu.memory_space<hbm>> -> memref<100000x64xf32, #tpu.memory_space<hbm>>
        %dma_start3A_633 = tpu.memref_slice %arg20[%dma_start3A_622] : memref<2x!tpu.dma_semaphore, #tpu.memory_space<semaphore_mem>> -> memref<1x!tpu.dma_semaphore, #tpu.memory_space<semaphore_mem>>
        %dma_start3A_634 = tpu.memref_squeeze %dma_start3A_633 : memref<1x!tpu.dma_semaphore, #tpu.memory_space<semaphore_mem>> -> memref<!tpu.dma_semaphore, #tpu.memory_space<semaphore_mem>>
        tpu.enqueue_indirect_dma source(%dma_start3A_632 : memref<100000x64xf32, #tpu.memory_space<hbm>>) target(%dma_start3A_626 : memref<128x64xf32, #tpu.memory_space<vmem>>) offsets(%dma_start3A_629 : memref<128xi32, #tpu.memory_space<vmem>>) semaphore(%dma_start3A_634 : memref<!tpu.dma_semaphore, #tpu.memory_space<semaphore_mem>>)
        %dma_start3A_635 = arith.constant 1 : i32
        %dma_start3A_636 = arith.constant 1 : i32
        %dma_start3A_637 = arith.constant 1 : i32
        %dma_start3A_638 = arith.constant 0 : i32
        %dma_start3A_639 = arith.constant 0 : i32
        %dma_start3A_640 = tpu.memref_slice %arg17[%dma_start3A_636, %dma_start3A_638, %dma_start3A_639] : memref<2x128x64xf32, #tpu.memory_space<vmem>> -> memref<1x128x64xf32, #tpu.memory_space<vmem>>
        %dma_start3A_641 = tpu.memref_squeeze %dma_start3A_640 : memref<1x128x64xf32, #tpu.memory_space<vmem>> -> memref<128x64xf32, #tpu.memory_space<vmem>>
        %dma_start3A_642 = arith.constant 0 : i32
        %dma_start3A_643 = tpu.memref_slice %arg15[%dma_start3A_635, %dma_start3A_642] : memref<2x128xi32, #tpu.memory_space<vmem>> -> memref<1x128xi32, #tpu.memory_space<vmem>>
        %dma_start3A_644 = tpu.memref_squeeze %dma_start3A_643 : memref<1x128xi32, #tpu.memory_space<vmem>> -> memref<128xi32, #tpu.memory_space<vmem>>
        %dma_start3A_645 = arith.constant 0 : i32
        %dma_start3A_646 = arith.constant 0 : i32
        %dma_start3A_647 = tpu.memref_slice %arg7[%dma_start3A_645, %dma_start3A_646] : memref<7200x64xf32, #tpu.memory_space<hbm>> -> memref<7200x64xf32, #tpu.memory_space<hbm>>
        %dma_start3A_648 = tpu.memref_slice %arg20[%dma_start3A_637] : memref<2x!tpu.dma_semaphore, #tpu.memory_space<semaphore_mem>> -> memref<1x!tpu.dma_semaphore, #tpu.memory_space<semaphore_mem>>
        %dma_start3A_649 = tpu.memref_squeeze %dma_start3A_648 : memref<1x!tpu.dma_semaphore, #tpu.memory_space<semaphore_mem>> -> memref<!tpu.dma_semaphore, #tpu.memory_space<semaphore_mem>>
        tpu.enqueue_indirect_dma source(%dma_start3A_647 : memref<7200x64xf32, #tpu.memory_space<hbm>>) target(%dma_start3A_641 : memref<128x64xf32, #tpu.memory_space<vmem>>) offsets(%dma_start3A_644 : memref<128xi32, #tpu.memory_space<vmem>>) semaphore(%dma_start3A_649 : memref<!tpu.dma_semaphore, #tpu.memory_space<semaphore_mem>>)
      } else {
      }
      %dma_wait3A_307 = arith.constant 0 : i32
      %dma_wait3A_308 = arith.constant 0 : i32
      %dma_wait3A_309 = arith.constant 0 : i32
      %dma_wait3A_310 = arith.constant 0 : i32
      %dma_wait3A_311 = arith.constant 0 : i32
      %dma_wait3A_312 = tpu.memref_slice %arg16[%dma_wait3A_308, %dma_wait3A_310, %dma_wait3A_311] : memref<2x128x64xf32, #tpu.memory_space<vmem>> -> memref<1x128x64xf32, #tpu.memory_space<vmem>>
      %dma_wait3A_313 = tpu.memref_squeeze %dma_wait3A_312 : memref<1x128x64xf32, #tpu.memory_space<vmem>> -> memref<128x64xf32, #tpu.memory_space<vmem>>
      %dma_wait3A_314 = arith.constant 0 : i32
      %dma_wait3A_315 = tpu.memref_slice %arg11[%dma_wait3A_307, %dma_wait3A_314] : memref<2x128xi32, #tpu.memory_space<vmem>> -> memref<1x128xi32, #tpu.memory_space<vmem>>
      %dma_wait3A_316 = tpu.memref_squeeze %dma_wait3A_315 : memref<1x128xi32, #tpu.memory_space<vmem>> -> memref<128xi32, #tpu.memory_space<vmem>>
      %dma_wait3A_317 = arith.constant 0 : i32
      %dma_wait3A_318 = arith.constant 0 : i32
      %dma_wait3A_319 = tpu.memref_slice %arg6[%dma_wait3A_317, %dma_wait3A_318] : memref<100000x64xf32, #tpu.memory_space<hbm>> -> memref<100000x64xf32, #tpu.memory_space<hbm>>
      %dma_wait3A_320 = tpu.memref_slice %arg20[%dma_wait3A_309] : memref<2x!tpu.dma_semaphore, #tpu.memory_space<semaphore_mem>> -> memref<1x!tpu.dma_semaphore, #tpu.memory_space<semaphore_mem>>
      %dma_wait3A_321 = tpu.memref_squeeze %dma_wait3A_320 : memref<1x!tpu.dma_semaphore, #tpu.memory_space<semaphore_mem>> -> memref<!tpu.dma_semaphore, #tpu.memory_space<semaphore_mem>>
      tpu.wait_indirect_dma semaphore(%dma_wait3A_321 : memref<!tpu.dma_semaphore, #tpu.memory_space<semaphore_mem>>) src(%dma_wait3A_319 : memref<100000x64xf32, #tpu.memory_space<hbm>>) dst(%dma_wait3A_313 : memref<128x64xf32, #tpu.memory_space<vmem>>)
      %dma_wait3A_322 = arith.constant 0 : i32
      %dma_wait3A_323 = arith.constant 0 : i32
      %dma_wait3A_324 = arith.constant 0 : i32
      %dma_wait3A_325 = arith.constant 0 : i32
      %dma_wait3A_326 = arith.constant 0 : i32
      %dma_wait3A_327 = tpu.memref_slice %arg17[%dma_wait3A_323, %dma_wait3A_325, %dma_wait3A_326] : memref<2x128x64xf32, #tpu.memory_space<vmem>> -> memref<1x128x64xf32, #tpu.memory_space<vmem>>
      %dma_wait3A_328 = tpu.memref_squeeze %dma_wait3A_327 : memref<1x128x64xf32, #tpu.memory_space<vmem>> -> memref<128x64xf32, #tpu.memory_space<vmem>>
      %dma_wait3A_329 = arith.constant 0 : i32
      %dma_wait3A_330 = tpu.memref_slice %arg15[%dma_wait3A_322, %dma_wait3A_329] : memref<2x128xi32, #tpu.memory_space<vmem>> -> memref<1x128xi32, #tpu.memory_space<vmem>>
      %dma_wait3A_331 = tpu.memref_squeeze %dma_wait3A_330 : memref<1x128xi32, #tpu.memory_space<vmem>> -> memref<128xi32, #tpu.memory_space<vmem>>
      %dma_wait3A_332 = arith.constant 0 : i32
      %dma_wait3A_333 = arith.constant 0 : i32
      %dma_wait3A_334 = tpu.memref_slice %arg7[%dma_wait3A_332, %dma_wait3A_333] : memref<7200x64xf32, #tpu.memory_space<hbm>> -> memref<7200x64xf32, #tpu.memory_space<hbm>>
      %dma_wait3A_335 = tpu.memref_slice %arg20[%dma_wait3A_324] : memref<2x!tpu.dma_semaphore, #tpu.memory_space<semaphore_mem>> -> memref<1x!tpu.dma_semaphore, #tpu.memory_space<semaphore_mem>>
      %dma_wait3A_336 = tpu.memref_squeeze %dma_wait3A_335 : memref<1x!tpu.dma_semaphore, #tpu.memory_space<semaphore_mem>> -> memref<!tpu.dma_semaphore, #tpu.memory_space<semaphore_mem>>
      tpu.wait_indirect_dma semaphore(%dma_wait3A_336 : memref<!tpu.dma_semaphore, #tpu.memory_space<semaphore_mem>>) src(%dma_wait3A_334 : memref<7200x64xf32, #tpu.memory_space<hbm>>) dst(%dma_wait3A_328 : memref<128x64xf32, #tpu.memory_space<vmem>>)
      %ge3A = arith.constant 2 : i32
      %ge3A_337 = arith.cmpi sge, %add3A_302, %ge3A : i32
      %convert_element_type3A_338 = arith.extui %ge3A_337 : i1 to i32
      %cond3A_339 = arith.constant 0 : i32
      %cond3A_340 = arith.cmpi ne, %convert_element_type3A_338, %cond3A_339 : i32
      scf.if %cond3A_340 {
        %sub3A = arith.constant 2 : i32
        %sub3A_430 = arith.subi %add3A_302, %sub3A : i32
        %mul3A_431 = arith.constant 128 : i32
        %mul3A_432 = arith.muli %sub3A_430, %mul3A_431 : i32
        %add3A_433 = arith.addi %mul3A_2, %mul3A_432 : i32
        %dma_wait3A_434 = arith.constant 0 : i32
        %dma_wait3A_435 = arith.constant 0 : i32
        %dma_wait3A_436 = arith.constant 0 : i32
        %dma_wait3A_437 = arith.constant 0 : i32
        %dma_wait3A_438 = tpu.memref_slice %arg18[%dma_wait3A_434, %dma_wait3A_436, %dma_wait3A_437] : memref<2x128x64xf32, #tpu.memory_space<vmem>> -> memref<1x128x64xf32, #tpu.memory_space<vmem>>
        %dma_wait3A_439 = tpu.memref_squeeze %dma_wait3A_438 : memref<1x128x64xf32, #tpu.memory_space<vmem>> -> memref<128x64xf32, #tpu.memory_space<vmem>>
        %dma_wait3A_440 = arith.constant 0 : i32
        %dma_wait3A_441 = tpu.memref_slice %arg10[%add3A_433, %dma_wait3A_440] : memref<204800x64xf32, #tpu.memory_space<hbm>> -> memref<128x64xf32, #tpu.memory_space<hbm>>
        %dma_wait3A_442 = tpu.memref_slice %arg21[%dma_wait3A_435] : memref<2x!tpu.dma_semaphore, #tpu.memory_space<semaphore_mem>> -> memref<1x!tpu.dma_semaphore, #tpu.memory_space<semaphore_mem>>
        %dma_wait3A_443 = tpu.memref_squeeze %dma_wait3A_442 : memref<1x!tpu.dma_semaphore, #tpu.memory_space<semaphore_mem>> -> memref<!tpu.dma_semaphore, #tpu.memory_space<semaphore_mem>>
        %dma_wait3A_444 = arith.constant 0 : i32
        %dma_wait3A_445 = tpu.memref_slice %arg10[%add3A_433, %dma_wait3A_444] : memref<204800x64xf32, #tpu.memory_space<hbm>> -> memref<128x64xf32, #tpu.memory_space<hbm>>
        %dma_wait3A_446 = arith.constant 0 : i32
        %dma_wait3A_447 = arith.constant 0 : i32
        %dma_wait3A_448 = tpu.memref_slice %arg18[%dma_wait3A_434, %dma_wait3A_446, %dma_wait3A_447] : memref<2x128x64xf32, #tpu.memory_space<vmem>> -> memref<1x128x64xf32, #tpu.memory_space<vmem>>
        %dma_wait3A_449 = tpu.memref_squeeze %dma_wait3A_448 : memref<1x128x64xf32, #tpu.memory_space<vmem>> -> memref<128x64xf32, #tpu.memory_space<vmem>>
        tpu.wait_dma2 semaphore(%dma_wait3A_443 : memref<!tpu.dma_semaphore, #tpu.memory_space<semaphore_mem>>) src(%dma_wait3A_449 : memref<128x64xf32, #tpu.memory_space<vmem>>) dst(%dma_wait3A_445 : memref<128x64xf32, #tpu.memory_space<hbm>>)
      } else {
      }
      %parallel_loop3A = arith.constant 0 : i32
      %parallel_loop3A_341 = arith.constant 128 : i32
      %parallel_loop3A_342 = arith.constant 1 : i32
      scf.for %parallel_loop3A_430 = %parallel_loop3A to %parallel_loop3A_341 step %parallel_loop3A_342  : i32 {
        %parallel_loop3A_431 = arith.constant 0 : i32
        %parallel_loop3A_432 = arith.index_cast %parallel_loop3A_431 : i32 to index
        %parallel_loop3A_433 = arith.index_cast %parallel_loop3A_430 : i32 to index
        %parallel_loop3A_434 = arith.constant 0 : index
        %parallel_loop3A_435 = tpu.vector_load %arg16[%parallel_loop3A_432, %parallel_loop3A_433, %parallel_loop3A_434] {strides = array<i32>} : memref<2x128x64xf32, #tpu.memory_space<vmem>>, vector<1x1x16xf32>,
        %parallel_loop3A_436 = vector.shape_cast %parallel_loop3A_435 : vector<1x1x16xf32> to vector<16xf32>
        %parallel_loop3A_437 = arith.constant 0 : i32
        %parallel_loop3A_438 = arith.index_cast %parallel_loop3A_437 : i32 to index
        %parallel_loop3A_439 = arith.index_cast %parallel_loop3A_430 : i32 to index
        %parallel_loop3A_440 = arith.constant 0 : index
        %parallel_loop3A_441 = tpu.vector_load %arg17[%parallel_loop3A_438, %parallel_loop3A_439, %parallel_loop3A_440] {strides = array<i32>} : memref<2x128x64xf32, #tpu.memory_space<vmem>>, vector<1x1x16xf32>,
        %parallel_loop3A_442 = vector.shape_cast %parallel_loop3A_441 : vector<1x1x16xf32> to vector<16xf32>
        %parallel_loop3A_443 = arith.addf %parallel_loop3A_436, %parallel_loop3A_442 : vector<16xf32>
        %parallel_loop3A_444 = arith.constant 0 : i32
        %parallel_loop3A_445 = arith.index_cast %parallel_loop3A_444 : i32 to index
        %parallel_loop3A_446 = arith.index_cast %parallel_loop3A_430 : i32 to index
        %parallel_loop3A_447 = arith.constant 16 : index
        %parallel_loop3A_448 = tpu.vector_load %arg16[%parallel_loop3A_445, %parallel_loop3A_446, %parallel_loop3A_447] {strides = array<i32>} : memref<2x128x64xf32, #tpu.memory_space<vmem>>, vector<1x1x16xf32>,
        %parallel_loop3A_449 = vector.shape_cast %parallel_loop3A_448 : vector<1x1x16xf32> to vector<16xf32>
        %parallel_loop3A_450 = arith.constant 0 : i32
        %parallel_loop3A_451 = arith.index_cast %parallel_loop3A_450 : i32 to index
        %parallel_loop3A_452 = arith.index_cast %parallel_loop3A_430 : i32 to index
        %parallel_loop3A_453 = arith.constant 16 : index
        %parallel_loop3A_454 = tpu.vector_load %arg17[%parallel_loop3A_451, %parallel_loop3A_452, %parallel_loop3A_453] {strides = array<i32>} : memref<2x128x64xf32, #tpu.memory_space<vmem>>, vector<1x1x16xf32>,
        %parallel_loop3A_455 = vector.shape_cast %parallel_loop3A_454 : vector<1x1x16xf32> to vector<16xf32>
        %parallel_loop3A_456 = arith.addf %parallel_loop3A_449, %parallel_loop3A_455 : vector<16xf32>
        %parallel_loop3A_457 = arith.constant 0 : i32
        %parallel_loop3A_458 = arith.index_cast %parallel_loop3A_457 : i32 to index
        %parallel_loop3A_459 = arith.index_cast %parallel_loop3A_430 : i32 to index
        %parallel_loop3A_460 = arith.constant 32 : index
        %parallel_loop3A_461 = tpu.vector_load %arg16[%parallel_loop3A_458, %parallel_loop3A_459, %parallel_loop3A_460] {strides = array<i32>} : memref<2x128x64xf32, #tpu.memory_space<vmem>>, vector<1x1x16xf32>,
        %parallel_loop3A_462 = vector.shape_cast %parallel_loop3A_461 : vector<1x1x16xf32> to vector<16xf32>
        %parallel_loop3A_463 = arith.constant 0 : i32
        %parallel_loop3A_464 = arith.index_cast %parallel_loop3A_463 : i32 to index
        %parallel_loop3A_465 = arith.index_cast %parallel_loop3A_430 : i32 to index
        %parallel_loop3A_466 = arith.constant 32 : index
        %parallel_loop3A_467 = tpu.vector_load %arg17[%parallel_loop3A_464, %parallel_loop3A_465, %parallel_loop3A_466] {strides = array<i32>} : memref<2x128x64xf32, #tpu.memory_space<vmem>>, vector<1x1x16xf32>,
        %parallel_loop3A_468 = vector.shape_cast %parallel_loop3A_467 : vector<1x1x16xf32> to vector<16xf32>
        %parallel_loop3A_469 = arith.addf %parallel_loop3A_462, %parallel_loop3A_468 : vector<16xf32>
        %parallel_loop3A_470 = arith.constant 0 : i32
        %parallel_loop3A_471 = arith.index_cast %parallel_loop3A_470 : i32 to index
        %parallel_loop3A_472 = arith.index_cast %parallel_loop3A_430 : i32 to index
        %parallel_loop3A_473 = arith.constant 48 : index
        %parallel_loop3A_474 = tpu.vector_load %arg16[%parallel_loop3A_471, %parallel_loop3A_472, %parallel_loop3A_473] {strides = array<i32>} : memref<2x128x64xf32, #tpu.memory_space<vmem>>, vector<1x1x16xf32>,
        %parallel_loop3A_475 = vector.shape_cast %parallel_loop3A_474 : vector<1x1x16xf32> to vector<16xf32>
        %parallel_loop3A_476 = arith.constant 0 : i32
        %parallel_loop3A_477 = arith.index_cast %parallel_loop3A_476 : i32 to index
        %parallel_loop3A_478 = arith.index_cast %parallel_loop3A_430 : i32 to index
        %parallel_loop3A_479 = arith.constant 48 : index
        %parallel_loop3A_480 = tpu.vector_load %arg17[%parallel_loop3A_477, %parallel_loop3A_478, %parallel_loop3A_479] {strides = array<i32>} : memref<2x128x64xf32, #tpu.memory_space<vmem>>, vector<1x1x16xf32>,
        %parallel_loop3A_481 = vector.shape_cast %parallel_loop3A_480 : vector<1x1x16xf32> to vector<16xf32>
        %parallel_loop3A_482 = arith.addf %parallel_loop3A_475, %parallel_loop3A_481 : vector<16xf32>
        %parallel_loop3A_483 = arith.addf %parallel_loop3A_443, %parallel_loop3A_456 : vector<16xf32>
        %parallel_loop3A_484 = arith.addf %parallel_loop3A_469, %parallel_loop3A_482 : vector<16xf32>
        %parallel_loop3A_485 = arith.addf %parallel_loop3A_483, %parallel_loop3A_484 : vector<16xf32>
        %parallel_loop3A_486 = arith.mulf %parallel_loop3A_443, %parallel_loop3A_443 : vector<16xf32>
        %parallel_loop3A_487 = arith.mulf %parallel_loop3A_456, %parallel_loop3A_456 : vector<16xf32>
        %parallel_loop3A_488 = arith.addf %parallel_loop3A_486, %parallel_loop3A_487 : vector<16xf32>
        %parallel_loop3A_489 = arith.mulf %parallel_loop3A_469, %parallel_loop3A_469 : vector<16xf32>
        %parallel_loop3A_490 = arith.mulf %parallel_loop3A_482, %parallel_loop3A_482 : vector<16xf32>
        %parallel_loop3A_491 = arith.addf %parallel_loop3A_489, %parallel_loop3A_490 : vector<16xf32>
        %parallel_loop3A_492 = arith.addf %parallel_loop3A_488, %parallel_loop3A_491 : vector<16xf32>
        %parallel_loop3A_493 = tpu.iota {dimensions = array<i32: 0>} : vector<16xi32>
        %parallel_loop3A_494 = arith.constant 1 : i32
        %parallel_loop3A_495 = vector.broadcast %parallel_loop3A_494 : i32 to vector<16xi32>
        %parallel_loop3A_496 = arith.xori %parallel_loop3A_493, %parallel_loop3A_495 : vector<16xi32>
        %parallel_loop3A_497 = vector.shape_cast %parallel_loop3A_496 : vector<16xi32> to vector<16x1xi32>
        %parallel_loop3A_498 = vector.shape_cast %parallel_loop3A_497 : vector<16x1xi32> to vector<16xi32>
        %parallel_loop3A_499 = tpu.dynamic_gather %parallel_loop3A_485[%parallel_loop3A_498] in [0] : vector<16xf32>, vector<16xi32> -> vector<16xf32>
        %parallel_loop3A_500 = arith.addf %parallel_loop3A_485, %parallel_loop3A_499 : vector<16xf32>
        %parallel_loop3A_501 = arith.constant 2 : i32
        %parallel_loop3A_502 = vector.broadcast %parallel_loop3A_501 : i32 to vector<16xi32>
        %parallel_loop3A_503 = arith.xori %parallel_loop3A_493, %parallel_loop3A_502 : vector<16xi32>
        %parallel_loop3A_504 = vector.shape_cast %parallel_loop3A_503 : vector<16xi32> to vector<16x1xi32>
        %parallel_loop3A_505 = vector.shape_cast %parallel_loop3A_504 : vector<16x1xi32> to vector<16xi32>
        %parallel_loop3A_506 = tpu.dynamic_gather %parallel_loop3A_500[%parallel_loop3A_505] in [0] : vector<16xf32>, vector<16xi32> -> vector<16xf32>
        %parallel_loop3A_507 = arith.addf %parallel_loop3A_500, %parallel_loop3A_506 : vector<16xf32>
        %parallel_loop3A_508 = arith.constant 4 : i32
        %parallel_loop3A_509 = vector.broadcast %parallel_loop3A_508 : i32 to vector<16xi32>
        %parallel_loop3A_510 = arith.xori %parallel_loop3A_493, %parallel_loop3A_509 : vector<16xi32>
        %parallel_loop3A_511 = vector.shape_cast %parallel_loop3A_510 : vector<16xi32> to vector<16x1xi32>
        %parallel_loop3A_512 = vector.shape_cast %parallel_loop3A_511 : vector<16x1xi32> to vector<16xi32>
        %parallel_loop3A_513 = tpu.dynamic_gather %parallel_loop3A_507[%parallel_loop3A_512] in [0] : vector<16xf32>, vector<16xi32> -> vector<16xf32>
        %parallel_loop3A_514 = arith.addf %parallel_loop3A_507, %parallel_loop3A_513 : vector<16xf32>
        %parallel_loop3A_515 = arith.constant 8 : i32
        %parallel_loop3A_516 = vector.broadcast %parallel_loop3A_515 : i32 to vector<16xi32>
        %parallel_loop3A_517 = arith.xori %parallel_loop3A_493, %parallel_loop3A_516 : vector<16xi32>
        %parallel_loop3A_518 = vector.shape_cast %parallel_loop3A_517 : vector<16xi32> to vector<16x1xi32>
        %parallel_loop3A_519 = vector.shape_cast %parallel_loop3A_518 : vector<16x1xi32> to vector<16xi32>
        %parallel_loop3A_520 = tpu.dynamic_gather %parallel_loop3A_514[%parallel_loop3A_519] in [0] : vector<16xf32>, vector<16xi32> -> vector<16xf32>
        %parallel_loop3A_521 = arith.addf %parallel_loop3A_514, %parallel_loop3A_520 : vector<16xf32>
        %parallel_loop3A_522 = tpu.iota {dimensions = array<i32: 0>} : vector<16xi32>
        %parallel_loop3A_523 = arith.constant 1 : i32
        %parallel_loop3A_524 = vector.broadcast %parallel_loop3A_523 : i32 to vector<16xi32>
        %parallel_loop3A_525 = arith.xori %parallel_loop3A_522, %parallel_loop3A_524 : vector<16xi32>
        %parallel_loop3A_526 = vector.shape_cast %parallel_loop3A_525 : vector<16xi32> to vector<16x1xi32>
        %parallel_loop3A_527 = vector.shape_cast %parallel_loop3A_526 : vector<16x1xi32> to vector<16xi32>
        %parallel_loop3A_528 = tpu.dynamic_gather %parallel_loop3A_492[%parallel_loop3A_527] in [0] : vector<16xf32>, vector<16xi32> -> vector<16xf32>
        %parallel_loop3A_529 = arith.addf %parallel_loop3A_492, %parallel_loop3A_528 : vector<16xf32>
        %parallel_loop3A_530 = arith.constant 2 : i32
        %parallel_loop3A_531 = vector.broadcast %parallel_loop3A_530 : i32 to vector<16xi32>
        %parallel_loop3A_532 = arith.xori %parallel_loop3A_522, %parallel_loop3A_531 : vector<16xi32>
        %parallel_loop3A_533 = vector.shape_cast %parallel_loop3A_532 : vector<16xi32> to vector<16x1xi32>
        %parallel_loop3A_534 = vector.shape_cast %parallel_loop3A_533 : vector<16x1xi32> to vector<16xi32>
        %parallel_loop3A_535 = tpu.dynamic_gather %parallel_loop3A_529[%parallel_loop3A_534] in [0] : vector<16xf32>, vector<16xi32> -> vector<16xf32>
        %parallel_loop3A_536 = arith.addf %parallel_loop3A_529, %parallel_loop3A_535 : vector<16xf32>
        %parallel_loop3A_537 = arith.constant 4 : i32
        %parallel_loop3A_538 = vector.broadcast %parallel_loop3A_537 : i32 to vector<16xi32>
        %parallel_loop3A_539 = arith.xori %parallel_loop3A_522, %parallel_loop3A_538 : vector<16xi32>
        %parallel_loop3A_540 = vector.shape_cast %parallel_loop3A_539 : vector<16xi32> to vector<16x1xi32>
        %parallel_loop3A_541 = vector.shape_cast %parallel_loop3A_540 : vector<16x1xi32> to vector<16xi32>
        %parallel_loop3A_542 = tpu.dynamic_gather %parallel_loop3A_536[%parallel_loop3A_541] in [0] : vector<16xf32>, vector<16xi32> -> vector<16xf32>
        %parallel_loop3A_543 = arith.addf %parallel_loop3A_536, %parallel_loop3A_542 : vector<16xf32>
        %parallel_loop3A_544 = arith.constant 8 : i32
        %parallel_loop3A_545 = vector.broadcast %parallel_loop3A_544 : i32 to vector<16xi32>
        %parallel_loop3A_546 = arith.xori %parallel_loop3A_522, %parallel_loop3A_545 : vector<16xi32>
        %parallel_loop3A_547 = vector.shape_cast %parallel_loop3A_546 : vector<16xi32> to vector<16x1xi32>
        %parallel_loop3A_548 = vector.shape_cast %parallel_loop3A_547 : vector<16x1xi32> to vector<16xi32>
        %parallel_loop3A_549 = tpu.dynamic_gather %parallel_loop3A_543[%parallel_loop3A_548] in [0] : vector<16xf32>, vector<16xi32> -> vector<16xf32>
        %parallel_loop3A_550 = arith.addf %parallel_loop3A_543, %parallel_loop3A_549 : vector<16xf32>
        %parallel_loop3A_551 = arith.constant 1.562500e-02 : f32
        %parallel_loop3A_552 = vector.broadcast %parallel_loop3A_551 : f32 to vector<16xf32>
        %parallel_loop3A_553 = arith.mulf %parallel_loop3A_521, %parallel_loop3A_552 : vector<16xf32>
        %parallel_loop3A_554 = arith.constant 1.562500e-02 : f32
        %parallel_loop3A_555 = vector.broadcast %parallel_loop3A_554 : f32 to vector<16xf32>
        %parallel_loop3A_556 = arith.mulf %parallel_loop3A_550, %parallel_loop3A_555 : vector<16xf32>
        %parallel_loop3A_557 = arith.mulf %parallel_loop3A_553, %parallel_loop3A_553 : vector<16xf32>
        %parallel_loop3A_558 = arith.subf %parallel_loop3A_556, %parallel_loop3A_557 : vector<16xf32>
        %parallel_loop3A_559 = arith.constant 9.99999996E-13 : f32
        %parallel_loop3A_560 = vector.broadcast %parallel_loop3A_559 : f32 to vector<16xf32>
        %parallel_loop3A_561 = arith.addf %parallel_loop3A_558, %parallel_loop3A_560 : vector<16xf32>
        %parallel_loop3A_562 = tpu.bitcast %parallel_loop3A_561 : vector<16xf32> -> vector<16xi32>
        %parallel_loop3A_563 = arith.constant 1 : i32
        %parallel_loop3A_564 = vector.broadcast %parallel_loop3A_563 : i32 to vector<16xi32>
        %parallel_loop3A_565 = arith.shrsi %parallel_loop3A_562, %parallel_loop3A_564 : vector<16xi32>
        %parallel_loop3A_566 = arith.constant 1597463007 : i32
        %parallel_loop3A_567 = vector.broadcast %parallel_loop3A_566 : i32 to vector<16xi32>
        %parallel_loop3A_568 = arith.subi %parallel_loop3A_567, %parallel_loop3A_565 : vector<16xi32>
        %parallel_loop3A_569 = tpu.bitcast %parallel_loop3A_568 : vector<16xi32> -> vector<16xf32>
        %parallel_loop3A_570 = arith.constant 5.000000e-01 : f32
        %parallel_loop3A_571 = vector.broadcast %parallel_loop3A_570 : f32 to vector<16xf32>
        %parallel_loop3A_572 = arith.mulf %parallel_loop3A_571, %parallel_loop3A_561 : vector<16xf32>
        %parallel_loop3A_573 = arith.mulf %parallel_loop3A_572, %parallel_loop3A_569 : vector<16xf32>
        %parallel_loop3A_574 = arith.mulf %parallel_loop3A_573, %parallel_loop3A_569 : vector<16xf32>
        %parallel_loop3A_575 = arith.constant 1.500000e+00 : f32
        %parallel_loop3A_576 = vector.broadcast %parallel_loop3A_575 : f32 to vector<16xf32>
        %parallel_loop3A_577 = arith.subf %parallel_loop3A_576, %parallel_loop3A_574 : vector<16xf32>
        %parallel_loop3A_578 = arith.mulf %parallel_loop3A_569, %parallel_loop3A_577 : vector<16xf32>
        %parallel_loop3A_579 = arith.constant 5.000000e-01 : f32
        %parallel_loop3A_580 = vector.broadcast %parallel_loop3A_579 : f32 to vector<16xf32>
        %parallel_loop3A_581 = arith.mulf %parallel_loop3A_580, %parallel_loop3A_561 : vector<16xf32>
        %parallel_loop3A_582 = arith.mulf %parallel_loop3A_581, %parallel_loop3A_578 : vector<16xf32>
        %parallel_loop3A_583 = arith.mulf %parallel_loop3A_582, %parallel_loop3A_578 : vector<16xf32>
        %parallel_loop3A_584 = arith.constant 1.500000e+00 : f32
        %parallel_loop3A_585 = vector.broadcast %parallel_loop3A_584 : f32 to vector<16xf32>
        %parallel_loop3A_586 = arith.subf %parallel_loop3A_585, %parallel_loop3A_583 : vector<16xf32>
        %parallel_loop3A_587 = arith.mulf %parallel_loop3A_578, %parallel_loop3A_586 : vector<16xf32>
        %parallel_loop3A_588 = arith.constant 5.000000e-01 : f32
        %parallel_loop3A_589 = vector.broadcast %parallel_loop3A_588 : f32 to vector<16xf32>
        %parallel_loop3A_590 = arith.mulf %parallel_loop3A_589, %parallel_loop3A_561 : vector<16xf32>
        %parallel_loop3A_591 = arith.mulf %parallel_loop3A_590, %parallel_loop3A_587 : vector<16xf32>
        %parallel_loop3A_592 = arith.mulf %parallel_loop3A_591, %parallel_loop3A_587 : vector<16xf32>
        %parallel_loop3A_593 = arith.constant 1.500000e+00 : f32
        %parallel_loop3A_594 = vector.broadcast %parallel_loop3A_593 : f32 to vector<16xf32>
        %parallel_loop3A_595 = arith.subf %parallel_loop3A_594, %parallel_loop3A_592 : vector<16xf32>
        %parallel_loop3A_596 = arith.mulf %parallel_loop3A_587, %parallel_loop3A_595 : vector<16xf32>
        %parallel_loop3A_597 = arith.subf %parallel_loop3A_443, %parallel_loop3A_553 : vector<16xf32>
        %parallel_loop3A_598 = arith.mulf %parallel_loop3A_597, %parallel_loop3A_596 : vector<16xf32>
        %parallel_loop3A_599 = arith.mulf %parallel_loop3A_598, %get3A_7 : vector<16xf32>
        %parallel_loop3A_600 = arith.addf %parallel_loop3A_599, %get3A_27 : vector<16xf32>
        %parallel_loop3A_601 = arith.constant 0 : i32
        %parallel_loop3A_602 = arith.index_cast %parallel_loop3A_601 : i32 to index
        %parallel_loop3A_603 = arith.index_cast %parallel_loop3A_430 : i32 to index
        %parallel_loop3A_604 = arith.constant 0 : index
        %parallel_loop3A_605 = tpu.vector_load %arg18[%parallel_loop3A_602, %parallel_loop3A_603, %parallel_loop3A_604] {strides = array<i32>} : memref<2x128x64xf32, #tpu.memory_space<vmem>>, vector<1x1x16xf32>,
        %parallel_loop3A_606 = vector.shape_cast %parallel_loop3A_605 : vector<1x1x16xf32> to vector<16xf32>
        %parallel_loop3A_607 = vector.shape_cast %parallel_loop3A_600 : vector<16xf32> to vector<1x1x16xf32>
        tpu.vector_store %arg18[%parallel_loop3A_602, %parallel_loop3A_603, %parallel_loop3A_604], %parallel_loop3A_607 {strides = array<i32>} : memref<2x128x64xf32, #tpu.memory_space<vmem>>, vector<1x1x16xf32>,
        %parallel_loop3A_608 = arith.subf %parallel_loop3A_456, %parallel_loop3A_553 : vector<16xf32>
        %parallel_loop3A_609 = arith.mulf %parallel_loop3A_608, %parallel_loop3A_596 : vector<16xf32>
        %parallel_loop3A_610 = arith.mulf %parallel_loop3A_609, %get3A_12 : vector<16xf32>
        %parallel_loop3A_611 = arith.addf %parallel_loop3A_610, %get3A_32 : vector<16xf32>
        %parallel_loop3A_612 = arith.constant 0 : i32
        %parallel_loop3A_613 = arith.index_cast %parallel_loop3A_612 : i32 to index
        %parallel_loop3A_614 = arith.index_cast %parallel_loop3A_430 : i32 to index
        %parallel_loop3A_615 = arith.constant 16 : index
        %parallel_loop3A_616 = tpu.vector_load %arg18[%parallel_loop3A_613, %parallel_loop3A_614, %parallel_loop3A_615] {strides = array<i32>} : memref<2x128x64xf32, #tpu.memory_space<vmem>>, vector<1x1x16xf32>,
        %parallel_loop3A_617 = vector.shape_cast %parallel_loop3A_616 : vector<1x1x16xf32> to vector<16xf32>
        %parallel_loop3A_618 = vector.shape_cast %parallel_loop3A_611 : vector<16xf32> to vector<1x1x16xf32>
        tpu.vector_store %arg18[%parallel_loop3A_613, %parallel_loop3A_614, %parallel_loop3A_615], %parallel_loop3A_618 {strides = array<i32>} : memref<2x128x64xf32, #tpu.memory_space<vmem>>, vector<1x1x16xf32>,
        %parallel_loop3A_619 = arith.subf %parallel_loop3A_469, %parallel_loop3A_553 : vector<16xf32>
        %parallel_loop3A_620 = arith.mulf %parallel_loop3A_619, %parallel_loop3A_596 : vector<16xf32>
        %parallel_loop3A_621 = arith.mulf %parallel_loop3A_620, %get3A_17 : vector<16xf32>
        %parallel_loop3A_622 = arith.addf %parallel_loop3A_621, %get3A_37 : vector<16xf32>
        %parallel_loop3A_623 = arith.constant 0 : i32
        %parallel_loop3A_624 = arith.index_cast %parallel_loop3A_623 : i32 to index
        %parallel_loop3A_625 = arith.index_cast %parallel_loop3A_430 : i32 to index
        %parallel_loop3A_626 = arith.constant 32 : index
        %parallel_loop3A_627 = tpu.vector_load %arg18[%parallel_loop3A_624, %parallel_loop3A_625, %parallel_loop3A_626] {strides = array<i32>} : memref<2x128x64xf32, #tpu.memory_space<vmem>>, vector<1x1x16xf32>,
        %parallel_loop3A_628 = vector.shape_cast %parallel_loop3A_627 : vector<1x1x16xf32> to vector<16xf32>
        %parallel_loop3A_629 = vector.shape_cast %parallel_loop3A_622 : vector<16xf32> to vector<1x1x16xf32>
        tpu.vector_store %arg18[%parallel_loop3A_624, %parallel_loop3A_625, %parallel_loop3A_626], %parallel_loop3A_629 {strides = array<i32>} : memref<2x128x64xf32, #tpu.memory_space<vmem>>, vector<1x1x16xf32>,
        %parallel_loop3A_630 = arith.subf %parallel_loop3A_482, %parallel_loop3A_553 : vector<16xf32>
        %parallel_loop3A_631 = arith.mulf %parallel_loop3A_630, %parallel_loop3A_596 : vector<16xf32>
        %parallel_loop3A_632 = arith.mulf %parallel_loop3A_631, %get3A_22 : vector<16xf32>
        %parallel_loop3A_633 = arith.addf %parallel_loop3A_632, %get3A_42 : vector<16xf32>
        %parallel_loop3A_634 = arith.constant 0 : i32
        %parallel_loop3A_635 = arith.index_cast %parallel_loop3A_634 : i32 to index
        %parallel_loop3A_636 = arith.index_cast %parallel_loop3A_430 : i32 to index
        %parallel_loop3A_637 = arith.constant 48 : index
        %parallel_loop3A_638 = tpu.vector_load %arg18[%parallel_loop3A_635, %parallel_loop3A_636, %parallel_loop3A_637] {strides = array<i32>} : memref<2x128x64xf32, #tpu.memory_space<vmem>>, vector<1x1x16xf32>,
        %parallel_loop3A_639 = vector.shape_cast %parallel_loop3A_638 : vector<1x1x16xf32> to vector<16xf32>
        %parallel_loop3A_640 = vector.shape_cast %parallel_loop3A_633 : vector<16xf32> to vector<1x1x16xf32>
        tpu.vector_store %arg18[%parallel_loop3A_635, %parallel_loop3A_636, %parallel_loop3A_637], %parallel_loop3A_640 {strides = array<i32>} : memref<2x128x64xf32, #tpu.memory_space<vmem>>, vector<1x1x16xf32>,
      } {sc.loop_unroll_factor = 4 : i64, sc.parallel_access}
      %mul3A_343 = arith.constant 128 : i32
      %mul3A_344 = arith.muli %add3A_302, %mul3A_343 : i32
      %add3A_345 = arith.addi %mul3A_2, %mul3A_344 : i32
      %dma_start3A_346 = arith.constant 0 : i32
      %dma_start3A_347 = arith.constant 0 : i32
      %dma_start3A_348 = arith.constant 0 : i32
      %dma_start3A_349 = arith.constant 0 : i32
      %dma_start3A_350 = tpu.memref_slice %arg18[%dma_start3A_346, %dma_start3A_348, %dma_start3A_349] : memref<2x128x64xf32, #tpu.memory_space<vmem>> -> memref<1x128x64xf32, #tpu.memory_space<vmem>>
      %dma_start3A_351 = tpu.memref_squeeze %dma_start3A_350 : memref<1x128x64xf32, #tpu.memory_space<vmem>> -> memref<128x64xf32, #tpu.memory_space<vmem>>
      %dma_start3A_352 = arith.constant 0 : i32
      %dma_start3A_353 = tpu.memref_slice %arg10[%add3A_345, %dma_start3A_352] : memref<204800x64xf32, #tpu.memory_space<hbm>> -> memref<128x64xf32, #tpu.memory_space<hbm>>
      %dma_start3A_354 = tpu.memref_slice %arg21[%dma_start3A_347] : memref<2x!tpu.dma_semaphore, #tpu.memory_space<semaphore_mem>> -> memref<1x!tpu.dma_semaphore, #tpu.memory_space<semaphore_mem>>
      %dma_start3A_355 = tpu.memref_squeeze %dma_start3A_354 : memref<1x!tpu.dma_semaphore, #tpu.memory_space<semaphore_mem>> -> memref<!tpu.dma_semaphore, #tpu.memory_space<semaphore_mem>>
      %dma_start3A_356 = arith.constant 0 : i32
      %dma_start3A_357 = tpu.memref_slice %arg10[%add3A_345, %dma_start3A_356] : memref<204800x64xf32, #tpu.memory_space<hbm>> -> memref<128x64xf32, #tpu.memory_space<hbm>>
      %dma_start3A_358 = arith.constant 0 : i32
      %dma_start3A_359 = arith.constant 0 : i32
      %dma_start3A_360 = tpu.memref_slice %arg18[%dma_start3A_346, %dma_start3A_358, %dma_start3A_359] : memref<2x128x64xf32, #tpu.memory_space<vmem>> -> memref<1x128x64xf32, #tpu.memory_space<vmem>>
      %dma_start3A_361 = tpu.memref_squeeze %dma_start3A_360 : memref<1x128x64xf32, #tpu.memory_space<vmem>> -> memref<128x64xf32, #tpu.memory_space<vmem>>
      tpu.enqueue_dma source(%dma_start3A_361 : memref<128x64xf32, #tpu.memory_space<vmem>>) target(%dma_start3A_357 : memref<128x64xf32, #tpu.memory_space<hbm>>) target_semaphore(%dma_start3A_355 : memref<!tpu.dma_semaphore, #tpu.memory_space<semaphore_mem>>)
      %mul3A_362 = arith.constant 2 : i32
      %mul3A_363 = arith.muli %scan3A_298, %mul3A_362 : i32
      %add3A_364 = arith.constant 1 : i32
      %add3A_365 = arith.addi %mul3A_363, %add3A_364 : i32
      %add3A_366 = arith.constant 1 : i32
      %add3A_367 = arith.addi %add3A_365, %add3A_366 : i32
      %lt3A_368 = arith.constant 50 : i32
      %lt3A_369 = arith.cmpi slt, %add3A_367, %lt3A_368 : i32
      %convert_element_type3A_370 = arith.extui %lt3A_369 : i1 to i32
      %cond3A_371 = arith.constant 0 : i32
      %cond3A_372 = arith.cmpi ne, %convert_element_type3A_370, %cond3A_371 : i32
      scf.if %cond3A_372 {
        %add3A_430 = arith.constant 1 : i32
        %add3A_431 = arith.addi %add3A_365, %add3A_430 : i32
        %mul3A_432 = arith.constant 128 : i32
        %mul3A_433 = arith.muli %add3A_431, %mul3A_432 : i32
        %add3A_434 = arith.addi %mul3A_2, %mul3A_433 : i32
        %run_scoped3A_435 = arith.constant 0 : i32
        "tpu.region"() ({
          %run_scoped3A_650 = tpu.sem_alloc : memref<!tpu.dma_semaphore, #tpu.memory_space<semaphore_mem>>
          %dma_start3A_651 = arith.constant 0 : i32
          %dma_start3A_652 = tpu.memref_slice %arg11[%run_scoped3A_435, %dma_start3A_651] : memref<2x128xi32, #tpu.memory_space<vmem>> -> memref<1x128xi32, #tpu.memory_space<vmem>>
          %dma_start3A_653 = tpu.memref_squeeze %dma_start3A_652 : memref<1x128xi32, #tpu.memory_space<vmem>> -> memref<128xi32, #tpu.memory_space<vmem>>
          %dma_start3A_654 = tpu.memref_slice %arg2[%add3A_434] : memref<204800xi32, #tpu.memory_space<hbm>> -> memref<128xi32, #tpu.memory_space<hbm>>
          %dma_start3A_655 = arith.constant 0 : i32
          %dma_start3A_656 = tpu.memref_slice %arg11[%run_scoped3A_435, %dma_start3A_655] : memref<2x128xi32, #tpu.memory_space<vmem>> -> memref<1x128xi32, #tpu.memory_space<vmem>>
          %dma_start3A_657 = tpu.memref_squeeze %dma_start3A_656 : memref<1x128xi32, #tpu.memory_space<vmem>> -> memref<128xi32, #tpu.memory_space<vmem>>
          %dma_start3A_658 = tpu.memref_slice %arg2[%add3A_434] : memref<204800xi32, #tpu.memory_space<hbm>> -> memref<128xi32, #tpu.memory_space<hbm>>
          tpu.enqueue_dma source(%dma_start3A_658 : memref<128xi32, #tpu.memory_space<hbm>>) target(%dma_start3A_657 : memref<128xi32, #tpu.memory_space<vmem>>) target_semaphore(%run_scoped3A_650 : memref<!tpu.dma_semaphore, #tpu.memory_space<semaphore_mem>>)
          %dma_wait3A_659 = arith.constant 0 : i32
          %dma_wait3A_660 = tpu.memref_slice %arg11[%run_scoped3A_435, %dma_wait3A_659] : memref<2x128xi32, #tpu.memory_space<vmem>> -> memref<1x128xi32, #tpu.memory_space<vmem>>
          %dma_wait3A_661 = tpu.memref_squeeze %dma_wait3A_660 : memref<1x128xi32, #tpu.memory_space<vmem>> -> memref<128xi32, #tpu.memory_space<vmem>>
          %dma_wait3A_662 = tpu.memref_slice %arg2[%add3A_434] : memref<204800xi32, #tpu.memory_space<hbm>> -> memref<128xi32, #tpu.memory_space<hbm>>
          %dma_wait3A_663 = arith.constant 0 : i32
          %dma_wait3A_664 = tpu.memref_slice %arg11[%run_scoped3A_435, %dma_wait3A_663] : memref<2x128xi32, #tpu.memory_space<vmem>> -> memref<1x128xi32, #tpu.memory_space<vmem>>
          %dma_wait3A_665 = tpu.memref_squeeze %dma_wait3A_664 : memref<1x128xi32, #tpu.memory_space<vmem>> -> memref<128xi32, #tpu.memory_space<vmem>>
          %dma_wait3A_666 = tpu.memref_slice %arg2[%add3A_434] : memref<204800xi32, #tpu.memory_space<hbm>> -> memref<128xi32, #tpu.memory_space<hbm>>
          tpu.wait_dma2 semaphore(%run_scoped3A_650 : memref<!tpu.dma_semaphore, #tpu.memory_space<semaphore_mem>>) src(%dma_wait3A_666 : memref<128xi32, #tpu.memory_space<hbm>>) dst(%dma_wait3A_665 : memref<128xi32, #tpu.memory_space<vmem>>)
          tpu.yield
        }) : () -> ()
        "tpu.region"() ({
          %run_scoped3A_650 = tpu.sem_alloc : memref<!tpu.dma_semaphore, #tpu.memory_space<semaphore_mem>>
          %dma_start3A_651 = tpu.memref_slice %arg3[%add3A_434] : memref<204800xi32, #tpu.memory_space<hbm>> -> memref<128xi32, #tpu.memory_space<hbm>>
          %dma_start3A_652 = tpu.memref_slice %arg3[%add3A_434] : memref<204800xi32, #tpu.memory_space<hbm>> -> memref<128xi32, #tpu.memory_space<hbm>>
          tpu.enqueue_dma source(%dma_start3A_652 : memref<128xi32, #tpu.memory_space<hbm>>) target(%arg12 : memref<128xi32, #tpu.memory_space<vmem>>) target_semaphore(%run_scoped3A_650 : memref<!tpu.dma_semaphore, #tpu.memory_space<semaphore_mem>>)
          %dma_wait3A_653 = tpu.memref_slice %arg3[%add3A_434] : memref<204800xi32, #tpu.memory_space<hbm>> -> memref<128xi32, #tpu.memory_space<hbm>>
          %dma_wait3A_654 = tpu.memref_slice %arg3[%add3A_434] : memref<204800xi32, #tpu.memory_space<hbm>> -> memref<128xi32, #tpu.memory_space<hbm>>
          tpu.wait_dma2 semaphore(%run_scoped3A_650 : memref<!tpu.dma_semaphore, #tpu.memory_space<semaphore_mem>>) src(%dma_wait3A_654 : memref<128xi32, #tpu.memory_space<hbm>>) dst(%arg12 : memref<128xi32, #tpu.memory_space<vmem>>)
          tpu.yield
        }) : () -> ()
        "tpu.region"() ({
          %run_scoped3A_650 = tpu.sem_alloc : memref<!tpu.dma_semaphore, #tpu.memory_space<semaphore_mem>>
          %dma_start3A_651 = tpu.memref_slice %arg4[%add3A_434] : memref<204800xi32, #tpu.memory_space<hbm>> -> memref<128xi32, #tpu.memory_space<hbm>>
          %dma_start3A_652 = tpu.memref_slice %arg4[%add3A_434] : memref<204800xi32, #tpu.memory_space<hbm>> -> memref<128xi32, #tpu.memory_space<hbm>>
          tpu.enqueue_dma source(%dma_start3A_652 : memref<128xi32, #tpu.memory_space<hbm>>) target(%arg13 : memref<128xi32, #tpu.memory_space<vmem>>) target_semaphore(%run_scoped3A_650 : memref<!tpu.dma_semaphore, #tpu.memory_space<semaphore_mem>>)
          %dma_wait3A_653 = tpu.memref_slice %arg4[%add3A_434] : memref<204800xi32, #tpu.memory_space<hbm>> -> memref<128xi32, #tpu.memory_space<hbm>>
          %dma_wait3A_654 = tpu.memref_slice %arg4[%add3A_434] : memref<204800xi32, #tpu.memory_space<hbm>> -> memref<128xi32, #tpu.memory_space<hbm>>
          tpu.wait_dma2 semaphore(%run_scoped3A_650 : memref<!tpu.dma_semaphore, #tpu.memory_space<semaphore_mem>>) src(%dma_wait3A_654 : memref<128xi32, #tpu.memory_space<hbm>>) dst(%arg13 : memref<128xi32, #tpu.memory_space<vmem>>)
          tpu.yield
        }) : () -> ()
        "tpu.region"() ({
          %run_scoped3A_650 = tpu.sem_alloc : memref<!tpu.dma_semaphore, #tpu.memory_space<semaphore_mem>>
          %dma_start3A_651 = tpu.memref_slice %arg5[%add3A_434] : memref<204800xi32, #tpu.memory_space<hbm>> -> memref<128xi32, #tpu.memory_space<hbm>>
          %dma_start3A_652 = tpu.memref_slice %arg5[%add3A_434] : memref<204800xi32, #tpu.memory_space<hbm>> -> memref<128xi32, #tpu.memory_space<hbm>>
          tpu.enqueue_dma source(%dma_start3A_652 : memref<128xi32, #tpu.memory_space<hbm>>) target(%arg14 : memref<128xi32, #tpu.memory_space<vmem>>) target_semaphore(%run_scoped3A_650 : memref<!tpu.dma_semaphore, #tpu.memory_space<semaphore_mem>>)
          %dma_wait3A_653 = tpu.memref_slice %arg5[%add3A_434] : memref<204800xi32, #tpu.memory_space<hbm>> -> memref<128xi32, #tpu.memory_space<hbm>>
          %dma_wait3A_654 = tpu.memref_slice %arg5[%add3A_434] : memref<204800xi32, #tpu.memory_space<hbm>> -> memref<128xi32, #tpu.memory_space<hbm>>
          tpu.wait_dma2 semaphore(%run_scoped3A_650 : memref<!tpu.dma_semaphore, #tpu.memory_space<semaphore_mem>>) src(%dma_wait3A_654 : memref<128xi32, #tpu.memory_space<hbm>>) dst(%arg14 : memref<128xi32, #tpu.memory_space<vmem>>)
          tpu.yield
        }) : () -> ()
        %get3A_436 = arith.constant 0 : index
        %get3A_437 = tpu.vector_load %arg12[%get3A_436] {strides = array<i32>} : memref<128xi32, #tpu.memory_space<vmem>>, vector<16xi32>,
        %get3A_438 = vector.shape_cast %get3A_437 : vector<16xi32> to vector<16xi32>
        %mul3A_439 = arith.constant 3600 : i32
        %mul3A_440 = vector.broadcast %mul3A_439 : i32 to vector<16xi32>
        %mul3A_441 = arith.muli %get3A_438, %mul3A_440 : vector<16xi32>
        %get3A_442 = arith.constant 0 : index
        %get3A_443 = tpu.vector_load %arg13[%get3A_442] {strides = array<i32>} : memref<128xi32, #tpu.memory_space<vmem>>, vector<16xi32>,
        %get3A_444 = vector.shape_cast %get3A_443 : vector<16xi32> to vector<16xi32>
        %mul3A_445 = arith.constant 20 : i32
        %mul3A_446 = vector.broadcast %mul3A_445 : i32 to vector<16xi32>
        %mul3A_447 = arith.muli %get3A_444, %mul3A_446 : vector<16xi32>
        %add3A_448 = arith.addi %mul3A_441, %mul3A_447 : vector<16xi32>
        %get3A_449 = arith.constant 0 : index
        %get3A_450 = tpu.vector_load %arg14[%get3A_449] {strides = array<i32>} : memref<128xi32, #tpu.memory_space<vmem>>, vector<16xi32>,
        %get3A_451 = vector.shape_cast %get3A_450 : vector<16xi32> to vector<16xi32>
        %add3A_452 = arith.addi %add3A_448, %get3A_451 : vector<16xi32>
        %swap3A_453 = arith.constant 0 : i32
        %swap3A_454 = arith.index_cast %swap3A_453 : i32 to index
        %swap3A_455 = arith.constant 0 : index
        %swap3A_456 = tpu.vector_load %arg15[%swap3A_454, %swap3A_455] {strides = array<i32>} : memref<2x128xi32, #tpu.memory_space<vmem>>, vector<1x16xi32>,
        %swap3A_457 = vector.shape_cast %swap3A_456 : vector<1x16xi32> to vector<16xi32>
        %swap3A_458 = vector.shape_cast %add3A_452 : vector<16xi32> to vector<1x16xi32>
        tpu.vector_store %arg15[%swap3A_454, %swap3A_455], %swap3A_458 {strides = array<i32>} : memref<2x128xi32, #tpu.memory_space<vmem>>, vector<1x16xi32>,
        %get3A_459 = arith.constant 16 : index
        %get3A_460 = tpu.vector_load %arg12[%get3A_459] {strides = array<i32>} : memref<128xi32, #tpu.memory_space<vmem>>, vector<16xi32>,
        %get3A_461 = vector.shape_cast %get3A_460 : vector<16xi32> to vector<16xi32>
        %mul3A_462 = arith.constant 3600 : i32
        %mul3A_463 = vector.broadcast %mul3A_462 : i32 to vector<16xi32>
        %mul3A_464 = arith.muli %get3A_461, %mul3A_463 : vector<16xi32>
        %get3A_465 = arith.constant 16 : index
        %get3A_466 = tpu.vector_load %arg13[%get3A_465] {strides = array<i32>} : memref<128xi32, #tpu.memory_space<vmem>>, vector<16xi32>,
        %get3A_467 = vector.shape_cast %get3A_466 : vector<16xi32> to vector<16xi32>
        %mul3A_468 = arith.constant 20 : i32
        %mul3A_469 = vector.broadcast %mul3A_468 : i32 to vector<16xi32>
        %mul3A_470 = arith.muli %get3A_467, %mul3A_469 : vector<16xi32>
        %add3A_471 = arith.addi %mul3A_464, %mul3A_470 : vector<16xi32>
        %get3A_472 = arith.constant 16 : index
        %get3A_473 = tpu.vector_load %arg14[%get3A_472] {strides = array<i32>} : memref<128xi32, #tpu.memory_space<vmem>>, vector<16xi32>,
        %get3A_474 = vector.shape_cast %get3A_473 : vector<16xi32> to vector<16xi32>
        %add3A_475 = arith.addi %add3A_471, %get3A_474 : vector<16xi32>
        %swap3A_476 = arith.constant 0 : i32
        %swap3A_477 = arith.index_cast %swap3A_476 : i32 to index
        %swap3A_478 = arith.constant 16 : index
        %swap3A_479 = tpu.vector_load %arg15[%swap3A_477, %swap3A_478] {strides = array<i32>} : memref<2x128xi32, #tpu.memory_space<vmem>>, vector<1x16xi32>,
        %swap3A_480 = vector.shape_cast %swap3A_479 : vector<1x16xi32> to vector<16xi32>
        %swap3A_481 = vector.shape_cast %add3A_475 : vector<16xi32> to vector<1x16xi32>
        tpu.vector_store %arg15[%swap3A_477, %swap3A_478], %swap3A_481 {strides = array<i32>} : memref<2x128xi32, #tpu.memory_space<vmem>>, vector<1x16xi32>,
        %get3A_482 = arith.constant 32 : index
        %get3A_483 = tpu.vector_load %arg12[%get3A_482] {strides = array<i32>} : memref<128xi32, #tpu.memory_space<vmem>>, vector<16xi32>,
        %get3A_484 = vector.shape_cast %get3A_483 : vector<16xi32> to vector<16xi32>
        %mul3A_485 = arith.constant 3600 : i32
        %mul3A_486 = vector.broadcast %mul3A_485 : i32 to vector<16xi32>
        %mul3A_487 = arith.muli %get3A_484, %mul3A_486 : vector<16xi32>
        %get3A_488 = arith.constant 32 : index
        %get3A_489 = tpu.vector_load %arg13[%get3A_488] {strides = array<i32>} : memref<128xi32, #tpu.memory_space<vmem>>, vector<16xi32>,
        %get3A_490 = vector.shape_cast %get3A_489 : vector<16xi32> to vector<16xi32>
        %mul3A_491 = arith.constant 20 : i32
        %mul3A_492 = vector.broadcast %mul3A_491 : i32 to vector<16xi32>
        %mul3A_493 = arith.muli %get3A_490, %mul3A_492 : vector<16xi32>
        %add3A_494 = arith.addi %mul3A_487, %mul3A_493 : vector<16xi32>
        %get3A_495 = arith.constant 32 : index
        %get3A_496 = tpu.vector_load %arg14[%get3A_495] {strides = array<i32>} : memref<128xi32, #tpu.memory_space<vmem>>, vector<16xi32>,
        %get3A_497 = vector.shape_cast %get3A_496 : vector<16xi32> to vector<16xi32>
        %add3A_498 = arith.addi %add3A_494, %get3A_497 : vector<16xi32>
        %swap3A_499 = arith.constant 0 : i32
        %swap3A_500 = arith.index_cast %swap3A_499 : i32 to index
        %swap3A_501 = arith.constant 32 : index
        %swap3A_502 = tpu.vector_load %arg15[%swap3A_500, %swap3A_501] {strides = array<i32>} : memref<2x128xi32, #tpu.memory_space<vmem>>, vector<1x16xi32>,
        %swap3A_503 = vector.shape_cast %swap3A_502 : vector<1x16xi32> to vector<16xi32>
        %swap3A_504 = vector.shape_cast %add3A_498 : vector<16xi32> to vector<1x16xi32>
        tpu.vector_store %arg15[%swap3A_500, %swap3A_501], %swap3A_504 {strides = array<i32>} : memref<2x128xi32, #tpu.memory_space<vmem>>, vector<1x16xi32>,
        %get3A_505 = arith.constant 48 : index
        %get3A_506 = tpu.vector_load %arg12[%get3A_505] {strides = array<i32>} : memref<128xi32, #tpu.memory_space<vmem>>, vector<16xi32>,
        %get3A_507 = vector.shape_cast %get3A_506 : vector<16xi32> to vector<16xi32>
        %mul3A_508 = arith.constant 3600 : i32
        %mul3A_509 = vector.broadcast %mul3A_508 : i32 to vector<16xi32>
        %mul3A_510 = arith.muli %get3A_507, %mul3A_509 : vector<16xi32>
        %get3A_511 = arith.constant 48 : index
        %get3A_512 = tpu.vector_load %arg13[%get3A_511] {strides = array<i32>} : memref<128xi32, #tpu.memory_space<vmem>>, vector<16xi32>,
        %get3A_513 = vector.shape_cast %get3A_512 : vector<16xi32> to vector<16xi32>
        %mul3A_514 = arith.constant 20 : i32
        %mul3A_515 = vector.broadcast %mul3A_514 : i32 to vector<16xi32>
        %mul3A_516 = arith.muli %get3A_513, %mul3A_515 : vector<16xi32>
        %add3A_517 = arith.addi %mul3A_510, %mul3A_516 : vector<16xi32>
        %get3A_518 = arith.constant 48 : index
        %get3A_519 = tpu.vector_load %arg14[%get3A_518] {strides = array<i32>} : memref<128xi32, #tpu.memory_space<vmem>>, vector<16xi32>,
        %get3A_520 = vector.shape_cast %get3A_519 : vector<16xi32> to vector<16xi32>
        %add3A_521 = arith.addi %add3A_517, %get3A_520 : vector<16xi32>
        %swap3A_522 = arith.constant 0 : i32
        %swap3A_523 = arith.index_cast %swap3A_522 : i32 to index
        %swap3A_524 = arith.constant 48 : index
        %swap3A_525 = tpu.vector_load %arg15[%swap3A_523, %swap3A_524] {strides = array<i32>} : memref<2x128xi32, #tpu.memory_space<vmem>>, vector<1x16xi32>,
        %swap3A_526 = vector.shape_cast %swap3A_525 : vector<1x16xi32> to vector<16xi32>
        %swap3A_527 = vector.shape_cast %add3A_521 : vector<16xi32> to vector<1x16xi32>
        tpu.vector_store %arg15[%swap3A_523, %swap3A_524], %swap3A_527 {strides = array<i32>} : memref<2x128xi32, #tpu.memory_space<vmem>>, vector<1x16xi32>,
        %get3A_528 = arith.constant 64 : index
        %get3A_529 = tpu.vector_load %arg12[%get3A_528] {strides = array<i32>} : memref<128xi32, #tpu.memory_space<vmem>>, vector<16xi32>,
        %get3A_530 = vector.shape_cast %get3A_529 : vector<16xi32> to vector<16xi32>
        %mul3A_531 = arith.constant 3600 : i32
        %mul3A_532 = vector.broadcast %mul3A_531 : i32 to vector<16xi32>
        %mul3A_533 = arith.muli %get3A_530, %mul3A_532 : vector<16xi32>
        %get3A_534 = arith.constant 64 : index
        %get3A_535 = tpu.vector_load %arg13[%get3A_534] {strides = array<i32>} : memref<128xi32, #tpu.memory_space<vmem>>, vector<16xi32>,
        %get3A_536 = vector.shape_cast %get3A_535 : vector<16xi32> to vector<16xi32>
        %mul3A_537 = arith.constant 20 : i32
        %mul3A_538 = vector.broadcast %mul3A_537 : i32 to vector<16xi32>
        %mul3A_539 = arith.muli %get3A_536, %mul3A_538 : vector<16xi32>
        %add3A_540 = arith.addi %mul3A_533, %mul3A_539 : vector<16xi32>
        %get3A_541 = arith.constant 64 : index
        %get3A_542 = tpu.vector_load %arg14[%get3A_541] {strides = array<i32>} : memref<128xi32, #tpu.memory_space<vmem>>, vector<16xi32>,
        %get3A_543 = vector.shape_cast %get3A_542 : vector<16xi32> to vector<16xi32>
        %add3A_544 = arith.addi %add3A_540, %get3A_543 : vector<16xi32>
        %swap3A_545 = arith.constant 0 : i32
        %swap3A_546 = arith.index_cast %swap3A_545 : i32 to index
        %swap3A_547 = arith.constant 64 : index
        %swap3A_548 = tpu.vector_load %arg15[%swap3A_546, %swap3A_547] {strides = array<i32>} : memref<2x128xi32, #tpu.memory_space<vmem>>, vector<1x16xi32>,
        %swap3A_549 = vector.shape_cast %swap3A_548 : vector<1x16xi32> to vector<16xi32>
        %swap3A_550 = vector.shape_cast %add3A_544 : vector<16xi32> to vector<1x16xi32>
        tpu.vector_store %arg15[%swap3A_546, %swap3A_547], %swap3A_550 {strides = array<i32>} : memref<2x128xi32, #tpu.memory_space<vmem>>, vector<1x16xi32>,
        %get3A_551 = arith.constant 80 : index
        %get3A_552 = tpu.vector_load %arg12[%get3A_551] {strides = array<i32>} : memref<128xi32, #tpu.memory_space<vmem>>, vector<16xi32>,
        %get3A_553 = vector.shape_cast %get3A_552 : vector<16xi32> to vector<16xi32>
        %mul3A_554 = arith.constant 3600 : i32
        %mul3A_555 = vector.broadcast %mul3A_554 : i32 to vector<16xi32>
        %mul3A_556 = arith.muli %get3A_553, %mul3A_555 : vector<16xi32>
        %get3A_557 = arith.constant 80 : index
        %get3A_558 = tpu.vector_load %arg13[%get3A_557] {strides = array<i32>} : memref<128xi32, #tpu.memory_space<vmem>>, vector<16xi32>,
        %get3A_559 = vector.shape_cast %get3A_558 : vector<16xi32> to vector<16xi32>
        %mul3A_560 = arith.constant 20 : i32
        %mul3A_561 = vector.broadcast %mul3A_560 : i32 to vector<16xi32>
        %mul3A_562 = arith.muli %get3A_559, %mul3A_561 : vector<16xi32>
        %add3A_563 = arith.addi %mul3A_556, %mul3A_562 : vector<16xi32>
        %get3A_564 = arith.constant 80 : index
        %get3A_565 = tpu.vector_load %arg14[%get3A_564] {strides = array<i32>} : memref<128xi32, #tpu.memory_space<vmem>>, vector<16xi32>,
        %get3A_566 = vector.shape_cast %get3A_565 : vector<16xi32> to vector<16xi32>
        %add3A_567 = arith.addi %add3A_563, %get3A_566 : vector<16xi32>
        %swap3A_568 = arith.constant 0 : i32
        %swap3A_569 = arith.index_cast %swap3A_568 : i32 to index
        %swap3A_570 = arith.constant 80 : index
        %swap3A_571 = tpu.vector_load %arg15[%swap3A_569, %swap3A_570] {strides = array<i32>} : memref<2x128xi32, #tpu.memory_space<vmem>>, vector<1x16xi32>,
        %swap3A_572 = vector.shape_cast %swap3A_571 : vector<1x16xi32> to vector<16xi32>
        %swap3A_573 = vector.shape_cast %add3A_567 : vector<16xi32> to vector<1x16xi32>
        tpu.vector_store %arg15[%swap3A_569, %swap3A_570], %swap3A_573 {strides = array<i32>} : memref<2x128xi32, #tpu.memory_space<vmem>>, vector<1x16xi32>,
        %get3A_574 = arith.constant 96 : index
        %get3A_575 = tpu.vector_load %arg12[%get3A_574] {strides = array<i32>} : memref<128xi32, #tpu.memory_space<vmem>>, vector<16xi32>,
        %get3A_576 = vector.shape_cast %get3A_575 : vector<16xi32> to vector<16xi32>
        %mul3A_577 = arith.constant 3600 : i32
        %mul3A_578 = vector.broadcast %mul3A_577 : i32 to vector<16xi32>
        %mul3A_579 = arith.muli %get3A_576, %mul3A_578 : vector<16xi32>
        %get3A_580 = arith.constant 96 : index
        %get3A_581 = tpu.vector_load %arg13[%get3A_580] {strides = array<i32>} : memref<128xi32, #tpu.memory_space<vmem>>, vector<16xi32>,
        %get3A_582 = vector.shape_cast %get3A_581 : vector<16xi32> to vector<16xi32>
        %mul3A_583 = arith.constant 20 : i32
        %mul3A_584 = vector.broadcast %mul3A_583 : i32 to vector<16xi32>
        %mul3A_585 = arith.muli %get3A_582, %mul3A_584 : vector<16xi32>
        %add3A_586 = arith.addi %mul3A_579, %mul3A_585 : vector<16xi32>
        %get3A_587 = arith.constant 96 : index
        %get3A_588 = tpu.vector_load %arg14[%get3A_587] {strides = array<i32>} : memref<128xi32, #tpu.memory_space<vmem>>, vector<16xi32>,
        %get3A_589 = vector.shape_cast %get3A_588 : vector<16xi32> to vector<16xi32>
        %add3A_590 = arith.addi %add3A_586, %get3A_589 : vector<16xi32>
        %swap3A_591 = arith.constant 0 : i32
        %swap3A_592 = arith.index_cast %swap3A_591 : i32 to index
        %swap3A_593 = arith.constant 96 : index
        %swap3A_594 = tpu.vector_load %arg15[%swap3A_592, %swap3A_593] {strides = array<i32>} : memref<2x128xi32, #tpu.memory_space<vmem>>, vector<1x16xi32>,
        %swap3A_595 = vector.shape_cast %swap3A_594 : vector<1x16xi32> to vector<16xi32>
        %swap3A_596 = vector.shape_cast %add3A_590 : vector<16xi32> to vector<1x16xi32>
        tpu.vector_store %arg15[%swap3A_592, %swap3A_593], %swap3A_596 {strides = array<i32>} : memref<2x128xi32, #tpu.memory_space<vmem>>, vector<1x16xi32>,
        %get3A_597 = arith.constant 112 : index
        %get3A_598 = tpu.vector_load %arg12[%get3A_597] {strides = array<i32>} : memref<128xi32, #tpu.memory_space<vmem>>, vector<16xi32>,
        %get3A_599 = vector.shape_cast %get3A_598 : vector<16xi32> to vector<16xi32>
        %mul3A_600 = arith.constant 3600 : i32
        %mul3A_601 = vector.broadcast %mul3A_600 : i32 to vector<16xi32>
        %mul3A_602 = arith.muli %get3A_599, %mul3A_601 : vector<16xi32>
        %get3A_603 = arith.constant 112 : index
        %get3A_604 = tpu.vector_load %arg13[%get3A_603] {strides = array<i32>} : memref<128xi32, #tpu.memory_space<vmem>>, vector<16xi32>,
        %get3A_605 = vector.shape_cast %get3A_604 : vector<16xi32> to vector<16xi32>
        %mul3A_606 = arith.constant 20 : i32
        %mul3A_607 = vector.broadcast %mul3A_606 : i32 to vector<16xi32>
        %mul3A_608 = arith.muli %get3A_605, %mul3A_607 : vector<16xi32>
        %add3A_609 = arith.addi %mul3A_602, %mul3A_608 : vector<16xi32>
        %get3A_610 = arith.constant 112 : index
        %get3A_611 = tpu.vector_load %arg14[%get3A_610] {strides = array<i32>} : memref<128xi32, #tpu.memory_space<vmem>>, vector<16xi32>,
        %get3A_612 = vector.shape_cast %get3A_611 : vector<16xi32> to vector<16xi32>
        %add3A_613 = arith.addi %add3A_609, %get3A_612 : vector<16xi32>
        %swap3A_614 = arith.constant 0 : i32
        %swap3A_615 = arith.index_cast %swap3A_614 : i32 to index
        %swap3A_616 = arith.constant 112 : index
        %swap3A_617 = tpu.vector_load %arg15[%swap3A_615, %swap3A_616] {strides = array<i32>} : memref<2x128xi32, #tpu.memory_space<vmem>>, vector<1x16xi32>,
        %swap3A_618 = vector.shape_cast %swap3A_617 : vector<1x16xi32> to vector<16xi32>
        %swap3A_619 = vector.shape_cast %add3A_613 : vector<16xi32> to vector<1x16xi32>
        tpu.vector_store %arg15[%swap3A_615, %swap3A_616], %swap3A_619 {strides = array<i32>} : memref<2x128xi32, #tpu.memory_space<vmem>>, vector<1x16xi32>,
        %dma_start3A_620 = arith.constant 0 : i32
        %dma_start3A_621 = arith.constant 0 : i32
        %dma_start3A_622 = arith.constant 0 : i32
        %dma_start3A_623 = arith.constant 0 : i32
        %dma_start3A_624 = arith.constant 0 : i32
        %dma_start3A_625 = tpu.memref_slice %arg16[%dma_start3A_621, %dma_start3A_623, %dma_start3A_624] : memref<2x128x64xf32, #tpu.memory_space<vmem>> -> memref<1x128x64xf32, #tpu.memory_space<vmem>>
        %dma_start3A_626 = tpu.memref_squeeze %dma_start3A_625 : memref<1x128x64xf32, #tpu.memory_space<vmem>> -> memref<128x64xf32, #tpu.memory_space<vmem>>
        %dma_start3A_627 = arith.constant 0 : i32
        %dma_start3A_628 = tpu.memref_slice %arg11[%dma_start3A_620, %dma_start3A_627] : memref<2x128xi32, #tpu.memory_space<vmem>> -> memref<1x128xi32, #tpu.memory_space<vmem>>
        %dma_start3A_629 = tpu.memref_squeeze %dma_start3A_628 : memref<1x128xi32, #tpu.memory_space<vmem>> -> memref<128xi32, #tpu.memory_space<vmem>>
        %dma_start3A_630 = arith.constant 0 : i32
        %dma_start3A_631 = arith.constant 0 : i32
        %dma_start3A_632 = tpu.memref_slice %arg6[%dma_start3A_630, %dma_start3A_631] : memref<100000x64xf32, #tpu.memory_space<hbm>> -> memref<100000x64xf32, #tpu.memory_space<hbm>>
        %dma_start3A_633 = tpu.memref_slice %arg20[%dma_start3A_622] : memref<2x!tpu.dma_semaphore, #tpu.memory_space<semaphore_mem>> -> memref<1x!tpu.dma_semaphore, #tpu.memory_space<semaphore_mem>>
        %dma_start3A_634 = tpu.memref_squeeze %dma_start3A_633 : memref<1x!tpu.dma_semaphore, #tpu.memory_space<semaphore_mem>> -> memref<!tpu.dma_semaphore, #tpu.memory_space<semaphore_mem>>
        tpu.enqueue_indirect_dma source(%dma_start3A_632 : memref<100000x64xf32, #tpu.memory_space<hbm>>) target(%dma_start3A_626 : memref<128x64xf32, #tpu.memory_space<vmem>>) offsets(%dma_start3A_629 : memref<128xi32, #tpu.memory_space<vmem>>) semaphore(%dma_start3A_634 : memref<!tpu.dma_semaphore, #tpu.memory_space<semaphore_mem>>)
        %dma_start3A_635 = arith.constant 0 : i32
        %dma_start3A_636 = arith.constant 0 : i32
        %dma_start3A_637 = arith.constant 0 : i32
        %dma_start3A_638 = arith.constant 0 : i32
        %dma_start3A_639 = arith.constant 0 : i32
        %dma_start3A_640 = tpu.memref_slice %arg17[%dma_start3A_636, %dma_start3A_638, %dma_start3A_639] : memref<2x128x64xf32, #tpu.memory_space<vmem>> -> memref<1x128x64xf32, #tpu.memory_space<vmem>>
        %dma_start3A_641 = tpu.memref_squeeze %dma_start3A_640 : memref<1x128x64xf32, #tpu.memory_space<vmem>> -> memref<128x64xf32, #tpu.memory_space<vmem>>
        %dma_start3A_642 = arith.constant 0 : i32
        %dma_start3A_643 = tpu.memref_slice %arg15[%dma_start3A_635, %dma_start3A_642] : memref<2x128xi32, #tpu.memory_space<vmem>> -> memref<1x128xi32, #tpu.memory_space<vmem>>
        %dma_start3A_644 = tpu.memref_squeeze %dma_start3A_643 : memref<1x128xi32, #tpu.memory_space<vmem>> -> memref<128xi32, #tpu.memory_space<vmem>>
        %dma_start3A_645 = arith.constant 0 : i32
        %dma_start3A_646 = arith.constant 0 : i32
        %dma_start3A_647 = tpu.memref_slice %arg7[%dma_start3A_645, %dma_start3A_646] : memref<7200x64xf32, #tpu.memory_space<hbm>> -> memref<7200x64xf32, #tpu.memory_space<hbm>>
        %dma_start3A_648 = tpu.memref_slice %arg20[%dma_start3A_637] : memref<2x!tpu.dma_semaphore, #tpu.memory_space<semaphore_mem>> -> memref<1x!tpu.dma_semaphore, #tpu.memory_space<semaphore_mem>>
        %dma_start3A_649 = tpu.memref_squeeze %dma_start3A_648 : memref<1x!tpu.dma_semaphore, #tpu.memory_space<semaphore_mem>> -> memref<!tpu.dma_semaphore, #tpu.memory_space<semaphore_mem>>
        tpu.enqueue_indirect_dma source(%dma_start3A_647 : memref<7200x64xf32, #tpu.memory_space<hbm>>) target(%dma_start3A_641 : memref<128x64xf32, #tpu.memory_space<vmem>>) offsets(%dma_start3A_644 : memref<128xi32, #tpu.memory_space<vmem>>) semaphore(%dma_start3A_649 : memref<!tpu.dma_semaphore, #tpu.memory_space<semaphore_mem>>)
      } else {
      }
      %dma_wait3A_373 = arith.constant 1 : i32
      %dma_wait3A_374 = arith.constant 1 : i32
      %dma_wait3A_375 = arith.constant 1 : i32
      %dma_wait3A_376 = arith.constant 0 : i32
      %dma_wait3A_377 = arith.constant 0 : i32
      %dma_wait3A_378 = tpu.memref_slice %arg16[%dma_wait3A_374, %dma_wait3A_376, %dma_wait3A_377] : memref<2x128x64xf32, #tpu.memory_space<vmem>> -> memref<1x128x64xf32, #tpu.memory_space<vmem>>
      %dma_wait3A_379 = tpu.memref_squeeze %dma_wait3A_378 : memref<1x128x64xf32, #tpu.memory_space<vmem>> -> memref<128x64xf32, #tpu.memory_space<vmem>>
      %dma_wait3A_380 = arith.constant 0 : i32
      %dma_wait3A_381 = tpu.memref_slice %arg11[%dma_wait3A_373, %dma_wait3A_380] : memref<2x128xi32, #tpu.memory_space<vmem>> -> memref<1x128xi32, #tpu.memory_space<vmem>>
      %dma_wait3A_382 = tpu.memref_squeeze %dma_wait3A_381 : memref<1x128xi32, #tpu.memory_space<vmem>> -> memref<128xi32, #tpu.memory_space<vmem>>
      %dma_wait3A_383 = arith.constant 0 : i32
      %dma_wait3A_384 = arith.constant 0 : i32
      %dma_wait3A_385 = tpu.memref_slice %arg6[%dma_wait3A_383, %dma_wait3A_384] : memref<100000x64xf32, #tpu.memory_space<hbm>> -> memref<100000x64xf32, #tpu.memory_space<hbm>>
      %dma_wait3A_386 = tpu.memref_slice %arg20[%dma_wait3A_375] : memref<2x!tpu.dma_semaphore, #tpu.memory_space<semaphore_mem>> -> memref<1x!tpu.dma_semaphore, #tpu.memory_space<semaphore_mem>>
      %dma_wait3A_387 = tpu.memref_squeeze %dma_wait3A_386 : memref<1x!tpu.dma_semaphore, #tpu.memory_space<semaphore_mem>> -> memref<!tpu.dma_semaphore, #tpu.memory_space<semaphore_mem>>
      tpu.wait_indirect_dma semaphore(%dma_wait3A_387 : memref<!tpu.dma_semaphore, #tpu.memory_space<semaphore_mem>>) src(%dma_wait3A_385 : memref<100000x64xf32, #tpu.memory_space<hbm>>) dst(%dma_wait3A_379 : memref<128x64xf32, #tpu.memory_space<vmem>>)
      %dma_wait3A_388 = arith.constant 1 : i32
      %dma_wait3A_389 = arith.constant 1 : i32
      %dma_wait3A_390 = arith.constant 1 : i32
      %dma_wait3A_391 = arith.constant 0 : i32
      %dma_wait3A_392 = arith.constant 0 : i32
      %dma_wait3A_393 = tpu.memref_slice %arg17[%dma_wait3A_389, %dma_wait3A_391, %dma_wait3A_392] : memref<2x128x64xf32, #tpu.memory_space<vmem>> -> memref<1x128x64xf32, #tpu.memory_space<vmem>>
      %dma_wait3A_394 = tpu.memref_squeeze %dma_wait3A_393 : memref<1x128x64xf32, #tpu.memory_space<vmem>> -> memref<128x64xf32, #tpu.memory_space<vmem>>
      %dma_wait3A_395 = arith.constant 0 : i32
      %dma_wait3A_396 = tpu.memref_slice %arg15[%dma_wait3A_388, %dma_wait3A_395] : memref<2x128xi32, #tpu.memory_space<vmem>> -> memref<1x128xi32, #tpu.memory_space<vmem>>
      %dma_wait3A_397 = tpu.memref_squeeze %dma_wait3A_396 : memref<1x128xi32, #tpu.memory_space<vmem>> -> memref<128xi32, #tpu.memory_space<vmem>>
      %dma_wait3A_398 = arith.constant 0 : i32
      %dma_wait3A_399 = arith.constant 0 : i32
      %dma_wait3A_400 = tpu.memref_slice %arg7[%dma_wait3A_398, %dma_wait3A_399] : memref<7200x64xf32, #tpu.memory_space<hbm>> -> memref<7200x64xf32, #tpu.memory_space<hbm>>
      %dma_wait3A_401 = tpu.memref_slice %arg20[%dma_wait3A_390] : memref<2x!tpu.dma_semaphore, #tpu.memory_space<semaphore_mem>> -> memref<1x!tpu.dma_semaphore, #tpu.memory_space<semaphore_mem>>
      %dma_wait3A_402 = tpu.memref_squeeze %dma_wait3A_401 : memref<1x!tpu.dma_semaphore, #tpu.memory_space<semaphore_mem>> -> memref<!tpu.dma_semaphore, #tpu.memory_space<semaphore_mem>>
      tpu.wait_indirect_dma semaphore(%dma_wait3A_402 : memref<!tpu.dma_semaphore, #tpu.memory_space<semaphore_mem>>) src(%dma_wait3A_400 : memref<7200x64xf32, #tpu.memory_space<hbm>>) dst(%dma_wait3A_394 : memref<128x64xf32, #tpu.memory_space<vmem>>)
      %ge3A_403 = arith.constant 2 : i32
      %ge3A_404 = arith.cmpi sge, %add3A_365, %ge3A_403 : i32
      %convert_element_type3A_405 = arith.extui %ge3A_404 : i1 to i32
      %cond3A_406 = arith.constant 0 : i32
      %cond3A_407 = arith.cmpi ne, %convert_element_type3A_405, %cond3A_406 : i32
      scf.if %cond3A_407 {
        %sub3A = arith.constant 2 : i32
        %sub3A_430 = arith.subi %add3A_365, %sub3A : i32
        %mul3A_431 = arith.constant 128 : i32
        %mul3A_432 = arith.muli %sub3A_430, %mul3A_431 : i32
        %add3A_433 = arith.addi %mul3A_2, %mul3A_432 : i32
        %dma_wait3A_434 = arith.constant 1 : i32
        %dma_wait3A_435 = arith.constant 1 : i32
        %dma_wait3A_436 = arith.constant 0 : i32
        %dma_wait3A_437 = arith.constant 0 : i32
        %dma_wait3A_438 = tpu.memref_slice %arg18[%dma_wait3A_434, %dma_wait3A_436, %dma_wait3A_437] : memref<2x128x64xf32, #tpu.memory_space<vmem>> -> memref<1x128x64xf32, #tpu.memory_space<vmem>>
        %dma_wait3A_439 = tpu.memref_squeeze %dma_wait3A_438 : memref<1x128x64xf32, #tpu.memory_space<vmem>> -> memref<128x64xf32, #tpu.memory_space<vmem>>
        %dma_wait3A_440 = arith.constant 0 : i32
        %dma_wait3A_441 = tpu.memref_slice %arg10[%add3A_433, %dma_wait3A_440] : memref<204800x64xf32, #tpu.memory_space<hbm>> -> memref<128x64xf32, #tpu.memory_space<hbm>>
        %dma_wait3A_442 = tpu.memref_slice %arg21[%dma_wait3A_435] : memref<2x!tpu.dma_semaphore, #tpu.memory_space<semaphore_mem>> -> memref<1x!tpu.dma_semaphore, #tpu.memory_space<semaphore_mem>>
        %dma_wait3A_443 = tpu.memref_squeeze %dma_wait3A_442 : memref<1x!tpu.dma_semaphore, #tpu.memory_space<semaphore_mem>> -> memref<!tpu.dma_semaphore, #tpu.memory_space<semaphore_mem>>
        %dma_wait3A_444 = arith.constant 0 : i32
        %dma_wait3A_445 = tpu.memref_slice %arg10[%add3A_433, %dma_wait3A_444] : memref<204800x64xf32, #tpu.memory_space<hbm>> -> memref<128x64xf32, #tpu.memory_space<hbm>>
        %dma_wait3A_446 = arith.constant 0 : i32
        %dma_wait3A_447 = arith.constant 0 : i32
        %dma_wait3A_448 = tpu.memref_slice %arg18[%dma_wait3A_434, %dma_wait3A_446, %dma_wait3A_447] : memref<2x128x64xf32, #tpu.memory_space<vmem>> -> memref<1x128x64xf32, #tpu.memory_space<vmem>>
        %dma_wait3A_449 = tpu.memref_squeeze %dma_wait3A_448 : memref<1x128x64xf32, #tpu.memory_space<vmem>> -> memref<128x64xf32, #tpu.memory_space<vmem>>
        tpu.wait_dma2 semaphore(%dma_wait3A_443 : memref<!tpu.dma_semaphore, #tpu.memory_space<semaphore_mem>>) src(%dma_wait3A_449 : memref<128x64xf32, #tpu.memory_space<vmem>>) dst(%dma_wait3A_445 : memref<128x64xf32, #tpu.memory_space<hbm>>)
      } else {
      }
      %parallel_loop3A_408 = arith.constant 0 : i32
      %parallel_loop3A_409 = arith.constant 128 : i32
      %parallel_loop3A_410 = arith.constant 1 : i32
      scf.for %parallel_loop3A_430 = %parallel_loop3A_408 to %parallel_loop3A_409 step %parallel_loop3A_410  : i32 {
        %parallel_loop3A_431 = arith.constant 1 : i32
        %parallel_loop3A_432 = arith.index_cast %parallel_loop3A_431 : i32 to index
        %parallel_loop3A_433 = arith.index_cast %parallel_loop3A_430 : i32 to index
        %parallel_loop3A_434 = arith.constant 0 : index
        %parallel_loop3A_435 = tpu.vector_load %arg16[%parallel_loop3A_432, %parallel_loop3A_433, %parallel_loop3A_434] {strides = array<i32>} : memref<2x128x64xf32, #tpu.memory_space<vmem>>, vector<1x1x16xf32>,
        %parallel_loop3A_436 = vector.shape_cast %parallel_loop3A_435 : vector<1x1x16xf32> to vector<16xf32>
        %parallel_loop3A_437 = arith.constant 1 : i32
        %parallel_loop3A_438 = arith.index_cast %parallel_loop3A_437 : i32 to index
        %parallel_loop3A_439 = arith.index_cast %parallel_loop3A_430 : i32 to index
        %parallel_loop3A_440 = arith.constant 0 : index
        %parallel_loop3A_441 = tpu.vector_load %arg17[%parallel_loop3A_438, %parallel_loop3A_439, %parallel_loop3A_440] {strides = array<i32>} : memref<2x128x64xf32, #tpu.memory_space<vmem>>, vector<1x1x16xf32>,
        %parallel_loop3A_442 = vector.shape_cast %parallel_loop3A_441 : vector<1x1x16xf32> to vector<16xf32>
        %parallel_loop3A_443 = arith.addf %parallel_loop3A_436, %parallel_loop3A_442 : vector<16xf32>
        %parallel_loop3A_444 = arith.constant 1 : i32
        %parallel_loop3A_445 = arith.index_cast %parallel_loop3A_444 : i32 to index
        %parallel_loop3A_446 = arith.index_cast %parallel_loop3A_430 : i32 to index
        %parallel_loop3A_447 = arith.constant 16 : index
        %parallel_loop3A_448 = tpu.vector_load %arg16[%parallel_loop3A_445, %parallel_loop3A_446, %parallel_loop3A_447] {strides = array<i32>} : memref<2x128x64xf32, #tpu.memory_space<vmem>>, vector<1x1x16xf32>,
        %parallel_loop3A_449 = vector.shape_cast %parallel_loop3A_448 : vector<1x1x16xf32> to vector<16xf32>
        %parallel_loop3A_450 = arith.constant 1 : i32
        %parallel_loop3A_451 = arith.index_cast %parallel_loop3A_450 : i32 to index
        %parallel_loop3A_452 = arith.index_cast %parallel_loop3A_430 : i32 to index
        %parallel_loop3A_453 = arith.constant 16 : index
        %parallel_loop3A_454 = tpu.vector_load %arg17[%parallel_loop3A_451, %parallel_loop3A_452, %parallel_loop3A_453] {strides = array<i32>} : memref<2x128x64xf32, #tpu.memory_space<vmem>>, vector<1x1x16xf32>,
        %parallel_loop3A_455 = vector.shape_cast %parallel_loop3A_454 : vector<1x1x16xf32> to vector<16xf32>
        %parallel_loop3A_456 = arith.addf %parallel_loop3A_449, %parallel_loop3A_455 : vector<16xf32>
        %parallel_loop3A_457 = arith.constant 1 : i32
        %parallel_loop3A_458 = arith.index_cast %parallel_loop3A_457 : i32 to index
        %parallel_loop3A_459 = arith.index_cast %parallel_loop3A_430 : i32 to index
        %parallel_loop3A_460 = arith.constant 32 : index
        %parallel_loop3A_461 = tpu.vector_load %arg16[%parallel_loop3A_458, %parallel_loop3A_459, %parallel_loop3A_460] {strides = array<i32>} : memref<2x128x64xf32, #tpu.memory_space<vmem>>, vector<1x1x16xf32>,
        %parallel_loop3A_462 = vector.shape_cast %parallel_loop3A_461 : vector<1x1x16xf32> to vector<16xf32>
        %parallel_loop3A_463 = arith.constant 1 : i32
        %parallel_loop3A_464 = arith.index_cast %parallel_loop3A_463 : i32 to index
        %parallel_loop3A_465 = arith.index_cast %parallel_loop3A_430 : i32 to index
        %parallel_loop3A_466 = arith.constant 32 : index
        %parallel_loop3A_467 = tpu.vector_load %arg17[%parallel_loop3A_464, %parallel_loop3A_465, %parallel_loop3A_466] {strides = array<i32>} : memref<2x128x64xf32, #tpu.memory_space<vmem>>, vector<1x1x16xf32>,
        %parallel_loop3A_468 = vector.shape_cast %parallel_loop3A_467 : vector<1x1x16xf32> to vector<16xf32>
        %parallel_loop3A_469 = arith.addf %parallel_loop3A_462, %parallel_loop3A_468 : vector<16xf32>
        %parallel_loop3A_470 = arith.constant 1 : i32
        %parallel_loop3A_471 = arith.index_cast %parallel_loop3A_470 : i32 to index
        %parallel_loop3A_472 = arith.index_cast %parallel_loop3A_430 : i32 to index
        %parallel_loop3A_473 = arith.constant 48 : index
        %parallel_loop3A_474 = tpu.vector_load %arg16[%parallel_loop3A_471, %parallel_loop3A_472, %parallel_loop3A_473] {strides = array<i32>} : memref<2x128x64xf32, #tpu.memory_space<vmem>>, vector<1x1x16xf32>,
        %parallel_loop3A_475 = vector.shape_cast %parallel_loop3A_474 : vector<1x1x16xf32> to vector<16xf32>
        %parallel_loop3A_476 = arith.constant 1 : i32
        %parallel_loop3A_477 = arith.index_cast %parallel_loop3A_476 : i32 to index
        %parallel_loop3A_478 = arith.index_cast %parallel_loop3A_430 : i32 to index
        %parallel_loop3A_479 = arith.constant 48 : index
        %parallel_loop3A_480 = tpu.vector_load %arg17[%parallel_loop3A_477, %parallel_loop3A_478, %parallel_loop3A_479] {strides = array<i32>} : memref<2x128x64xf32, #tpu.memory_space<vmem>>, vector<1x1x16xf32>,
        %parallel_loop3A_481 = vector.shape_cast %parallel_loop3A_480 : vector<1x1x16xf32> to vector<16xf32>
        %parallel_loop3A_482 = arith.addf %parallel_loop3A_475, %parallel_loop3A_481 : vector<16xf32>
        %parallel_loop3A_483 = arith.addf %parallel_loop3A_443, %parallel_loop3A_456 : vector<16xf32>
        %parallel_loop3A_484 = arith.addf %parallel_loop3A_469, %parallel_loop3A_482 : vector<16xf32>
        %parallel_loop3A_485 = arith.addf %parallel_loop3A_483, %parallel_loop3A_484 : vector<16xf32>
        %parallel_loop3A_486 = arith.mulf %parallel_loop3A_443, %parallel_loop3A_443 : vector<16xf32>
        %parallel_loop3A_487 = arith.mulf %parallel_loop3A_456, %parallel_loop3A_456 : vector<16xf32>
        %parallel_loop3A_488 = arith.addf %parallel_loop3A_486, %parallel_loop3A_487 : vector<16xf32>
        %parallel_loop3A_489 = arith.mulf %parallel_loop3A_469, %parallel_loop3A_469 : vector<16xf32>
        %parallel_loop3A_490 = arith.mulf %parallel_loop3A_482, %parallel_loop3A_482 : vector<16xf32>
        %parallel_loop3A_491 = arith.addf %parallel_loop3A_489, %parallel_loop3A_490 : vector<16xf32>
        %parallel_loop3A_492 = arith.addf %parallel_loop3A_488, %parallel_loop3A_491 : vector<16xf32>
        %parallel_loop3A_493 = tpu.iota {dimensions = array<i32: 0>} : vector<16xi32>
        %parallel_loop3A_494 = arith.constant 1 : i32
        %parallel_loop3A_495 = vector.broadcast %parallel_loop3A_494 : i32 to vector<16xi32>
        %parallel_loop3A_496 = arith.xori %parallel_loop3A_493, %parallel_loop3A_495 : vector<16xi32>
        %parallel_loop3A_497 = vector.shape_cast %parallel_loop3A_496 : vector<16xi32> to vector<16x1xi32>
        %parallel_loop3A_498 = vector.shape_cast %parallel_loop3A_497 : vector<16x1xi32> to vector<16xi32>
        %parallel_loop3A_499 = tpu.dynamic_gather %parallel_loop3A_485[%parallel_loop3A_498] in [0] : vector<16xf32>, vector<16xi32> -> vector<16xf32>
        %parallel_loop3A_500 = arith.addf %parallel_loop3A_485, %parallel_loop3A_499 : vector<16xf32>
        %parallel_loop3A_501 = arith.constant 2 : i32
        %parallel_loop3A_502 = vector.broadcast %parallel_loop3A_501 : i32 to vector<16xi32>
        %parallel_loop3A_503 = arith.xori %parallel_loop3A_493, %parallel_loop3A_502 : vector<16xi32>
        %parallel_loop3A_504 = vector.shape_cast %parallel_loop3A_503 : vector<16xi32> to vector<16x1xi32>
        %parallel_loop3A_505 = vector.shape_cast %parallel_loop3A_504 : vector<16x1xi32> to vector<16xi32>
        %parallel_loop3A_506 = tpu.dynamic_gather %parallel_loop3A_500[%parallel_loop3A_505] in [0] : vector<16xf32>, vector<16xi32> -> vector<16xf32>
        %parallel_loop3A_507 = arith.addf %parallel_loop3A_500, %parallel_loop3A_506 : vector<16xf32>
        %parallel_loop3A_508 = arith.constant 4 : i32
        %parallel_loop3A_509 = vector.broadcast %parallel_loop3A_508 : i32 to vector<16xi32>
        %parallel_loop3A_510 = arith.xori %parallel_loop3A_493, %parallel_loop3A_509 : vector<16xi32>
        %parallel_loop3A_511 = vector.shape_cast %parallel_loop3A_510 : vector<16xi32> to vector<16x1xi32>
        %parallel_loop3A_512 = vector.shape_cast %parallel_loop3A_511 : vector<16x1xi32> to vector<16xi32>
        %parallel_loop3A_513 = tpu.dynamic_gather %parallel_loop3A_507[%parallel_loop3A_512] in [0] : vector<16xf32>, vector<16xi32> -> vector<16xf32>
        %parallel_loop3A_514 = arith.addf %parallel_loop3A_507, %parallel_loop3A_513 : vector<16xf32>
        %parallel_loop3A_515 = arith.constant 8 : i32
        %parallel_loop3A_516 = vector.broadcast %parallel_loop3A_515 : i32 to vector<16xi32>
        %parallel_loop3A_517 = arith.xori %parallel_loop3A_493, %parallel_loop3A_516 : vector<16xi32>
        %parallel_loop3A_518 = vector.shape_cast %parallel_loop3A_517 : vector<16xi32> to vector<16x1xi32>
        %parallel_loop3A_519 = vector.shape_cast %parallel_loop3A_518 : vector<16x1xi32> to vector<16xi32>
        %parallel_loop3A_520 = tpu.dynamic_gather %parallel_loop3A_514[%parallel_loop3A_519] in [0] : vector<16xf32>, vector<16xi32> -> vector<16xf32>
        %parallel_loop3A_521 = arith.addf %parallel_loop3A_514, %parallel_loop3A_520 : vector<16xf32>
        %parallel_loop3A_522 = tpu.iota {dimensions = array<i32: 0>} : vector<16xi32>
        %parallel_loop3A_523 = arith.constant 1 : i32
        %parallel_loop3A_524 = vector.broadcast %parallel_loop3A_523 : i32 to vector<16xi32>
        %parallel_loop3A_525 = arith.xori %parallel_loop3A_522, %parallel_loop3A_524 : vector<16xi32>
        %parallel_loop3A_526 = vector.shape_cast %parallel_loop3A_525 : vector<16xi32> to vector<16x1xi32>
        %parallel_loop3A_527 = vector.shape_cast %parallel_loop3A_526 : vector<16x1xi32> to vector<16xi32>
        %parallel_loop3A_528 = tpu.dynamic_gather %parallel_loop3A_492[%parallel_loop3A_527] in [0] : vector<16xf32>, vector<16xi32> -> vector<16xf32>
        %parallel_loop3A_529 = arith.addf %parallel_loop3A_492, %parallel_loop3A_528 : vector<16xf32>
        %parallel_loop3A_530 = arith.constant 2 : i32
        %parallel_loop3A_531 = vector.broadcast %parallel_loop3A_530 : i32 to vector<16xi32>
        %parallel_loop3A_532 = arith.xori %parallel_loop3A_522, %parallel_loop3A_531 : vector<16xi32>
        %parallel_loop3A_533 = vector.shape_cast %parallel_loop3A_532 : vector<16xi32> to vector<16x1xi32>
        %parallel_loop3A_534 = vector.shape_cast %parallel_loop3A_533 : vector<16x1xi32> to vector<16xi32>
        %parallel_loop3A_535 = tpu.dynamic_gather %parallel_loop3A_529[%parallel_loop3A_534] in [0] : vector<16xf32>, vector<16xi32> -> vector<16xf32>
        %parallel_loop3A_536 = arith.addf %parallel_loop3A_529, %parallel_loop3A_535 : vector<16xf32>
        %parallel_loop3A_537 = arith.constant 4 : i32
        %parallel_loop3A_538 = vector.broadcast %parallel_loop3A_537 : i32 to vector<16xi32>
        %parallel_loop3A_539 = arith.xori %parallel_loop3A_522, %parallel_loop3A_538 : vector<16xi32>
        %parallel_loop3A_540 = vector.shape_cast %parallel_loop3A_539 : vector<16xi32> to vector<16x1xi32>
        %parallel_loop3A_541 = vector.shape_cast %parallel_loop3A_540 : vector<16x1xi32> to vector<16xi32>
        %parallel_loop3A_542 = tpu.dynamic_gather %parallel_loop3A_536[%parallel_loop3A_541] in [0] : vector<16xf32>, vector<16xi32> -> vector<16xf32>
        %parallel_loop3A_543 = arith.addf %parallel_loop3A_536, %parallel_loop3A_542 : vector<16xf32>
        %parallel_loop3A_544 = arith.constant 8 : i32
        %parallel_loop3A_545 = vector.broadcast %parallel_loop3A_544 : i32 to vector<16xi32>
        %parallel_loop3A_546 = arith.xori %parallel_loop3A_522, %parallel_loop3A_545 : vector<16xi32>
        %parallel_loop3A_547 = vector.shape_cast %parallel_loop3A_546 : vector<16xi32> to vector<16x1xi32>
        %parallel_loop3A_548 = vector.shape_cast %parallel_loop3A_547 : vector<16x1xi32> to vector<16xi32>
        %parallel_loop3A_549 = tpu.dynamic_gather %parallel_loop3A_543[%parallel_loop3A_548] in [0] : vector<16xf32>, vector<16xi32> -> vector<16xf32>
        %parallel_loop3A_550 = arith.addf %parallel_loop3A_543, %parallel_loop3A_549 : vector<16xf32>
        %parallel_loop3A_551 = arith.constant 1.562500e-02 : f32
        %parallel_loop3A_552 = vector.broadcast %parallel_loop3A_551 : f32 to vector<16xf32>
        %parallel_loop3A_553 = arith.mulf %parallel_loop3A_521, %parallel_loop3A_552 : vector<16xf32>
        %parallel_loop3A_554 = arith.constant 1.562500e-02 : f32
        %parallel_loop3A_555 = vector.broadcast %parallel_loop3A_554 : f32 to vector<16xf32>
        %parallel_loop3A_556 = arith.mulf %parallel_loop3A_550, %parallel_loop3A_555 : vector<16xf32>
        %parallel_loop3A_557 = arith.mulf %parallel_loop3A_553, %parallel_loop3A_553 : vector<16xf32>
        %parallel_loop3A_558 = arith.subf %parallel_loop3A_556, %parallel_loop3A_557 : vector<16xf32>
        %parallel_loop3A_559 = arith.constant 9.99999996E-13 : f32
        %parallel_loop3A_560 = vector.broadcast %parallel_loop3A_559 : f32 to vector<16xf32>
        %parallel_loop3A_561 = arith.addf %parallel_loop3A_558, %parallel_loop3A_560 : vector<16xf32>
        %parallel_loop3A_562 = tpu.bitcast %parallel_loop3A_561 : vector<16xf32> -> vector<16xi32>
        %parallel_loop3A_563 = arith.constant 1 : i32
        %parallel_loop3A_564 = vector.broadcast %parallel_loop3A_563 : i32 to vector<16xi32>
        %parallel_loop3A_565 = arith.shrsi %parallel_loop3A_562, %parallel_loop3A_564 : vector<16xi32>
        %parallel_loop3A_566 = arith.constant 1597463007 : i32
        %parallel_loop3A_567 = vector.broadcast %parallel_loop3A_566 : i32 to vector<16xi32>
        %parallel_loop3A_568 = arith.subi %parallel_loop3A_567, %parallel_loop3A_565 : vector<16xi32>
        %parallel_loop3A_569 = tpu.bitcast %parallel_loop3A_568 : vector<16xi32> -> vector<16xf32>
        %parallel_loop3A_570 = arith.constant 5.000000e-01 : f32
        %parallel_loop3A_571 = vector.broadcast %parallel_loop3A_570 : f32 to vector<16xf32>
        %parallel_loop3A_572 = arith.mulf %parallel_loop3A_571, %parallel_loop3A_561 : vector<16xf32>
        %parallel_loop3A_573 = arith.mulf %parallel_loop3A_572, %parallel_loop3A_569 : vector<16xf32>
        %parallel_loop3A_574 = arith.mulf %parallel_loop3A_573, %parallel_loop3A_569 : vector<16xf32>
        %parallel_loop3A_575 = arith.constant 1.500000e+00 : f32
        %parallel_loop3A_576 = vector.broadcast %parallel_loop3A_575 : f32 to vector<16xf32>
        %parallel_loop3A_577 = arith.subf %parallel_loop3A_576, %parallel_loop3A_574 : vector<16xf32>
        %parallel_loop3A_578 = arith.mulf %parallel_loop3A_569, %parallel_loop3A_577 : vector<16xf32>
        %parallel_loop3A_579 = arith.constant 5.000000e-01 : f32
        %parallel_loop3A_580 = vector.broadcast %parallel_loop3A_579 : f32 to vector<16xf32>
        %parallel_loop3A_581 = arith.mulf %parallel_loop3A_580, %parallel_loop3A_561 : vector<16xf32>
        %parallel_loop3A_582 = arith.mulf %parallel_loop3A_581, %parallel_loop3A_578 : vector<16xf32>
        %parallel_loop3A_583 = arith.mulf %parallel_loop3A_582, %parallel_loop3A_578 : vector<16xf32>
        %parallel_loop3A_584 = arith.constant 1.500000e+00 : f32
        %parallel_loop3A_585 = vector.broadcast %parallel_loop3A_584 : f32 to vector<16xf32>
        %parallel_loop3A_586 = arith.subf %parallel_loop3A_585, %parallel_loop3A_583 : vector<16xf32>
        %parallel_loop3A_587 = arith.mulf %parallel_loop3A_578, %parallel_loop3A_586 : vector<16xf32>
        %parallel_loop3A_588 = arith.constant 5.000000e-01 : f32
        %parallel_loop3A_589 = vector.broadcast %parallel_loop3A_588 : f32 to vector<16xf32>
        %parallel_loop3A_590 = arith.mulf %parallel_loop3A_589, %parallel_loop3A_561 : vector<16xf32>
        %parallel_loop3A_591 = arith.mulf %parallel_loop3A_590, %parallel_loop3A_587 : vector<16xf32>
        %parallel_loop3A_592 = arith.mulf %parallel_loop3A_591, %parallel_loop3A_587 : vector<16xf32>
        %parallel_loop3A_593 = arith.constant 1.500000e+00 : f32
        %parallel_loop3A_594 = vector.broadcast %parallel_loop3A_593 : f32 to vector<16xf32>
        %parallel_loop3A_595 = arith.subf %parallel_loop3A_594, %parallel_loop3A_592 : vector<16xf32>
        %parallel_loop3A_596 = arith.mulf %parallel_loop3A_587, %parallel_loop3A_595 : vector<16xf32>
        %parallel_loop3A_597 = arith.subf %parallel_loop3A_443, %parallel_loop3A_553 : vector<16xf32>
        %parallel_loop3A_598 = arith.mulf %parallel_loop3A_597, %parallel_loop3A_596 : vector<16xf32>
        %parallel_loop3A_599 = arith.mulf %parallel_loop3A_598, %get3A_7 : vector<16xf32>
        %parallel_loop3A_600 = arith.addf %parallel_loop3A_599, %get3A_27 : vector<16xf32>
        %parallel_loop3A_601 = arith.constant 1 : i32
        %parallel_loop3A_602 = arith.index_cast %parallel_loop3A_601 : i32 to index
        %parallel_loop3A_603 = arith.index_cast %parallel_loop3A_430 : i32 to index
        %parallel_loop3A_604 = arith.constant 0 : index
        %parallel_loop3A_605 = tpu.vector_load %arg18[%parallel_loop3A_602, %parallel_loop3A_603, %parallel_loop3A_604] {strides = array<i32>} : memref<2x128x64xf32, #tpu.memory_space<vmem>>, vector<1x1x16xf32>,
        %parallel_loop3A_606 = vector.shape_cast %parallel_loop3A_605 : vector<1x1x16xf32> to vector<16xf32>
        %parallel_loop3A_607 = vector.shape_cast %parallel_loop3A_600 : vector<16xf32> to vector<1x1x16xf32>
        tpu.vector_store %arg18[%parallel_loop3A_602, %parallel_loop3A_603, %parallel_loop3A_604], %parallel_loop3A_607 {strides = array<i32>} : memref<2x128x64xf32, #tpu.memory_space<vmem>>, vector<1x1x16xf32>,
        %parallel_loop3A_608 = arith.subf %parallel_loop3A_456, %parallel_loop3A_553 : vector<16xf32>
        %parallel_loop3A_609 = arith.mulf %parallel_loop3A_608, %parallel_loop3A_596 : vector<16xf32>
        %parallel_loop3A_610 = arith.mulf %parallel_loop3A_609, %get3A_12 : vector<16xf32>
        %parallel_loop3A_611 = arith.addf %parallel_loop3A_610, %get3A_32 : vector<16xf32>
        %parallel_loop3A_612 = arith.constant 1 : i32
        %parallel_loop3A_613 = arith.index_cast %parallel_loop3A_612 : i32 to index
        %parallel_loop3A_614 = arith.index_cast %parallel_loop3A_430 : i32 to index
        %parallel_loop3A_615 = arith.constant 16 : index
        %parallel_loop3A_616 = tpu.vector_load %arg18[%parallel_loop3A_613, %parallel_loop3A_614, %parallel_loop3A_615] {strides = array<i32>} : memref<2x128x64xf32, #tpu.memory_space<vmem>>, vector<1x1x16xf32>,
        %parallel_loop3A_617 = vector.shape_cast %parallel_loop3A_616 : vector<1x1x16xf32> to vector<16xf32>
        %parallel_loop3A_618 = vector.shape_cast %parallel_loop3A_611 : vector<16xf32> to vector<1x1x16xf32>
        tpu.vector_store %arg18[%parallel_loop3A_613, %parallel_loop3A_614, %parallel_loop3A_615], %parallel_loop3A_618 {strides = array<i32>} : memref<2x128x64xf32, #tpu.memory_space<vmem>>, vector<1x1x16xf32>,
        %parallel_loop3A_619 = arith.subf %parallel_loop3A_469, %parallel_loop3A_553 : vector<16xf32>
        %parallel_loop3A_620 = arith.mulf %parallel_loop3A_619, %parallel_loop3A_596 : vector<16xf32>
        %parallel_loop3A_621 = arith.mulf %parallel_loop3A_620, %get3A_17 : vector<16xf32>
        %parallel_loop3A_622 = arith.addf %parallel_loop3A_621, %get3A_37 : vector<16xf32>
        %parallel_loop3A_623 = arith.constant 1 : i32
        %parallel_loop3A_624 = arith.index_cast %parallel_loop3A_623 : i32 to index
        %parallel_loop3A_625 = arith.index_cast %parallel_loop3A_430 : i32 to index
        %parallel_loop3A_626 = arith.constant 32 : index
        %parallel_loop3A_627 = tpu.vector_load %arg18[%parallel_loop3A_624, %parallel_loop3A_625, %parallel_loop3A_626] {strides = array<i32>} : memref<2x128x64xf32, #tpu.memory_space<vmem>>, vector<1x1x16xf32>,
        %parallel_loop3A_628 = vector.shape_cast %parallel_loop3A_627 : vector<1x1x16xf32> to vector<16xf32>
        %parallel_loop3A_629 = vector.shape_cast %parallel_loop3A_622 : vector<16xf32> to vector<1x1x16xf32>
        tpu.vector_store %arg18[%parallel_loop3A_624, %parallel_loop3A_625, %parallel_loop3A_626], %parallel_loop3A_629 {strides = array<i32>} : memref<2x128x64xf32, #tpu.memory_space<vmem>>, vector<1x1x16xf32>,
        %parallel_loop3A_630 = arith.subf %parallel_loop3A_482, %parallel_loop3A_553 : vector<16xf32>
        %parallel_loop3A_631 = arith.mulf %parallel_loop3A_630, %parallel_loop3A_596 : vector<16xf32>
        %parallel_loop3A_632 = arith.mulf %parallel_loop3A_631, %get3A_22 : vector<16xf32>
        %parallel_loop3A_633 = arith.addf %parallel_loop3A_632, %get3A_42 : vector<16xf32>
        %parallel_loop3A_634 = arith.constant 1 : i32
        %parallel_loop3A_635 = arith.index_cast %parallel_loop3A_634 : i32 to index
        %parallel_loop3A_636 = arith.index_cast %parallel_loop3A_430 : i32 to index
        %parallel_loop3A_637 = arith.constant 48 : index
        %parallel_loop3A_638 = tpu.vector_load %arg18[%parallel_loop3A_635, %parallel_loop3A_636, %parallel_loop3A_637] {strides = array<i32>} : memref<2x128x64xf32, #tpu.memory_space<vmem>>, vector<1x1x16xf32>,
        %parallel_loop3A_639 = vector.shape_cast %parallel_loop3A_638 : vector<1x1x16xf32> to vector<16xf32>
        %parallel_loop3A_640 = vector.shape_cast %parallel_loop3A_633 : vector<16xf32> to vector<1x1x16xf32>
        tpu.vector_store %arg18[%parallel_loop3A_635, %parallel_loop3A_636, %parallel_loop3A_637], %parallel_loop3A_640 {strides = array<i32>} : memref<2x128x64xf32, #tpu.memory_space<vmem>>, vector<1x1x16xf32>,
      } {sc.loop_unroll_factor = 4 : i64, sc.parallel_access}
      %mul3A_411 = arith.constant 128 : i32
      %mul3A_412 = arith.muli %add3A_365, %mul3A_411 : i32
      %add3A_413 = arith.addi %mul3A_2, %mul3A_412 : i32
      %dma_start3A_414 = arith.constant 1 : i32
      %dma_start3A_415 = arith.constant 1 : i32
      %dma_start3A_416 = arith.constant 0 : i32
      %dma_start3A_417 = arith.constant 0 : i32
      %dma_start3A_418 = tpu.memref_slice %arg18[%dma_start3A_414, %dma_start3A_416, %dma_start3A_417] : memref<2x128x64xf32, #tpu.memory_space<vmem>> -> memref<1x128x64xf32, #tpu.memory_space<vmem>>
      %dma_start3A_419 = tpu.memref_squeeze %dma_start3A_418 : memref<1x128x64xf32, #tpu.memory_space<vmem>> -> memref<128x64xf32, #tpu.memory_space<vmem>>
      %dma_start3A_420 = arith.constant 0 : i32
      %dma_start3A_421 = tpu.memref_slice %arg10[%add3A_413, %dma_start3A_420] : memref<204800x64xf32, #tpu.memory_space<hbm>> -> memref<128x64xf32, #tpu.memory_space<hbm>>
      %dma_start3A_422 = tpu.memref_slice %arg21[%dma_start3A_415] : memref<2x!tpu.dma_semaphore, #tpu.memory_space<semaphore_mem>> -> memref<1x!tpu.dma_semaphore, #tpu.memory_space<semaphore_mem>>
      %dma_start3A_423 = tpu.memref_squeeze %dma_start3A_422 : memref<1x!tpu.dma_semaphore, #tpu.memory_space<semaphore_mem>> -> memref<!tpu.dma_semaphore, #tpu.memory_space<semaphore_mem>>
      %dma_start3A_424 = arith.constant 0 : i32
      %dma_start3A_425 = tpu.memref_slice %arg10[%add3A_413, %dma_start3A_424] : memref<204800x64xf32, #tpu.memory_space<hbm>> -> memref<128x64xf32, #tpu.memory_space<hbm>>
      %dma_start3A_426 = arith.constant 0 : i32
      %dma_start3A_427 = arith.constant 0 : i32
      %dma_start3A_428 = tpu.memref_slice %arg18[%dma_start3A_414, %dma_start3A_426, %dma_start3A_427] : memref<2x128x64xf32, #tpu.memory_space<vmem>> -> memref<1x128x64xf32, #tpu.memory_space<vmem>>
      %dma_start3A_429 = tpu.memref_squeeze %dma_start3A_428 : memref<1x128x64xf32, #tpu.memory_space<vmem>> -> memref<128x64xf32, #tpu.memory_space<vmem>>
      tpu.enqueue_dma source(%dma_start3A_429 : memref<128x64xf32, #tpu.memory_space<vmem>>) target(%dma_start3A_425 : memref<128x64xf32, #tpu.memory_space<hbm>>) target_semaphore(%dma_start3A_423 : memref<!tpu.dma_semaphore, #tpu.memory_space<semaphore_mem>>)
    }
    %scan3A_262 = arith.constant 25 : i32
    %add3A_263 = arith.constant 6144 : i32
    %add3A_264 = arith.addi %mul3A_2, %add3A_263 : i32
    %dma_wait3A = arith.constant 0 : i32
    %dma_wait3A_265 = arith.constant 0 : i32
    %dma_wait3A_266 = arith.constant 0 : i32
    %dma_wait3A_267 = arith.constant 0 : i32
    %dma_wait3A_268 = tpu.memref_slice %arg18[%dma_wait3A, %dma_wait3A_266, %dma_wait3A_267] : memref<2x128x64xf32, #tpu.memory_space<vmem>> -> memref<1x128x64xf32, #tpu.memory_space<vmem>>
    %dma_wait3A_269 = tpu.memref_squeeze %dma_wait3A_268 : memref<1x128x64xf32, #tpu.memory_space<vmem>> -> memref<128x64xf32, #tpu.memory_space<vmem>>
    %dma_wait3A_270 = arith.constant 0 : i32
    %dma_wait3A_271 = tpu.memref_slice %arg10[%add3A_264, %dma_wait3A_270] : memref<204800x64xf32, #tpu.memory_space<hbm>> -> memref<128x64xf32, #tpu.memory_space<hbm>>
    %dma_wait3A_272 = tpu.memref_slice %arg21[%dma_wait3A_265] : memref<2x!tpu.dma_semaphore, #tpu.memory_space<semaphore_mem>> -> memref<1x!tpu.dma_semaphore, #tpu.memory_space<semaphore_mem>>
    %dma_wait3A_273 = tpu.memref_squeeze %dma_wait3A_272 : memref<1x!tpu.dma_semaphore, #tpu.memory_space<semaphore_mem>> -> memref<!tpu.dma_semaphore, #tpu.memory_space<semaphore_mem>>
    %dma_wait3A_274 = arith.constant 0 : i32
    %dma_wait3A_275 = tpu.memref_slice %arg10[%add3A_264, %dma_wait3A_274] : memref<204800x64xf32, #tpu.memory_space<hbm>> -> memref<128x64xf32, #tpu.memory_space<hbm>>
    %dma_wait3A_276 = arith.constant 0 : i32
    %dma_wait3A_277 = arith.constant 0 : i32
    %dma_wait3A_278 = tpu.memref_slice %arg18[%dma_wait3A, %dma_wait3A_276, %dma_wait3A_277] : memref<2x128x64xf32, #tpu.memory_space<vmem>> -> memref<1x128x64xf32, #tpu.memory_space<vmem>>
    %dma_wait3A_279 = tpu.memref_squeeze %dma_wait3A_278 : memref<1x128x64xf32, #tpu.memory_space<vmem>> -> memref<128x64xf32, #tpu.memory_space<vmem>>
    tpu.wait_dma2 semaphore(%dma_wait3A_273 : memref<!tpu.dma_semaphore, #tpu.memory_space<semaphore_mem>>) src(%dma_wait3A_279 : memref<128x64xf32, #tpu.memory_space<vmem>>) dst(%dma_wait3A_275 : memref<128x64xf32, #tpu.memory_space<hbm>>)
    %add3A_280 = arith.constant 6272 : i32
    %add3A_281 = arith.addi %mul3A_2, %add3A_280 : i32
    %dma_wait3A_282 = arith.constant 1 : i32
    %dma_wait3A_283 = arith.constant 1 : i32
    %dma_wait3A_284 = arith.constant 0 : i32
    %dma_wait3A_285 = arith.constant 0 : i32
    %dma_wait3A_286 = tpu.memref_slice %arg18[%dma_wait3A_282, %dma_wait3A_284, %dma_wait3A_285] : memref<2x128x64xf32, #tpu.memory_space<vmem>> -> memref<1x128x64xf32, #tpu.memory_space<vmem>>
    %dma_wait3A_287 = tpu.memref_squeeze %dma_wait3A_286 : memref<1x128x64xf32, #tpu.memory_space<vmem>> -> memref<128x64xf32, #tpu.memory_space<vmem>>
    %dma_wait3A_288 = arith.constant 0 : i32
    %dma_wait3A_289 = tpu.memref_slice %arg10[%add3A_281, %dma_wait3A_288] : memref<204800x64xf32, #tpu.memory_space<hbm>> -> memref<128x64xf32, #tpu.memory_space<hbm>>
    %dma_wait3A_290 = tpu.memref_slice %arg21[%dma_wait3A_283] : memref<2x!tpu.dma_semaphore, #tpu.memory_space<semaphore_mem>> -> memref<1x!tpu.dma_semaphore, #tpu.memory_space<semaphore_mem>>
    %dma_wait3A_291 = tpu.memref_squeeze %dma_wait3A_290 : memref<1x!tpu.dma_semaphore, #tpu.memory_space<semaphore_mem>> -> memref<!tpu.dma_semaphore, #tpu.memory_space<semaphore_mem>>
    %dma_wait3A_292 = arith.constant 0 : i32
    %dma_wait3A_293 = tpu.memref_slice %arg10[%add3A_281, %dma_wait3A_292] : memref<204800x64xf32, #tpu.memory_space<hbm>> -> memref<128x64xf32, #tpu.memory_space<hbm>>
    %dma_wait3A_294 = arith.constant 0 : i32
    %dma_wait3A_295 = arith.constant 0 : i32
    %dma_wait3A_296 = tpu.memref_slice %arg18[%dma_wait3A_282, %dma_wait3A_294, %dma_wait3A_295] : memref<2x128x64xf32, #tpu.memory_space<vmem>> -> memref<1x128x64xf32, #tpu.memory_space<vmem>>
    %dma_wait3A_297 = tpu.memref_squeeze %dma_wait3A_296 : memref<1x128x64xf32, #tpu.memory_space<vmem>> -> memref<128x64xf32, #tpu.memory_space<vmem>>
    tpu.wait_dma2 semaphore(%dma_wait3A_291 : memref<!tpu.dma_semaphore, #tpu.memory_space<semaphore_mem>>) src(%dma_wait3A_297 : memref<128x64xf32, #tpu.memory_space<vmem>>) dst(%dma_wait3A_293 : memref<128x64xf32, #tpu.memory_space<hbm>>)
    return
  }
}

module attributes {stable_mosaic.version = 14 : i64} {
  func.func @body(%arg0: memref<2x64xf32, #tpu.memory_space<vmem>>, %arg1: memref<180x64xf32, #tpu.memory_space<vmem>>, %arg2: memref<20x64xf32, #tpu.memory_space<vmem>>, %arg3: memref<7200x64xf32, #tpu.memory_space<vmem>>) attributes {dimension_semantics = [], scalar_prefetch = 0 : i64, scratch_operands = 0 : i64, tpu.core_type = #tpu.core_type<tc>} {
    %get3A = arith.constant 0 : index
    %get3A_0 = arith.constant 0 : index
    %get3A_1 = vector.load %arg0[%get3A, %get3A_0] : memref<2x64xf32, #tpu.memory_space<vmem>>, vector<2x64xf32>
    %get3A_2 = arith.constant 0 : index
    %get3A_3 = arith.constant 0 : index
    %get3A_4 = vector.load %arg1[%get3A_2, %get3A_3] : memref<180x64xf32, #tpu.memory_space<vmem>>, vector<180x64xf32>
    %get3A_5 = arith.constant 0 : index
    %get3A_6 = arith.constant 0 : index
    %get3A_7 = vector.load %arg2[%get3A_5, %get3A_6] : memref<20x64xf32, #tpu.memory_space<vmem>>, vector<20x64xf32>
    %broadcast_in_dim3A = vector.shape_cast %get3A_1 : vector<2x64xf32> to vector<2x1x64xf32>
    %broadcast_in_dim3A_8 = vector.shape_cast %get3A_4 : vector<180x64xf32> to vector<1x180x64xf32>
    %add3A = vector.broadcast %broadcast_in_dim3A : vector<2x1x64xf32> to vector<2x180x64xf32>
    %add3A_9 = vector.broadcast %broadcast_in_dim3A_8 : vector<1x180x64xf32> to vector<2x180x64xf32>
    %add3A_10 = arith.addf %add3A, %add3A_9 : vector<2x180x64xf32>
    %reshape3A = vector.shape_cast %add3A_10 : vector<2x180x64xf32> to vector<360x64xf32>
    %broadcast_in_dim3A_11 = vector.shape_cast %reshape3A : vector<360x64xf32> to vector<360x1x64xf32>
    %broadcast_in_dim3A_12 = vector.shape_cast %get3A_7 : vector<20x64xf32> to vector<1x20x64xf32>
    %add3A_13 = vector.broadcast %broadcast_in_dim3A_11 : vector<360x1x64xf32> to vector<360x20x64xf32>
    %add3A_14 = vector.broadcast %broadcast_in_dim3A_12 : vector<1x20x64xf32> to vector<360x20x64xf32>
    %add3A_15 = arith.addf %add3A_13, %add3A_14 : vector<360x20x64xf32>
    %reshape3A_16 = vector.shape_cast %add3A_15 : vector<360x20x64xf32> to vector<7200x64xf32>
    %swap3A = arith.constant 0 : index
    %swap3A_17 = arith.constant 0 : index
    %swap3A_18 = vector.load %arg3[%swap3A, %swap3A_17] : memref<7200x64xf32, #tpu.memory_space<vmem>>, vector<7200x64xf32>
    tpu.vector_store %arg3[%swap3A, %swap3A_17], %reshape3A_16 {strides = array<i32>} : memref<7200x64xf32, #tpu.memory_space<vmem>>, vector<7200x64xf32>,
    return
  }
}

</mosaic_0001>

<sc_bundles>
// kernel: kernel.4.cloned.1.call-start
scs
__scs_entry_jumppad:
0x0: {  	(pc) =	sbr.rel $0x88, $3  }
0x1: {  	(tag) =	ssettag $0x0;
	lr =	simm.s32 $0x1  }
0x2: {  	[smem:$0x3F97] =	sst lr;
	_ =	strace $0xD0000000  }
0x3: {  	_ = 	snop  }
0x4: {  	_ = 	snop  }
0x5: {  	_ = 	snop  }
0x6: {  	_ = 	snop  }
0x7: {  	_ = 	snop  }
__scs_overlays_trampoline_lowered:
0x8: {  	[smem:$0x3FA6] =	sst s0  }
0x9: {  	[smem:$0x3FA7] =	sst s1  }
0xa: {  	[smem:$0x3FA8] =	sst s2  }
0xb: {  	[smem:$0x3FA9] =	sst s3  }
0xc: {  	[smem:$0x3FAA] =	sst s4  }
0xd: {  	[smem:$0x3FAB] =	sst s5  }
0xe: {  	[smem:$0x3FAC] =	sst s6  }
0xf: {  	[smem:$0x3FAD] =	sst s7  }
0x10: {  	[smem:$0x3FAE] =	sst s8  }
0x11: {  	[smem:$0x3FAF] =	sst s9;
	s0 =	simm.s32 @!p0 $0x0  }
0x12: {  	s1 =	sld [smem:$0x3F95];
	s0 =	simm.s32 @p0 $0x1  }
0x13: {  	[smem:$0x3FB0] =	sst s0;
	s0 =	simm.s32 @!p1 $0x0  }
0x14: {  	s2 =	sld [smem:$0x3F94];
	s0 =	simm.s32 @p1 $0x1  }
0x15: {  	[smem:$0x3FB1] =	sst s0;
	s0 =	simm.s32 @!p2 $0x0  }
0x16: {  	s3 =	sld [smem:$0x3FDB];
	s0 =	simm.s32 @p2 $0x1  }
0x17: {  	s4 =	simm.s32 $0x1BF5;
	[smem:$0x3FB3] =	sst s0  }
0x18: {  	s0 =	sld [smem:$0x3F96];
	_ =	swait.ge [sflag:s4], $0x0  }
0x19: {  	s7 =	sld [smem:$0x3F97]  }
0x1a: {  	s8 =	sadd.s32 $0xFFFFE003, lr  }
0x1b: {  	s9 =	sadd.s32 $0xFFFFFEF7, lr;
	s5 =	simm.s32 $0xFFFFFFFF;
	p2 =	slt.u32 s8, $0xFFFFF086  }
0x1c: {  	p1 =	slt.u32 s9, $0xF7A;
	s5 =	simm.s32 @!p2 $0x0  }
0x1d: {  	s5 =	simm.s32 @p1 $0x1;
	p0 =	seq.s32 s7, s2  }
0x1e: {  	s7 =	smul.u32 @!p0 $0xF7A, s2;
	p2 =	seq.s32 @!p0 s5, $0x0  }
0x1f: {  	s9 =	smul.u32 $0xF7A, s1;
	s8 =	simm.s32 @!p0 $0x1BF5;
	p2 =	por !p2, p0  }
0x20: {  	[sflag:s8] =	ssyncset.s32 @!p0 $0xFFFFF086;
	s6 =	sadd.s32 @!p0 s3, s7;
	s7 =	simm.s32 @!p0 $0x108  }
0x21: {  	s3 =	sadd.s32 s3, s9;
	s6 =	sadd.s32 @!p0 $0x88, s6;
	s7 =	simm.s32 @p2 $0x1082  }
0x22: {  	[simem:s7], [sflag:s8] =	dma.local @!p0 [hbm:s6], $0xF7A  }
0x23: {  	s9 =	sor.u32 $0xD0000000, s2;
	s6 =	simm.s32 $0x108;
	_ =	swait.ge @!p0 [sflag:s8], $0x0  }
0x24: {  	s3 =	sadd.s32 $0x88, s3;
	s6 =	simm.s32 @!p1 $0x1082;
	[sflag:s4] =	ssyncset.s32 $0xFFFFF086  }
0x25: {  	[simem:s6], [sflag:s4] =	dma.local [hbm:s3], $0xF7A  }
0x26: {  	[smem:$0x3F97] =	sst s1;
	(tag) =	ssettag s2;
	_ =	strace s9  }
0x27: {  	s1 =	sld [smem:$0x3FA7]  }
0x28: {  	s2 =	sld [smem:$0x3FA8]  }
0x29: {  	s4 =	sld [smem:$0x3FAA]  }
0x2a: {  	p0 =	seq.s32 s5, $0x0;
	s5 =	sld [smem:$0x3FAB]  }
0x2b: {  	s6 =	sld [smem:$0x3FAC]  }
0x2c: {  	s7 =	sld [smem:$0x3FAD]  }
0x2d: {  	s3 =	simm.s32 $0x108;
	s8 =	sld [smem:$0x3FAE]  }
0x2e: {  	s3 =	simm.s32 @!p0 $0x1082;
	s9 =	sld [smem:$0x3FAF]  }
0x2f: {  	lr =	sadd.s32 s0, s3;
	s0 =	sld [smem:$0x3FA6]  }
0x30: {  	s3 =	sld [smem:$0x3FA9]  }
0x31: {  	[smem:$0x3FB2] =	sst s10  }
0x32: {  	s10 =	sld [smem:$0x3FB0];
	_ =	sdelay $0x3  }
0x33: {  	p0 =	seq.s32 s10, $0x1;
	s10 =	sld [smem:$0x3FB2];
	_ =	sdelay $0x3  }
0x34: {  	[smem:$0x3FB2] =	sst s10  }
0x35: {  	s10 =	sld [smem:$0x3FB1];
	_ =	sdelay $0x3  }
0x36: {  	p1 =	seq.s32 s10, $0x1;
	s10 =	sld [smem:$0x3FB2];
	_ =	sdelay $0x3  }
0x37: {  	[smem:$0x3FB2] =	sst s10  }
0x38: {  	s10 =	sld [smem:$0x3FB3]  }
0x39: {  	_ = 	snop;
	(pc) =	sbr.ind lr, $3  }
0x3a: {  	_ = 	snop  }
0x3b: {  	_ = 	snop  }
0x3c: {  	p2 =	seq.s32 s10, $0x1;
	s10 =	sld [smem:$0x3FB2]  }
0x3d: {  	_ =	shalt  }
0x3e: {  	_ =	shalt  }
0x3f: {  	_ =	shalt  }
0x40: {  	_ =	shalt  }
0x41: {  	_ =	shalt  }
0x42: {  	_ =	shalt  }
0x43: {  	_ =	shalt  }
0x44: {  	_ =	shalt  }
0x45: {  	_ =	shalt  }
0x46: {  	_ =	shalt  }
0x47: {  	_ =	shalt  }
0x48: {  	_ =	shalt  }
0x49: {  	_ =	shalt  }
0x4a: {  	_ =	shalt  }
0x4b: {  	_ =	shalt  }
0x4c: {  	_ =	shalt  }
0x4d: {  	_ =	shalt  }
0x4e: {  	_ =	shalt  }
0x4f: {  	_ =	shalt  }
0x50: {  	_ =	shalt  }
0x51: {  	_ =	shalt  }
0x52: {  	_ =	shalt  }
0x53: {  	_ =	shalt  }
0x54: {  	_ =	shalt  }
0x55: {  	_ =	shalt  }
0x56: {  	_ =	shalt  }
0x57: {  	_ =	shalt  }
0x58: {  	_ =	shalt  }
0x59: {  	_ =	shalt  }
0x5a: {  	_ =	shalt  }
0x5b: {  	_ =	shalt  }
0x5c: {  	_ =	shalt  }
0x5d: {  	_ =	shalt  }
0x5e: {  	_ =	shalt  }
0x5f: {  	_ =	shalt  }
0x60: {  	_ =	shalt  }
0x61: {  	_ =	shalt  }
0x62: {  	_ =	shalt  }
0x63: {  	_ =	shalt  }
0x64: {  	_ =	shalt  }
0x65: {  	_ =	shalt  }
0x66: {  	_ =	shalt  }
0x67: {  	_ =	shalt  }
0x68: {  	_ =	shalt  }
0x69: {  	_ =	shalt  }
0x6a: {  	_ =	shalt  }
0x6b: {  	_ =	shalt  }
0x6c: {  	_ =	shalt  }
0x6d: {  	_ =	shalt  }
0x6e: {  	_ =	shalt  }
0x6f: {  	_ =	shalt  }
0x70: {  	_ =	shalt  }
0x71: {  	_ =	shalt  }
0x72: {  	_ =	shalt  }
0x73: {  	_ =	shalt  }
0x74: {  	_ =	shalt  }
0x75: {  	_ =	shalt  }
0x76: {  	_ =	shalt  }
0x77: {  	_ =	shalt  }
0x78: {  	_ =	shalt  }
0x79: {  	_ =	shalt  }
0x7a: {  	_ =	shalt  }
0x7b: {  	_ =	shalt  }
0x7c: {  	_ =	shalt  }
0x7d: {  	_ =	shalt  }
0x7e: {  	_ =	shalt  }
0x7f: {  	_ =	shalt  }
0x80: {  	_ =	shalt  }
0x81: {  	_ =	shalt  }
0x82: {  	_ =	shalt  }
0x83: {  	_ =	shalt  }
0x84: {  	_ =	shalt  }
0x85: {  	_ =	shalt  }
0x86: {  	_ =	shalt  }
0x87: {  	_ =	shalt  }
.Lfunc_end0:
.L_simem_size_0:
called_computation.1_lowered:
.L_overlay_start_0:
0x88: {  	s2 =	sld [smem:$0x3FD9]  }
0x89: {  	s3 =	sld [smem:$0x3FFE];
	_ =	sdelay $0x1  }
0x8a: {  	s1 =	srdreg.scid  }
0x8b: {  	s0 =	sand.u32 $0x1, s1  }
0x8c: {  	s17 =	sshll.u32 s0, $0xA;
	s2 =	sadd.s32 s3, s2  }
0x8d: {  	s2 =	sadd.s32 s2, s17  }
0x8e: {  	[smem:$0x3FBE] =	sst s2  }
0x8f: {  	_ = 	snop  }
0x90: {  	s2 =	sld [smem:$0x3FC1]  }
0x91: {  	s18 =	sld [smem:$0x3FC0]  }
0x92: {  	s4 =	sld [smem:$0x3FD0];
	(tm) =	ssettm $0x1  }
0x93: {  	s5 =	sld [smem:$0x3FFB];
	_ =	sdelay $0x3  }
0x94: {  	_ =	strace s5  }
0x95: {  	s5 =	sld [smem:$0x3FFC];
	_ =	sdelay $0x3  }
0x96: {  	_ =	strace s5  }
0x97: {  	s5 =	sld [smem:$0x3FFD];
	_ =	sdelay $0x3  }
0x98: {  	_ =	strace s5  }
0x99: {  	_ =	strace $0x8FFFFFFF  }
0x9a: {  	s19 =	sld [smem:$0x3FDB];
	_ =	sdelay $0x1  }
0x9b: {  	s6 =	simm.s32 $_scs_section_size  }
0x9c: {  	s7 =	simm.s32 $_size__tile_overlayer_lowered;
	s8 =	simm.s32 $_tile_overlayer_lowered  }
0x9d: {  	s22 =	simm.s32 $0x1BFF;
	s21 =	sshll.u32 s8, $0x1;
	s5 =	sadd.s32 s6, s19  }
0x9e: {  	s9 =	simm.s32 $0x0;
	s20 =	sshll.u32 s7, $0x1;
	s7 =	sadd.s32 s21, s5  }
0x9f: {  	[timem:s9], [sflag:s22] =	dma.local [hbm:s7], s20  }
0xa0: {  	_ =	swait.ge [sflag:s22], s20  }
0xa1: {  	s6 =	ssub.s32 $0x0, s20;
	[sflag:s22] =	ssyncset.done $0x0  }
0xa2: {  	[sflag:s22] =	ssyncadd.s32 s6;
	_ =	sdelay $0x1  }
0xa3: {  	s23 =	simm.s32 $0x1B8B  }
0xa4: {  	_ =	swait.ge [sflag:s23], $0x1  }
0xa5: {  	[sflag:s23] =	ssyncset.done $0x0  }
0xa6: {  	s25 =	simm.s32 $0x1B8E;
	s24 =	sld [smem:$0x3FFE];
	[sflag:s23] =	ssyncadd.s32 $0xFFFFFFFF  }
0xa7: {  	s26 =	simm.s32 $execute0_lowered;
	[smem:$0x3FD2] =	sst s25  }
0xa8: {  	s7 =	sshll.u32 s26, $0x1;
	_ =	strace $0x80000046;
	[dreg:$0x1] =	wrdreg $0xFFFFFFFF  }
0xa9: {  	s28 =	simm.s32 $_size_execute0_lowered;
	s5 =	sadd.s32 s5, s7;
	[dreg:$0x0] =	wrdreg $0x0  }
0xaa: {  	s7 =	sshll.u32 s28, $0x1;
	[dreg:$0x2] =	wrdreg s5  }
0xab: {  	[dreg:$0x3] =	wrdreg s7  }
0xac: {  	[dreg:$0x4] =	wrdreg $0xC0  }
0xad: {  	_ =	task [dreg:s9], $0x5FFFF  }
0xae: {  	[dreg:$0x1] =	wrdreg $0xFFFFFFFF  }
0xaf: {  	[dreg:$0x0] =	wrdreg $0x60  }
0xb0: {  	[dreg:$0x2] =	wrdreg s24  }
0xb1: {  	[dreg:$0x3] =	wrdreg s2  }
0xb2: {  	[dreg:$0x4] =	wrdreg s18  }
0xb3: {  	[dreg:$0x5] =	wrdreg s4  }
0xb4: {  	[dreg:$0x6] =	wrdreg $0x9  }
0xb5: {  	_ =	task.clear_ibuf [dreg:s9], $0x7FFFF;
	_ =	strace $0x90000046  }
0xb6: {  	s29 =	simm.s32 $0x9;
	_ =	strace $0x80000048  }
0xb7: {  	_ =	swait.ge [sflag:s29], $0x1  }
0xb8: {  	[sflag:s29] =	ssyncadd.s32 $0xFFFFFFFF  }
0xb9: {  	_ =	strace $0x90000048  }
0xba: {  	_ =	sfence  }
0xbb: {  	s30 =	sld [smem:$0x0];
	_ =	sdelay $0x2  }
0xbc: {  	s31 =	sshll.u32 s1, $0xD;
	s1 =	sshrl.u32 s1, $0x2  }
0xbd: {  	s3 =	sand.u32 $0x4000, s31;
	s1 =	sadd.s32 s1, s30  }
0xbe: {  	s0 =	sor.u32 s3, s0;
	s1 =	sshll.u32 s1, $0x11  }
0xbf: {  	s0 =	sor.u32 s1, s0  }
0xc0: {  	s0 =	sadd.s32 $0x8F2B, s0  }
0xc1: {  	[sflag:s0] =	ssyncadd.remote.s32 $0x1  }
0xc2: {  	_ =	sfence.sel $0xFFFF  }
0xc3: {  	[dreg:$0x0] =	wrdreg $0xFFFFFFFF;
	(pc) =	sbr.abs _section_cstart, $3  }
0xc4: {  	[dreg:$0x1] =	wrdreg $0xFFFFFFFF  }
0xc5: {  	_ =	task.clear_ibuf [dreg:s9], $0x2FFFF;
	_ =	strace $0x9FFFFFFF  }
0xc6: {  	(tm) =	ssettm $0x7FFFFFFF  }
0xc7: {  	_ =	shalt  }
tec
execute0_lowered:
.L_overlay_start_1:
0x0: {  	(tag) =	ssettag $0x1  }
0x1: {  	s0 =	rddreg [dreg:$0x0]  }
0x2: {  	s3 =	rddreg [dreg:$0x3]  }
0x3: {  	s5 =	simm.s32 $0x0;
	s1 =	srdreg.scid;
	s2 =	stileid.u32  }
0x4: {  	s21 =	simm.s32 $0x5;
	s23 =	simm.s32 $0x100;
	s30 =	simm.s32 $0x4380  }
0x5: {  	v0 =	vimm.s32 $0xEFCDAB89;
	v1 =	vimm.s32 $0x67452301;
	s31 =	simm.s32 $0x2380;
	s20 =	simm.s32 $0x2;
	s22 =	simm.s32 $0xA380  }
0x6: {  	v2 =	vimm.s32 $0xDCFE98BA;
	v3 =	vimm.s32 $0x54761032;
	s15 =	simm.s32 $0x0;
	[smem:$0x7FF] =	sst s5;
	s1 =	sand.u32 $0x1, s1  }
0x7: {  	v4 =	vimm.s32 $0xBA98FEDC;
	v5 =	vimm.s32 $0x32107654;
	s2 =	sshll.u32 s2, $0x1;
	s6 =	sadd.s32 $0xC00, s0;
	s7 =	sadd.s32 $0x7000, s0  }
0x8: {  	v6 =	vimm.s32 $0xFEDCBA98;
	s8 =	sadd.s32 $0xD400, s0;
	s10 =	sadd.s32 $0x13800, s0;
	s11 =	sadd.s32 $0x27E00, s0  }
0x9: {  	v7 =	vimm.s32 $0x76543210;
	v0 =	vunpack.c.l.s4.s8 v0;
	v1 =	vunpack.c.l.s4.s8 v1;
	s12 =	sadd.s32 $0x19C00, s0;
	s2 =	sor.u32 s1, s2;
	s1 =	ssub.s32 $0x2, s1  }
0xa: {  	v2 =	vunpack.c.l.s4.s8 v2;
	v3 =	vunpack.c.l.s4.s8 v3;
	v4 =	vunpack.c.l.s4.s8 v4;
	_ =	strace $0x80000047;
	s9 =	smul.u32 $0x1900, s2;
	s4 =	sshrl.u32 s1, $0x1  }
0xb: {  	v5 =	vunpack.c.l.s4.s8 v5;
	v6 =	vunpack.c.l.s4.s8 v6;
	v7 =	vunpack.c.l.s4.s8 v7;
	s17 =	smul.u32 $0x64000, s2;
	s2 =	simm.s32 $0x8380;
	s24 =	ssub.s32 s1, s4  }
0xc: {  	v0 =	vunpack.c.0.s8.s32 v0;
	v1 =	vunpack.c.0.s8.s32 v1;
	v2 =	vunpack.c.0.s8.s32 v2;
	s4 =	simm.s32 $0x6380;
	s25 =	sshrl.u32 s9, $0x3;
	s0 =	smax.u32 s24, $0x1  }
0xd: {  	v3 =	vunpack.c.0.s8.s32 v3;
	v4 =	vunpack.c.0.s8.s32 v4;
	v5 =	vunpack.c.0.s8.s32 v5;
	s18 =	sadd.s32 $0x100, s9;
	s26 =	sadd.s32 s6, s25;
	[dreg:$0x9] =	wrdreg s0  }
0xe: {  	s24 =	simm.s32 $0x180;
	v0 =	vcombine.low v1, v0;
	v1 =	vunpack.c.0.s8.s32 v6;
	s28 =	sadd.s32 s7, s25;
	[dreg:$0x5] =	wrdreg s26  }
0xf: {  	v2 =	vcombine.low v3, v2;
	v3 =	vcombine.low v5, v4;
	v4 =	vunpack.c.0.s8.s32 v7;
	s29 =	sadd.s32 s8, s25;
	s1 =	sadd.s32 s10, s25;
	[dreg:$0x6] =	wrdreg s28  }
0x10: {  	s25 =	simm.s32 $0x200;
	s0 =	simm.s32 $0x300;
	[dreg:$0x7] =	wrdreg s29;
	v0 =	vand.u32 $0xF, v0;
	v5 =	vand.u32 $0xF, v1  }
0x11: {  	[dreg:$0x8] =	wrdreg s1;
	s26 =	simm.s32 $0x80;
	s1 =	simm.s32 $0x1;
	v1 =	vand.u32 $0xF, v2;
	v2 =	vand.u32 $0xF, v3;
	v3 =	vcombine.low v5, v4  }
.LBB2_1:
0x12: {  	[dreg:$0xa] =	wrdreg s15  }
0x13: {  	s13 =	rddreg [dreg:$0x1];
	s14 =	simm.s32 $0xC380  }
0x14: {  	[tilespmem:s14], [sflag:$0x5] =	stream.linear.gather [hbm4b:s13+s5], $0x40, $0x38;
	[tilespmem:$0xC400] =	vst v63  }
0x15: {  	_ =	swait.ge [sflag:s21], $0x40  }
0x16: {  	[sflag:s21] =	ssyncset.done $0x0  }
0x17: {  	[sflag:s21] =	ssyncadd.s32 $0xFFFFFFC0  }
0x18: {  	s29 =	simm.s32 $0xC3C0;
	s28 =	rddreg [dreg:$0x2]  }
0x19: {  	[tilespmem:s29], [sflag:$0x5] =	stream.linear.gather [hbm4b:s28+s5], $0x40, $0x38;
	[tilespmem:$0xC400] =	vst v63  }
0x1a: {  	_ =	swait.ge [sflag:s21], $0x40  }
0x1b: {  	[sflag:s21] =	ssyncset.done $0x0  }
0x1c: {  	[sflag:s21] =	ssyncadd.s32 $0xFFFFFFC0  }
0x1d: {  	v4 =	vld [tilespmem:$0xC380]  }
0x1e: {  	v5 =	vld [tilespmem:$0xC390]  }
0x1f: {  	v6 =	vld [tilespmem:$0xC3A0]  }
0x20: {  	v7 =	vld [tilespmem:$0xC3B0]  }
0x21: {  	v8 =	vld [tilespmem:$0xC3C0]  }
0x22: {  	v9 =	vld [tilespmem:$0xC3D0]  }
0x23: {  	s14 =	rddreg [dreg:$0x5];
	v10 =	vld [tilespmem:$0xC3E0]  }
0x24: {  	v11 =	vld [tilespmem:$0xC3F0];
	[tilespmem:s5], [sflag:$0x5] =	stream.linear.gather [hbm4b:s14+s5], $0x80, $0x38  }
0x25: {  	_ =	swait.ge [sflag:s21], $0x80  }
0x26: {  	[sflag:s21] =	ssyncset.done $0x0  }
0x27: {  	s15 =	rddreg [dreg:$0x6];
	[sflag:s21] =	ssyncadd.s32 $0xFFFFFF80  }
0x28: {  	[tilespmem:s23], [sflag:$0x5] =	stream.linear.gather [hbm4b:s15+s5], $0x80, $0x38;
	[tilespmem:$0xC400] =	vst v63  }
0x29: {  	_ =	swait.ge [sflag:s21], $0x80  }
0x2a: {  	[sflag:s21] =	ssyncset.done $0x0  }
0x2b: {  	s16 =	rddreg [dreg:$0x7];
	[sflag:s21] =	ssyncadd.s32 $0xFFFFFF80  }
0x2c: {  	[tilespmem:s24], [sflag:$0x5] =	stream.linear.gather [hbm4b:s16+s5], $0x80, $0x38;
	[tilespmem:$0xC400] =	vst v63  }
0x2d: {  	_ =	swait.ge [sflag:s21], $0x80  }
0x2e: {  	[sflag:s21] =	ssyncset.done $0x0  }
0x2f: {  	s19 =	rddreg [dreg:$0x8];
	[sflag:s21] =	ssyncadd.s32 $0xFFFFFF80  }
0x30: {  	[tilespmem:s25], [sflag:$0x5] =	stream.linear.gather [hbm4b:s19+s5], $0x80, $0x38;
	[tilespmem:$0xC400] =	vst v63  }
0x31: {  	_ =	swait.ge [sflag:s21], $0x80  }
0x32: {  	[sflag:s21] =	ssyncset.done $0x0  }
0x33: {  	[sflag:s21] =	ssyncadd.s32 $0xFFFFFF80  }
0x34: {  	v12 =	vld [tilespmem:$0x100]  }
0x35: {  	v13 =	vld [tilespmem:$0x180]  }
0x36: {  	v14 =	vld [tilespmem:$0x200]  }
0x37: {  	v15 =	vld [tilespmem:$0x110]  }
0x38: {  	v16 =	vld [tilespmem:$0x190]  }
0x39: {  	v17 =	vld [tilespmem:$0x210]  }
0x3a: {  	v18 =	vld [tilespmem:$0x120]  }
0x3b: {  	v19 =	vld [tilespmem:$0x1A0]  }
0x3c: {  	v20 =	vld [tilespmem:$0x220]  }
0x3d: {  	v21 =	vld [tilespmem:$0x130]  }
0x3e: {  	v22 =	vld [tilespmem:$0x1B0]  }
0x3f: {  	v23 =	vld [tilespmem:$0x230]  }
0x40: {  	v24 =	vld [tilespmem:$0x140]  }
0x41: {  	v25 =	vld [tilespmem:$0x1C0]  }
0x42: {  	v27 =	vld [tilespmem:$0x150]  }
0x43: {  	v28 =	vld [tilespmem:$0x1D0]  }
0x44: {  	v29 =	vld [tilespmem:$0x160]  }
0x45: {  	v30 =	vld [tilespmem:$0x1E0];
	v12 =	vmul.u32 $0xE10, v12;
	v13 =	vmul.u32 $0x14, v13;
	v15 =	vmul.u32 $0xE10, v15  }
0x46: {  	v41 =	vld [tilespmem:$0x170];
	v16 =	vmul.u32 $0x14, v16;
	v18 =	vmul.u32 $0xE10, v18;
	v19 =	vmul.u32 $0x14, v19  }
0x47: {  	v44 =	vld [tilespmem:$0x1F0];
	v39 =	vmul.u32 $0xE10, v21;
	v40 =	vmul.u32 $0x14, v22;
	v45 =	vmul.u32 $0xE10, v24  }
0x48: {  	v47 =	vld [tilespmem:$0x250];
	v46 =	vmul.u32 $0x14, v25;
	v52 =	vmul.u32 $0xE10, v27;
	v12 =	vadd.s32 v12, v13  }
0x49: {  	v50 =	vld [tilespmem:$0x260];
	v53 =	vmul.u32 $0x14, v28;
	v42 =	vadd.s32 v15, v16;
	v12 =	vadd.s32 v14, v12  }
0x4a: {  	v26 =	vld [tilespmem:$0x240];
	v55 =	vmul.u32 $0xE10, v29;
	v43 =	vadd.s32 v18, v19;
	v48 =	vadd.s32 v17, v42;
	[tilespmem:$0x280] =	vst v12  }
0x4b: {  	v54 =	vld [tilespmem:$0x270];
	v56 =	vmul.u32 $0x14, v30;
	v13 =	vadd.s32 v39, v40;
	v49 =	vadd.s32 v20, v43;
	[tilespmem:$0x290] =	vst v48  }
0x4c: {  	v58 =	vmul.u32 $0xE10, v41;
	v57 =	vadd.s32 v52, v53;
	v13 =	vadd.s32 v23, v13;
	[tilespmem:$0x2A0] =	vst v49  }
0x4d: {  	v16 =	vmul.u32 $0x14, v44;
	v60 =	vadd.s32 v55, v56;
	v59 =	vadd.s32 v47, v57;
	[tilespmem:$0x2B0] =	vst v13  }
0x4e: {  	v51 =	vadd.s32 v45, v46;
	v61 =	vadd.s32 v50, v60;
	[tilespmem:$0x2D0] =	vst v59  }
0x4f: {  	v12 =	vadd.s32 v26, v51;
	v62 =	vadd.s32 v58, v16;
	[tilespmem:$0x2E0] =	vst v61  }
0x50: {  	[tilespmem:$0x2C0] =	vst v12;
	v63 =	vadd.s32 v54, v62  }
0x51: {  	s28 =	simm.s32 $0x380;
	[tilespmem:$0x2F0] =	vst v63  }
0x52: {  	[tilespmem:s28], [sflag:$0x1] =	stream.indirect.gather [hbm4b:s11+s26], $0x40, s5, s26, $0xb8;
	[tilespmem:$0xC400] =	vst v63  }
0x53: {  	s29 =	simm.s32 $0x280;
	s16 =	simm.s32 $0x0  }
0x54: {  	[tilespmem:s30], [sflag:$0x1] =	stream.indirect.gather [hbm4b:s12+s26], $0x40, s29, s26, $0xb8;
	[tilespmem:$0xC400] =	vst v63  }
.LBB2_2:
0x55: {  	s19 =	sshllo.u32 s16, $0x1  }
0x56: {  	s13 =	sshll.u32 s19, $0x7  }
0x57: {  	s13 =	sadd.s32 s9, s13  }
0x58: {  	s13 =	sshrl.u32 s13, $0x3  }
0x59: {  	s14 =	sadd.s32 s6, s13  }
0x5a: {  	[tilespmem:s26], [sflag:$0x5] =	stream.linear.gather [hbm4b:s14+s5], $0x80, $0x38;
	[tilespmem:$0xC400] =	vst v63  }
0x5b: {  	_ =	swait.ge [sflag:s21], $0x80  }
0x5c: {  	[sflag:s21] =	ssyncset.done $0x0  }
0x5d: {  	s15 =	sadd.s32 s7, s13;
	[sflag:s21] =	ssyncadd.s32 $0xFFFFFF80  }
0x5e: {  	[tilespmem:s23], [sflag:$0x5] =	stream.linear.gather [hbm4b:s15+s5], $0x80, $0x38;
	[tilespmem:$0xC400] =	vst v63  }
0x5f: {  	_ =	swait.ge [sflag:s21], $0x80  }
0x60: {  	[sflag:s21] =	ssyncset.done $0x0  }
0x61: {  	s15 =	sadd.s32 s8, s13;
	[sflag:s21] =	ssyncadd.s32 $0xFFFFFF80  }
0x62: {  	[tilespmem:s24], [sflag:$0x5] =	stream.linear.gather [hbm4b:s15+s5], $0x80, $0x38;
	[tilespmem:$0xC400] =	vst v63  }
0x63: {  	_ =	swait.ge [sflag:s21], $0x80  }
0x64: {  	[sflag:s21] =	ssyncset.done $0x0  }
0x65: {  	s13 =	sadd.s32 s10, s13;
	[sflag:s21] =	ssyncadd.s32 $0xFFFFFF80  }
0x66: {  	[tilespmem:s25], [sflag:$0x5] =	stream.linear.gather [hbm4b:s13+s5], $0x80, $0x38;
	[tilespmem:$0xC400] =	vst v63  }
0x67: {  	_ =	swait.ge [sflag:s21], $0x80  }
0x68: {  	[sflag:s21] =	ssyncset.done $0x0  }
0x69: {  	[sflag:s21] =	ssyncadd.s32 $0xFFFFFF80  }
0x6a: {  	v12 =	vld [tilespmem:$0x100]  }
0x6b: {  	v13 =	vld [tilespmem:$0x180]  }
0x6c: {  	v14 =	vld [tilespmem:$0x200]  }
0x6d: {  	v15 =	vld [tilespmem:$0x110]  }
0x6e: {  	v16 =	vld [tilespmem:$0x190]  }
0x6f: {  	v17 =	vld [tilespmem:$0x210]  }
0x70: {  	v18 =	vld [tilespmem:$0x120]  }
0x71: {  	v19 =	vld [tilespmem:$0x1A0]  }
0x72: {  	v20 =	vld [tilespmem:$0x220]  }
0x73: {  	v21 =	vld [tilespmem:$0x130]  }
0x74: {  	v22 =	vld [tilespmem:$0x1B0]  }
0x75: {  	v23 =	vld [tilespmem:$0x230]  }
0x76: {  	v24 =	vld [tilespmem:$0x140]  }
0x77: {  	v25 =	vld [tilespmem:$0x1C0]  }
0x78: {  	v26 =	vld [tilespmem:$0x240]  }
0x79: {  	v27 =	vld [tilespmem:$0x150]  }
0x7a: {  	v28 =	vld [tilespmem:$0x1D0]  }
0x7b: {  	v29 =	vld [tilespmem:$0x160];
	v12 =	vmul.u32 $0xE10, v12;
	v13 =	vmul.u32 $0x14, v13;
	v15 =	vmul.u32 $0xE10, v15  }
0x7c: {  	v30 =	vld [tilespmem:$0x1E0];
	v16 =	vmul.u32 $0x14, v16;
	v18 =	vmul.u32 $0xE10, v18;
	v19 =	vmul.u32 $0x14, v19  }
0x7d: {  	v12 =	vadd.s32 v12, v13;
	v13 =	vmul.u32 $0xE10, v21;
	v21 =	vmul.u32 $0x14, v22;
	v22 =	vld [tilespmem:$0x170]  }
0x7e: {  	v12 =	vadd.s32 v14, v12;
	v14 =	vadd.s32 v15, v16;
	v15 =	vadd.s32 v18, v19;
	v16 =	vld [tilespmem:$0x1F0]  }
0x7f: {  	v18 =	vmul.u32 $0xE10, v24;
	v19 =	vmul.u32 $0x14, v25;
	v13 =	vadd.s32 v13, v21;
	v21 =	vld [tilespmem:$0x250]  }
0x80: {  	[tilespmem:$0x300] =	vst v12;
	v12 =	vadd.s32 v17, v14;
	v14 =	vadd.s32 v20, v15;
	v15 =	vld [tilespmem:$0x260];
	v17 =	vmul.u32 $0xE10, v27  }
0x81: {  	v20 =	vmul.u32 $0x14, v30;
	[tilespmem:$0x310] =	vst v12;
	v12 =	vadd.s32 v18, v19;
	v18 =	vmul.u32 $0x14, v28;
	v19 =	vld [tilespmem:$0x270]  }
0x82: {  	v13 =	vadd.s32 v23, v13;
	[tilespmem:$0x320] =	vst v14;
	v14 =	vmul.u32 $0xE10, v29;
	v12 =	vadd.s32 v26, v12  }
0x83: {  	[tilespmem:$0x330] =	vst v13;
	v13 =	vadd.s32 v17, v18;
	v17 =	vmul.u32 $0xE10, v22;
	v16 =	vmul.u32 $0x14, v16  }
0x84: {  	[tilespmem:$0x340] =	vst v12;
	v12 =	vadd.s32 v21, v13;
	v13 =	vadd.s32 v14, v20  }
0x85: {  	[tilespmem:$0x350] =	vst v12;
	v12 =	vadd.s32 v15, v13;
	v13 =	vadd.s32 v17, v16  }
0x86: {  	[tilespmem:$0x360] =	vst v12;
	v12 =	vadd.s32 v19, v13  }
0x87: {  	[tilespmem:$0x370] =	vst v12  }
0x88: {  	[tilespmem:s31], [sflag:$0x2] =	stream.indirect.gather [hbm4b:s11+s26], $0x40, s26, s26, $0xb8;
	[tilespmem:$0xC400] =	vst v63  }
0x89: {  	_ = 	snop  }
0x8a: {  	[tilespmem:s4], [sflag:$0x2] =	stream.indirect.gather [hbm4b:s12+s26], $0x40, s0, s26, $0xb8;
	[tilespmem:$0xC400] =	vst v63  }
0x8b: {  	_ =	swait.ge [sflag:s1], $0x2000  }
0x8c: {  	[sflag:s1] =	ssyncset.done $0x0  }
0x8d: {  	[sflag:s1] =	ssyncadd.s32 $0xFFFFE000  }
0x8e: {  	_ =	swait.ge [sflag:s1], $0x2000  }
0x8f: {  	p0 =	seq.s32 s16, $0x0;
	[sflag:s1] =	ssyncset.done $0x0  }
0x90: {  	s13 =	simm.s32 @!p0 $0x3;
	[sflag:s1] =	ssyncadd.s32 $0xFFFFE000  }
0x91: {  	_ =	swait.ge @!p0 [sflag:s13], $0x2000  }
0x92: {  	[sflag:s13] =	ssyncset.done @!p0 $0x0  }
0x93: {  	[sflag:s13] =	ssyncadd.s32 @!p0 $0xFFFFE000;
	s13 =	simm.s32 $0x400  }
0x94: {  	s15 =	simm.s32 $0x4400;
	v12 =	vld [tilespmem:s13+$0x40]  }
0x95: {  	v13 =	vld [tilespmem:s15+$0x40]  }
0x96: {  	v14 =	vld [tilespmem:s13+$0x50]  }
0x97: {  	v15 =	vld [tilespmem:s15+$0x50]  }
0x98: {  	v16 =	vld [tilespmem:s13+$0x60]  }
0x99: {  	v17 =	vld [tilespmem:s15+$0x60]  }
0x9a: {  	v18 =	vld [tilespmem:s13+$0x70]  }
0x9b: {  	v19 =	vld [tilespmem:s15+$0x70]  }
0x9c: {  	v28 =	vld [tilespmem:s15+$0xFFFFFF80]  }
0x9d: {  	v20 =	vld [tilespmem:s13+$0xFFFFFF90]  }
0x9e: {  	v21 =	vld [tilespmem:s15+$0xFFFFFF90]  }
0x9f: {  	v22 =	vld [tilespmem:s13+$0xFFFFFFA0]  }
0xa0: {  	v26 =	vld [tilespmem:s13+$0xFFFFFFC0]  }
0xa1: {  	v30 =	vld [tilespmem:s15+$0xFFFFFFC0]  }
0xa2: {  	v42 =	vld [tilespmem:s13+$0xFFFFFF80];
	v13 =	vadd.f32 v13, v12;
	v14 =	vadd.f32 v15, v14  }
0xa3: {  	v12 =	vadd.f32 v17, v16;
	v16 =	vadd.f32 v19, v18;
	v17 =	vld [tilespmem:s13+$0xFFFFFFB0]  }
0xa4: {  	v19 =	vld [tilespmem:s15+$0xFFFFFFB0];
	v18 =	vadd.f32 v14, v13  }
0xa5: {  	v31 =	vld [tilespmem:s13+$0xFFFFFFD0];
	v23 =	vadd.f32 v16, v12;
	v24 =	vmul.f32 v13, v13;
	v25 =	vmul.f32 v14, v14  }
0xa6: {  	v15 =	vld [tilespmem:s15+$0xFFFFFFA0];
	v27 =	vmul.f32 v12, v12;
	v29 =	vmul.f32 v16, v16  }
0xa7: {  	v32 =	vld [tilespmem:s13+$0xFFFFFFF0];
	v23 =	vadd.f32 v23, v18  }
0xa8: {  	v33 =	vld [tilespmem:s13+$0x0];
	v18 =	vadd.f32 v25, v24;
	v24 =	vadd.f32 v29, v27  }
0xa9: {  	v28 =	vadd.f32 v28, v42;
	v25 =	vld [tilespmem:s15+$0xFFFFFFD0];
	v17 =	vadd.f32 v19, v17  }
0xaa: {  	v37 =	vld [tilespmem:s13+$0x20];
	v19 =	vadd.f32 v30, v26;
	v24 =	vadd.f32 v24, v18;
	v29 =	vperm.xlane v23, v0  }
0xab: {  	v59 =	vmul.f32 v28, v28;
	v27 =	vld [tilespmem:s13+$0xFFFFFFE0];
	v18 =	vadd.f32 v15, v22;
	v22 =	vadd.f32 v21, v20  }
0xac: {  	v15 =	vld [tilespmem:s15+$0xFFFFFFE0];
	v30 =	vmul.f32 v17, v17;
	v23 =	vadd.f32 v23, v29;
	v29 =	vperm.xlane v24, v0  }
0xad: {  	v26 =	vld [tilespmem:s15+$0xFFFFFFF0];
	v35 =	vmul.f32 v19, v19;
	v20 =	vmul.f32 v18, v18;
	v58 =	vadd.f32 v22, v28  }
0xae: {  	v46 =	vld [tilespmem:s15+$0x20];
	v21 =	vadd.f32 v25, v31;
	v34 =	vperm.xlane v23, v1;
	v24 =	vadd.f32 v29, v24  }
0xaf: {  	v54 =	vmul.f32 v22, v22;
	v25 =	vld [tilespmem:s15+$0x0];
	v29 =	vadd.f32 v17, v18;
	v30 =	vadd.f32 v30, v20  }
0xb0: {  	v20 =	vld [tilespmem:s13+$0x10];
	v36 =	vadd.f32 v21, v19;
	v31 =	vadd.f32 v23, v34;
	v45 =	vperm.xlane v24, v1  }
0xb1: {  	v23 =	vadd.f32 v15, v27;
	v15 =	vmul.f32 v21, v21;
	v27 =	vld [tilespmem:s15+$0x10];
	v29 =	vadd.f32 v29, v58  }
0xb2: {  	v38 =	vperm.xlane v31, v2;
	v34 =	vadd.f32 v45, v24;
	v24 =	vadd.f32 v26, v32  }
0xb3: {  	v15 =	vadd.f32 v15, v35;
	v47 =	vmul.f32 v23, v23;
	v42 =	vperm.xlane v29, v0  }
0xb4: {  	v39 =	vld [tilespmem:s13+$0x30];
	v25 =	vadd.f32 v25, v33;
	v31 =	vadd.f32 v31, v38;
	v48 =	vperm.xlane v34, v2  }
0xb5: {  	v41 =	vld [tilespmem:s15+$0x30];
	v49 =	vadd.f32 v24, v23;
	v40 =	vmul.f32 v24, v24;
	v29 =	vadd.f32 v29, v42  }
0xb6: {  	v50 =	vmul.f32 v25, v25;
	v26 =	vadd.f32 v27, v20;
	v20 =	vadd.f32 v46, v37  }
0xb7: {  	v27 =	vperm.xlane v31, v3;
	v34 =	vadd.f32 v48, v34;
	v33 =	vadd.f32 v49, v36  }
0xb8: {  	v35 =	vadd.f32 v40, v47;
	v46 =	vperm.xlane v29, v1;
	v52 =	vadd.f32 v26, v25  }
0xb9: {  	v53 =	vmul.f32 v26, v26;
	v57 =	vmul.f32 v20, v20;
	v27 =	vadd.f32 v31, v27  }
0xba: {  	v31 =	vperm.xlane v34, v3;
	v51 =	vadd.f32 v35, v15;
	v15 =	vadd.f32 v41, v39  }
0xbb: {  	v61 =	vperm.xlane v33, v0;
	v29 =	vadd.f32 v29, v46;
	v36 =	vadd.f32 v53, v50  }
0xbc: {  	v31 =	vadd.f32 v31, v34;
	v27 =	vmul.f32 $1.562500000e-02, v27;
	v55 =	vadd.f32 v15, v20  }
0xbd: {  	v60 =	vmul.f32 v15, v15;
	v34 =	vadd.f32 v54, v59;
	v62 =	vperm.xlane v51, v0  }
0xbe: {  	v33 =	vadd.f32 v33, v61;
	v31 =	vmul.f32 $1.562500000e-02, v31;
	v35 =	vadd.f32 v55, v52  }
0xbf: {  	v56 =	vmul.f32 v27, v27;
	v39 =	vadd.f32 v60, v57;
	v30 =	vadd.f32 v30, v34  }
0xc0: {  	v47 =	vperm.xlane v33, v1;
	v32 =	vadd.f32 v62, v51;
	v52 =	vperm.xlane v29, v2  }
0xc1: {  	v31 =	vsub.f32 v31, v56;
	v63 =	vperm.xlane v35, v0;
	v36 =	vadd.f32 v39, v36  }
0xc2: {  	v44 =	vperm.xlane v30, v0;
	v33 =	vadd.f32 v33, v47;
	v29 =	vadd.f32 v29, v52  }
0xc3: {  	v50 =	vperm.xlane v32, v1;
	v31 =	vadd.f32 $9.999999960e-13, v31;
	v35 =	vadd.f32 v35, v63  }
0xc4: {  	v39 =	vperm.xlane v36, v0;
	v30 =	vadd.f32 v44, v30;
	v54 =	vperm.xlane v33, v2  }
0xc5: {  	v32 =	vadd.f32 v50, v32;
	v60 =	vperm.xlane v29, v3;
	v43 =	vshra.s32 v31, $0x1  }
0xc6: {  	v31 =	vmul.f32 $5.000000000e-01, v31;
	v48 =	vperm.xlane v35, v1;
	v36 =	vadd.f32 v39, v36  }
0xc7: {  	v49 =	vperm.xlane v30, v1;
	v33 =	vadd.f32 v33, v54;
	v57 =	vperm.xlane v32, v2  }
0xc8: {  	v37 =	vsub.s32 $0x5F3759DF, v43;
	v35 =	vadd.f32 v35, v48;
	v53 =	vperm.xlane v36, v1  }
0xc9: {  	v29 =	vadd.f32 v29, v60;
	v45 =	vmul.f32 v37, v31;
	v30 =	vadd.f32 v49, v30  }
0xca: {  	v61 =	vperm.xlane v33, v3;
	v56 =	vperm.xlane v35, v2;
	v36 =	vadd.f32 v53, v36  }
0xcb: {  	v32 =	vadd.f32 v57, v32;
	v29 =	vmul.f32 $1.562500000e-02, v29;
	v55 =	vperm.xlane v30, v2  }
0xcc: {  	v40 =	vmul.f32 v37, v45;
	v58 =	vadd.f32 v35, v56;
	v59 =	vperm.xlane v36, v2  }
0xcd: {  	v33 =	vadd.f32 v33, v61;
	v44 =	vperm.xlane v32, v3;
	v30 =	vadd.f32 v55, v30  }
0xce: {  	v51 =	vsub.f32 $1.500000000e+00, v40;
	v63 =	vperm.xlane v58, v3;
	v35 =	vadd.f32 v59, v36  }
0xcf: {  	v32 =	vadd.f32 v44, v32;
	v33 =	vmul.f32 $1.562500000e-02, v33;
	v62 =	vperm.xlane v30, v3  }
0xd0: {  	v37 =	vmul.f32 v37, v51;
	v34 =	vadd.f32 v58, v63;
	v45 =	vperm.xlane v35, v3  }
0xd1: {  	v32 =	vmul.f32 $1.562500000e-02, v32;
	v47 =	vmul.f32 v33, v33;
	v30 =	vadd.f32 v62, v30  }
0xd2: {  	v46 =	vmul.f32 v29, v29;
	v35 =	vadd.f32 v45, v35;
	v34 =	vmul.f32 $1.562500000e-02, v34  }
0xd3: {  	v32 =	vsub.f32 v32, v47;
	v49 =	vmul.f32 v37, v31;
	v30 =	vmul.f32 $1.562500000e-02, v30  }
0xd4: {  	v35 =	vmul.f32 $1.562500000e-02, v35;
	v48 =	vmul.f32 v34, v34  }
0xd5: {  	v32 =	vadd.f32 $9.999999960e-13, v32;
	v30 =	vsub.f32 v30, v46  }
0xd6: {  	v36 =	vmul.f32 v49, v37;
	v35 =	vsub.f32 v35, v48  }
0xd7: {  	v51 =	vshra.s32 v32, $0x1;
	v30 =	vadd.f32 $9.999999960e-13, v30  }
0xd8: {  	v32 =	vmul.f32 $5.000000000e-01, v32;
	v36 =	vsub.f32 $1.500000000e+00, v36;
	v35 =	vadd.f32 $9.999999960e-13, v35  }
0xd9: {  	v39 =	vsub.s32 $0x5F3759DF, v51;
	v50 =	vshra.s32 v30, $0x1;
	v30 =	vmul.f32 $5.000000000e-01, v30  }
0xda: {  	v38 =	vsub.s32 $0x5F3759DF, v50;
	v52 =	vshra.s32 v35, $0x1;
	v35 =	vmul.f32 $5.000000000e-01, v35  }
0xdb: {  	v54 =	vmul.f32 v39, v32;
	v53 =	vmul.f32 v38, v30;
	v40 =	vsub.s32 $0x5F3759DF, v52  }
0xdc: {  	v36 =	vmul.f32 v36, v37;
	v43 =	vmul.f32 v40, v35  }
0xdd: {  	v55 =	vmul.f32 v39, v54;
	v41 =	vmul.f32 v38, v53  }
0xde: {  	v16 =	vsub.f32 v16, v27;
	v31 =	vmul.f32 v36, v31;
	v56 =	vmul.f32 v40, v43  }
0xdf: {  	v37 =	vsub.f32 $1.500000000e+00, v55;
	v41 =	vsub.f32 $1.500000000e+00, v41  }
0xe0: {  	v13 =	vsub.f32 v13, v27;
	v31 =	vmul.f32 v31, v36;
	v42 =	vsub.f32 $1.500000000e+00, v56  }
0xe1: {  	v14 =	vsub.f32 v14, v27;
	v37 =	vmul.f32 v39, v37;
	v38 =	vmul.f32 v38, v41  }
0xe2: {  	v27 =	vsub.f32 v12, v27;
	v31 =	vsub.f32 $1.500000000e+00, v31;
	v57 =	vmul.f32 v40, v42  }
0xe3: {  	s13 =	simm.s32 $0x4500;
	v28 =	vsub.f32 v28, v29;
	v59 =	vmul.f32 v37, v32;
	v58 =	vmul.f32 v38, v30  }
0xe4: {  	s15 =	simm.s32 $0x500;
	v44 =	vsub.f32 v18, v29;
	v18 =	vld [tilespmem:s13+$0x40];
	v31 =	vmul.f32 v31, v36;
	v42 =	vmul.f32 v57, v35  }
0xe5: {  	v61 =	vsub.f32 v22, v29;
	v62 =	vld [tilespmem:s15+$0x40];
	v60 =	vmul.f32 v59, v37;
	v40 =	vmul.f32 v58, v38  }
0xe6: {  	v21 =	vsub.f32 v21, v33;
	v47 =	vld [tilespmem:s13+$0xFFFFFF90];
	v45 =	vsub.f32 v19, v33;
	v42 =	vmul.f32 v42, v57  }
0xe7: {  	v19 =	vld [tilespmem:s13+$0x50];
	v22 =	vmul.f32 v31, v16;
	v16 =	vsub.f32 $1.500000000e+00, v60;
	v40 =	vsub.f32 $1.500000000e+00, v40  }
0xe8: {  	v63 =	vsub.f32 v17, v29;
	v46 =	vld [tilespmem:s15+$0xFFFFFF90];
	v17 =	vsub.f32 $1.500000000e+00, v42  }
0xe9: {  	v23 =	vsub.f32 v23, v33;
	v54 =	vld [tilespmem:s15+$0x70];
	v16 =	vmul.f32 v16, v37;
	v38 =	vmul.f32 v40, v38  }
0xea: {  	v24 =	vsub.f32 v24, v33;
	v50 =	vld [tilespmem:s15+$0x50];
	v12 =	vmul.f32 v31, v14;
	v51 =	vmul.f32 v17, v57  }
0xeb: {  	v25 =	vsub.f32 v25, v34;
	v55 =	vld [tilespmem:s13+$0x70];
	v29 =	vmul.f32 v16, v32;
	v17 =	vmul.f32 v38, v30  }
0xec: {  	v33 =	vsub.f32 v26, v34;
	v52 =	vld [tilespmem:s15+$0x60];
	v22 =	vmul.f32 v22, v7;
	v26 =	vmul.f32 v51, v35  }
0xed: {  	v18 =	vadd.f32 v18, v62;
	v53 =	vld [tilespmem:s13+$0x60];
	v29 =	vmul.f32 v29, v16;
	v17 =	vmul.f32 v17, v38  }
0xee: {  	v49 =	vld [tilespmem:s15+$0xFFFFFFC0];
	v41 =	vadd.f32 v47, v46;
	v30 =	vmul.f32 v31, v13;
	v26 =	vmul.f32 v26, v51  }
0xef: {  	v36 =	vld [tilespmem:s13+$0xFFFFFFF0];
	v58 =	vmul.f32 v18, v18;
	v13 =	vsub.f32 $1.500000000e+00, v29;
	v17 =	vsub.f32 $1.500000000e+00, v17  }
0xf0: {  	v56 =	vld [tilespmem:s13+$0xFFFFFFA0];
	v29 =	vmul.f32 v31, v27;
	v30 =	vmul.f32 v30, v4;
	v14 =	vsub.f32 $1.500000000e+00, v26  }
0xf1: {  	v46 =	vld [tilespmem:s15+$0x0];
	v26 =	vmul.f32 v17, v38;
	v38 =	vmul.f32 v13, v16;
	v17 =	vadd.f32 v19, v50  }
0xf2: {  	v27 =	vld [tilespmem:s15+$0xFFFFFFA0];
	v16 =	vadd.f32 v53, v52;
	v19 =	vadd.f32 v55, v54;
	v48 =	vmul.f32 v14, v51  }
0xf3: {  	v57 =	vld [tilespmem:s15+$0xFFFFFFB0];
	v50 =	vsub.f32 v20, v34;
	v32 =	vmul.f32 v26, v28;
	v31 =	vmul.f32 v26, v61  }
0xf4: {  	v52 =	vld [tilespmem:s13+$0xFFFFFFC0];
	v13 =	vadd.f32 v17, v18;
	v59 =	vmul.f32 v17, v17;
	v60 =	vmul.f32 v16, v16  }
0xf5: {  	v53 =	vld [tilespmem:s13+$0x10];
	v14 =	vadd.f32 v19, v16;
	v51 =	vmul.f32 v19, v19;
	v20 =	vmul.f32 v26, v44  }
0xf6: {  	v28 =	vld [tilespmem:s13+$0xFFFFFFB0];
	v42 =	vmul.f32 v26, v63;
	v43 =	vmul.f32 v38, v45;
	v45 =	vsub.f32 v15, v34  }
0xf7: {  	v44 =	vld [tilespmem:s15+$0xFFFFFFD0];
	v15 =	vmul.f32 v38, v24;
	v61 =	vadd.f32 v14, v13;
	v26 =	vadd.f32 v59, v58  }
0xf8: {  	v63 =	vld [tilespmem:s13+$0xFFFFFFD0];
	v62 =	vadd.f32 v51, v60;
	v13 =	vmul.f32 v38, v21;
	v14 =	vmul.f32 v38, v23  }
0xf9: {  	v34 =	vld [tilespmem:s15+$0xFFFFFFE0];
	v21 =	vmul.f32 v48, v25;
	v39 =	vmul.f32 v48, v45  }
0xfa: {  	v38 =	vld [tilespmem:s13+$0xFFFFFFE0];
	v15 =	vmul.f32 v15, v7;
	v23 =	vadd.f32 v62, v26;
	v55 =	vperm.xlane v61, v0  }
0xfb: {  	v26 =	vadd.f32 v56, v27;
	v62 =	vld [tilespmem:s15+$0x10];
	v13 =	vmul.f32 v13, v5;
	v24 =	vadd.f32 v28, v57  }
0xfc: {  	v14 =	vmul.f32 v14, v6;
	v28 =	vld [tilespmem:s15+$0xFFFFFFF0];
	v56 =	vadd.f32 v61, v55;
	v27 =	vperm.xlane v23, v0  }
0xfd: {  	v25 =	vadd.f32 v52, v49;
	v57 =	vmul.f32 v26, v26;
	v61 =	vld [tilespmem:s13+$0x0];
	v58 =	vmul.f32 v24, v24  }
0xfe: {  	v47 =	vadd.f32 v24, v26;
	v59 =	vperm.xlane v56, v1;
	v60 =	vadd.f32 v27, v23  }
0xff: {  	v54 =	vld [tilespmem:s15+$0x20];
	v23 =	vmul.f32 v48, v33;
	v27 =	vadd.f32 v63, v44;
	v33 =	vadd.f32 v38, v34  }
0x100: {  	v51 =	vld [tilespmem:s13+$0x20];
	v63 =	vmul.f32 v25, v25;
	v44 =	vadd.f32 v58, v57;
	v34 =	vadd.f32 v53, v62  }
0x101: {  	v52 =	vld [tilespmem:s15+$0xFFFFFF80];
	v35 =	vadd.f32 v56, v59;
	v57 =	vperm.xlane v60, v1;
	v38 =	vadd.f32 v27, v25  }
0x102: {  	v58 =	vmul.f32 v27, v27;
	v37 =	vadd.f32 v36, v28;
	v28 =	vadd.f32 v61, v46;
	v46 =	vld [tilespmem:s15+$0x30]  }
0x103: {  	v55 =	vmul.f32 v33, v33;
	v59 =	vperm.xlane v35, v2;
	v49 =	vadd.f32 v57, v60;
	v57 =	vld [tilespmem:s13+$0x30]  }
0x104: {  	v40 =	vadd.f32 v58, v63;
	v56 =	vmul.f32 v37, v37;
	v58 =	vld [tilespmem:s13+$0xFFFFFF80];
	v61 =	vadd.f32 v37, v33  }
0x105: {  	v53 =	vadd.f32 v34, v28;
	v35 =	vadd.f32 v35, v59;
	v60 =	vperm.xlane v49, v2  }
0x106: {  	v36 =	vmul.f32 v48, v50;
	v62 =	vadd.f32 v56, v55;
	v45 =	vadd.f32 v61, v38  }
0x107: {  	v38 =	vadd.f32 v51, v54;
	v61 =	vmul.f32 v34, v34;
	v49 =	vadd.f32 v60, v49  }
0x108: {  	v63 =	vperm.xlane v35, v3;
	v50 =	vadd.f32 v62, v40;
	v60 =	vmul.f32 v28, v28  }
0x109: {  	v55 =	vmul.f32 v12, v5;
	v40 =	vadd.f32 v57, v46;
	v52 =	vadd.f32 v58, v52  }
0x10a: {  	v35 =	vadd.f32 v35, v63;
	v59 =	vperm.xlane v49, v3;
	v46 =	vadd.f32 v61, v60  }
0x10b: {  	v61 =	vmul.f32 v38, v38;
	v56 =	vperm.xlane v50, v0;
	v54 =	vadd.f32 v40, v38  }
0x10c: {  	v63 =	vadd.f32 v41, v52;
	v60 =	vmul.f32 v52, v52;
	v48 =	vadd.f32 v59, v49  }
0x10d: {  	v35 =	vmul.f32 $1.562500000e-02, v35;
	v49 =	vmul.f32 v41, v41;
	v50 =	vadd.f32 v56, v50  }
0x10e: {  	v56 =	vmul.f32 v32, v4;
	v53 =	vadd.f32 v54, v53;
	v47 =	vadd.f32 v47, v63  }
0x10f: {  	v48 =	vmul.f32 $1.562500000e-02, v48;
	v62 =	vmul.f32 v35, v35;
	v49 =	vadd.f32 v49, v60  }
0x110: {  	v57 =	vperm.xlane v53, v0;
	v58 =	vperm.xlane v47, v0  }
0x111: {  	v48 =	vsub.f32 v48, v62;
	v62 =	vmul.f32 v40, v40;
	v44 =	vadd.f32 v44, v49  }
0x112: {  	v63 =	vperm.xlane v45, v0;
	v47 =	vadd.f32 v47, v58;
	v53 =	vadd.f32 v53, v57  }
0x113: {  	v57 =	vmul.f32 v31, v5;
	v51 =	vadd.f32 v62, v61;
	v48 =	vadd.f32 $9.999999960e-13, v48  }
0x114: {  	v45 =	vadd.f32 v45, v63;
	v60 =	vperm.xlane v44, v0;
	v63 =	vperm.xlane v47, v1  }
0x115: {  	v46 =	vadd.f32 v51, v46;
	v59 =	vshra.s32 v48, $0x1;
	v48 =	vmul.f32 $5.000000000e-01, v48  }
0x116: {  	v44 =	vadd.f32 v60, v44;
	v60 =	vperm.xlane v45, v1;
	v51 =	vsub.s32 $0x5F3759DF, v59  }
0x117: {  	v47 =	vadd.f32 v47, v63;
	v63 =	vperm.xlane v50, v1;
	v61 =	vmul.f32 v51, v48  }
0x118: {  	v58 =	vmul.f32 v20, v6;
	v62 =	vperm.xlane v46, v0;
	v45 =	vadd.f32 v45, v60  }
0x119: {  	v60 =	vperm.xlane v47, v2;
	v50 =	vadd.f32 v63, v50;
	v54 =	vmul.f32 v51, v61  }
0x11a: {  	v61 =	vperm.xlane v53, v1;
	v46 =	vadd.f32 v62, v46;
	v62 =	vperm.xlane v44, v1  }
0x11b: {  	v47 =	vadd.f32 v47, v60;
	v60 =	vperm.xlane v50, v2;
	v54 =	vsub.f32 $1.500000000e+00, v54  }
0x11c: {  	v49 =	vadd.f32 v53, v61;
	v44 =	vadd.f32 v62, v44;
	v61 =	vperm.xlane v46, v1  }
0x11d: {  	v62 =	vperm.xlane v45, v2;
	v53 =	vmul.f32 v29, v6;
	v50 =	vadd.f32 v60, v50  }
0x11e: {  	v51 =	vmul.f32 v51, v54;
	v63 =	vperm.xlane v49, v2;
	v46 =	vadd.f32 v61, v46  }
0x11f: {  	v59 =	vperm.xlane v44, v2;
	v45 =	vadd.f32 v45, v62;
	v62 =	vperm.xlane v47, v3  }
0x120: {  	v54 =	vadd.f32 v22, v11;
	v49 =	vadd.f32 v49, v63;
	v12 =	vmul.f32 v51, v48  }
0x121: {  	v44 =	vadd.f32 v59, v44;
	v61 =	vperm.xlane v46, v2;
	v63 =	vperm.xlane v45, v3  }
0x122: {  	v29 =	vadd.f32 v47, v62;
	v59 =	vmul.f32 v42, v7;
	v12 =	vmul.f32 v12, v51  }
0x123: {  	v46 =	vadd.f32 v61, v46;
	v22 =	vadd.f32 v45, v63;
	v31 =	vperm.xlane v49, v3  }
0x124: {  	v60 =	vperm.xlane v44, v3;
	v29 =	vmul.f32 $1.562500000e-02, v29;
	v20 =	vsub.f32 $1.500000000e+00, v12  }
0x125: {  	v31 =	vadd.f32 v49, v31;
	v49 =	vadd.f32 v30, v8;
	v61 =	vperm.xlane v46, v3  }
0x126: {  	v32 =	vadd.f32 v60, v44;
	v45 =	vmul.f32 $1.562500000e-02, v22;
	v30 =	vmul.f32 v20, v51  }
0x127: {  	v63 =	vmul.f32 v29, v29;
	v20 =	vperm.xlane v50, v3  }
0x128: {  	v32 =	vmul.f32 $1.562500000e-02, v32;
	v22 =	vmul.f32 v30, v48  }
0x129: {  	v12 =	vmul.f32 v43, v4;
	v42 =	vadd.f32 v61, v46;
	v62 =	vadd.f32 v20, v50  }
0x12a: {  	v48 =	vmul.f32 $1.562500000e-02, v31;
	v32 =	vsub.f32 v32, v63;
	v31 =	vmul.f32 v22, v30  }
0x12b: {  	v20 =	vsub.f32 v52, v29;
	v52 =	vmul.f32 v45, v45;
	v43 =	vmul.f32 $1.562500000e-02, v62  }
0x12c: {  	v60 =	vmul.f32 $1.562500000e-02, v42;
	v32 =	vadd.f32 $9.999999960e-13, v32;
	v31 =	vsub.f32 $1.500000000e+00, v31  }
0x12d: {  	v22 =	vsub.f32 v41, v29;
	v61 =	vmul.f32 v48, v48;
	v62 =	vsub.f32 v43, v52  }
0x12e: {  	v43 =	vmul.f32 $5.000000000e-01, v32;
	v50 =	vmul.f32 v31, v30;
	v30 =	vshra.s32 v32, $0x1  }
0x12f: {  	v41 =	vsub.f32 v60, v61;
	v31 =	vadd.f32 $9.999999960e-13, v62;
	v63 =	vsub.s32 $0x5F3759DF, v30  }
0x130: {  	v19 =	vsub.f32 v19, v35;
	v18 =	vsub.f32 v18, v35;
	v32 =	vmul.f32 v63, v43  }
0x131: {  	v26 =	vsub.f32 v26, v29;
	v30 =	vadd.f32 $9.999999960e-13, v41;
	v52 =	vshra.s32 v31, $0x1  }
0x132: {  	v44 =	vmul.f32 $5.000000000e-01, v31;
	v31 =	vsub.f32 v24, v29;
	v29 =	vmul.f32 v63, v32  }
0x133: {  	v17 =	vsub.f32 v17, v35;
	v24 =	vshra.s32 v30, $0x1;
	v60 =	vsub.s32 $0x5F3759DF, v52  }
0x134: {  	v46 =	vmul.f32 $5.000000000e-01, v30;
	v32 =	vsub.f32 v25, v45;
	v25 =	vsub.f32 $1.500000000e+00, v29  }
0x135: {  	v16 =	vsub.f32 v16, v35;
	v24 =	vsub.s32 $0x5F3759DF, v24;
	v61 =	vmul.f32 v60, v44  }
0x136: {  	v35 =	vadd.f32 v58, v10;
	v52 =	vmul.f32 v63, v25;
	v25 =	vmul.f32 v24, v46  }
0x137: {  	v47 =	vmul.f32 v39, v7;
	v42 =	vmul.f32 v23, v5;
	v62 =	vadd.f32 v55, v9  }
0x138: {  	v29 =	vsub.f32 v33, v45;
	v33 =	vmul.f32 v60, v61;
	v25 =	vmul.f32 v24, v25  }
0x139: {  	v41 =	vmul.f32 v21, v4;
	v19 =	vmul.f32 v50, v19;
	v30 =	vsub.f32 v27, v45  }
0x13a: {  	v18 =	vmul.f32 v50, v18;
	v21 =	vsub.f32 $1.500000000e+00, v33;
	v23 =	vsub.f32 $1.500000000e+00, v25  }
0x13b: {  	v27 =	vsub.f32 v37, v45;
	v19 =	vmul.f32 v19, v7;
	v45 =	vmul.f32 v36, v6  }
0x13c: {  	s15 =	simm.s32 $0x8400;
	v53 =	vadd.f32 v53, v10;
	v36 =	vmul.f32 v60, v21;
	v23 =	vmul.f32 v24, v23  }
0x13d: {  	[tilespmem:s15+$0x50] =	vst v62;
	v62 =	vmul.f32 v50, v17;
	v19 =	vadd.f32 v19, v11;
	v21 =	vmul.f32 v52, v43  }
0x13e: {  	[tilespmem:s15+$0x70] =	vst v54;
	v61 =	vadd.f32 v57, v9;
	v51 =	vmul.f32 v36, v44;
	v54 =	vmul.f32 v23, v46  }
0x13f: {  	v63 =	vadd.f32 v56, v8;
	v33 =	vsub.f32 v28, v48;
	v21 =	vmul.f32 v21, v52  }
0x140: {  	[tilespmem:s15+$0x60] =	vst v53;
	v28 =	vsub.f32 v40, v48;
	v56 =	vmul.f32 v51, v36;
	v60 =	vmul.f32 v54, v23  }
0x141: {  	[tilespmem:s15+$0x40] =	vst v49;
	v17 =	vmul.f32 v18, v4;
	v25 =	vsub.f32 v34, v48;
	v21 =	vsub.f32 $1.500000000e+00, v21  }
0x142: {  	s14 =	simm.s32 $0x8500;
	[tilespmem:s15+$0xFFFFFF80] =	vst v63;
	v34 =	vmul.f32 v50, v16;
	v63 =	vsub.f32 $1.500000000e+00, v56;
	v37 =	vsub.f32 $1.500000000e+00, v60  }
0x143: {  	[tilespmem:s14+$0x70] =	vst v19;
	v16 =	vmul.f32 v62, v5;
	v24 =	vsub.f32 v38, v48;
	v21 =	vmul.f32 v21, v52  }
0x144: {  	s28 =	simm.s32 $0x4;
	s29 =	simm.s32 $0x600;
	[tilespmem:s15+$0xFFFFFF90] =	vst v61;
	v19 =	vmul.f32 v63, v36;
	v18 =	vmul.f32 v37, v23;
	v23 =	vadd.f32 v59, v11  }
.LBB2_3:
0x145: {  	v36 =	vld [tilespmem:s29+$0x40];
	v37 =	vmul.f32 v21, v43;
	v34 =	vmul.f32 v34, v6;
	s13 =	sadd.s32 $0x100, s13;
	[tilespmem:s15+$0xFFFFFFA0] =	vst v35;
	v12 =	vadd.f32 v12, v8  }
0x146: {  	v13 =	vadd.f32 v13, v9;
	v35 =	vld [tilespmem:s13+$0x40];
	v38 =	vmul.f32 v19, v44;
	v39 =	vmul.f32 v18, v46;
	[tilespmem:s15+$0xFFFFFFB0] =	vst v23  }
0x147: {  	v23 =	vld [tilespmem:s29+$0x50];
	v37 =	vmul.f32 v37, v21;
	[tilespmem:s15+$0xFFFFFFC0] =	vst v12;
	v12 =	vadd.f32 v14, v10;
	v14 =	vadd.f32 v15, v11  }
0x148: {  	v15 =	vld [tilespmem:s13+$0x50];
	v38 =	vmul.f32 v38, v19;
	v39 =	vmul.f32 v39, v18;
	[tilespmem:s15+$0xFFFFFFD0] =	vst v13;
	v13 =	vadd.f32 v41, v8  }
0x149: {  	v40 =	vld [tilespmem:s29+$0x60];
	v37 =	vsub.f32 $1.500000000e+00, v37;
	[tilespmem:s15+$0xFFFFFFE0] =	vst v12;
	v12 =	vadd.f32 v42, v9  }
0x14a: {  	v42 =	vld [tilespmem:s13+$0x60];
	v38 =	vsub.f32 $1.500000000e+00, v38;
	v39 =	vsub.f32 $1.500000000e+00, v39;
	[tilespmem:s15+$0xFFFFFFF0] =	vst v14  }
0x14b: {  	v14 =	vld [tilespmem:s29+$0x70];
	v21 =	vmul.f32 v37, v21;
	[tilespmem:s15+$0x0] =	vst v13;
	v13 =	vadd.f32 v45, v10;
	v37 =	vadd.f32 v47, v11  }
0x14c: {  	v17 =	vadd.f32 v17, v8;
	v43 =	vld [tilespmem:s13+$0x70];
	v19 =	vmul.f32 v38, v19;
	v38 =	vmul.f32 v39, v18;
	[tilespmem:s15+$0x10] =	vst v12  }
0x14d: {  	s28 =	sadd.s32 $0x4, s28;
	v41 =	vld [tilespmem:s13+$0xFFFFFF80];
	v12 =	vmul.f32 v21, v20;
	v20 =	vmul.f32 v21, v22;
	v22 =	vadd.f32 v16, v9;
	[tilespmem:s15+$0x20] =	vst v13  }
0x14e: {  	p1 =	slt.u32 s28, $0x7C;
	v39 =	vmul.f32 v21, v26;
	v44 =	vmul.f32 v21, v31;
	v21 =	vadd.f32 v34, v10;
	v13 =	vld [tilespmem:s29+$0xFFFFFF90];
	[tilespmem:s15+$0x30] =	vst v37;
	s15 =	smov.u32 s14  }
0x14f: {  	v32 =	vmul.f32 v19, v32;
	v37 =	vmul.f32 v19, v30;
	v31 =	vld [tilespmem:s13+$0xFFFFFF90];
	[tilespmem:s14+$0x40] =	vst v17  }
0x150: {  	v18 =	vadd.f32 v35, v36;
	v16 =	vadd.f32 v15, v23;
	v15 =	vmul.f32 v19, v29;
	v30 =	vld [tilespmem:s29+$0xFFFFFFA0];
	[tilespmem:s14+$0x50] =	vst v22  }
0x151: {  	v17 =	vadd.f32 v42, v40;
	v40 =	vmul.f32 v19, v27;
	v23 =	vld [tilespmem:s13+$0xFFFFFFA0];
	v26 =	vadd.f32 v43, v14;
	[tilespmem:s14+$0x60] =	vst v21  }
0x152: {  	v29 =	vmul.f32 v38, v33;
	v19 =	vadd.f32 v16, v18;
	v27 =	vmul.f32 v38, v25;
	v14 =	vld [tilespmem:s29+$0xFFFFFFB0]  }
0x153: {  	v34 =	vmul.f32 v18, v18;
	v35 =	vmul.f32 v16, v16;
	v33 =	vld [tilespmem:s13+$0xFFFFFFB0];
	v21 =	vadd.f32 v26, v17  }
0x154: {  	v36 =	vmul.f32 v26, v26;
	v22 =	vadd.f32 v31, v13;
	v13 =	vld [tilespmem:s29+$0xFFFFFFC0];
	v31 =	vmul.f32 v17, v17  }
0x155: {  	v25 =	vmul.f32 v38, v24;
	v24 =	vmul.f32 v38, v28;
	v42 =	vld [tilespmem:s13+$0xFFFFFFC0];
	v43 =	vadd.f32 v21, v19  }
0x156: {  	v19 =	vadd.f32 v35, v34;
	v45 =	vmul.f32 v22, v22;
	v38 =	vld [tilespmem:s29+$0xFFFFFFD0];
	v34 =	vadd.f32 v36, v31  }
0x157: {  	v12 =	vmul.f32 v12, v4;
	v21 =	vmul.f32 v20, v5;
	v31 =	vadd.f32 v23, v30;
	v35 =	vld [tilespmem:s13+$0xFFFFFFD0]  }
0x158: {  	v23 =	vperm.xlane v43, v0;
	v28 =	vadd.f32 v33, v14;
	v14 =	vld [tilespmem:s29+$0xFFFFFFE0];
	v20 =	vadd.f32 v34, v19  }
0x159: {  	v12 =	vadd.f32 v12, v8;
	v34 =	vmul.f32 v31, v31;
	v19 =	vmul.f32 v39, v6;
	v36 =	vld [tilespmem:s13+$0xFFFFFFE0]  }
0x15a: {  	v30 =	vadd.f32 v42, v13;
	v39 =	vld [tilespmem:s29+$0xFFFFFFF0];
	v13 =	vadd.f32 v43, v23;
	v42 =	vperm.xlane v20, v0  }
0x15b: {  	v43 =	vadd.f32 v28, v31;
	v46 =	vmul.f32 v28, v28;
	v23 =	vmul.f32 v44, v7;
	v47 =	vld [tilespmem:s13+$0xFFFFFFF0];
	[tilespmem:s14+$0xFFFFFF80] =	vst v12  }
0x15c: {  	v33 =	vadd.f32 v35, v38;
	v38 =	vld [tilespmem:s29+$0x0];
	v35 =	vperm.xlane v13, v1;
	v20 =	vadd.f32 v42, v20  }
0x15d: {  	v12 =	vmul.f32 v32, v4;
	v42 =	vadd.f32 v46, v34;
	v44 =	vmul.f32 v30, v30;
	v46 =	vld [tilespmem:s13+$0x0]  }
0x15e: {  	v34 =	vadd.f32 v36, v14;
	v32 =	vld [tilespmem:s29+$0x10];
	v48 =	vadd.f32 v13, v35;
	v14 =	vperm.xlane v20, v1  }
0x15f: {  	v49 =	vadd.f32 v33, v30;
	v36 =	vmul.f32 v33, v33;
	v13 =	vmul.f32 v37, v5;
	v50 =	vld [tilespmem:s13+$0x10]  }
0x160: {  	v35 =	vadd.f32 v47, v39;
	v39 =	vld [tilespmem:s29+$0x20];
	v37 =	vperm.xlane v48, v2;
	v20 =	vadd.f32 v14, v20  }
0x161: {  	v44 =	vadd.f32 v36, v44;
	v47 =	vmul.f32 v34, v34;
	v14 =	vmul.f32 v15, v6;
	v51 =	vld [tilespmem:s13+$0x20]  }
0x162: {  	v36 =	vadd.f32 v46, v38;
	v38 =	vld [tilespmem:s29+$0x30];
	v46 =	vadd.f32 v48, v37;
	v48 =	vperm.xlane v20, v2  }
0x163: {  	v15 =	vmul.f32 v40, v7;
	v52 =	vadd.f32 v35, v34;
	v53 =	vmul.f32 v35, v35;
	v54 =	vld [tilespmem:s13+$0x30]  }
0x164: {  	v55 =	vld [tilespmem:s29+$0xFFFFFF80];
	v37 =	vadd.f32 v50, v32;
	v32 =	vperm.xlane v46, v3;
	v20 =	vadd.f32 v48, v20  }
0x165: {  	v48 =	vadd.f32 v52, v49;
	v40 =	vadd.f32 v53, v47;
	v47 =	vmul.f32 v36, v36  }
0x166: {  	v39 =	vadd.f32 v51, v39;
	v32 =	vadd.f32 v46, v32;
	v46 =	vperm.xlane v20, v3  }
0x167: {  	v44 =	vadd.f32 v40, v44;
	v49 =	vadd.f32 v37, v36;
	v50 =	vmul.f32 v37, v37  }
0x168: {  	v40 =	vadd.f32 v54, v38;
	v20 =	vadd.f32 v46, v20;
	v38 =	vmul.f32 $1.562500000e-02, v32  }
0x169: {  	v46 =	vmul.f32 v39, v39;
	v32 =	vadd.f32 v41, v55;
	v41 =	vadd.f32 v50, v47  }
0x16a: {  	v47 =	vadd.f32 v40, v39;
	v20 =	vmul.f32 $1.562500000e-02, v20;
	v50 =	vmul.f32 v38, v38  }
0x16b: {  	v53 =	vmul.f32 v40, v40;
	v51 =	vadd.f32 v22, v32;
	v52 =	vmul.f32 v32, v32  }
0x16c: {  	v54 =	vperm.xlane v48, v0;
	v47 =	vadd.f32 v47, v49;
	v20 =	vsub.f32 v20, v50  }
0x16d: {  	v49 =	vperm.xlane v44, v0;
	v43 =	vadd.f32 v43, v51;
	v45 =	vadd.f32 v45, v52  }
0x16e: {  	v46 =	vadd.f32 v53, v46;
	v50 =	vperm.xlane v47, v0;
	v20 =	vadd.f32 $9.999999960e-13, v20  }
0x16f: {  	v48 =	vadd.f32 v48, v54;
	v42 =	vadd.f32 v42, v45;
	v45 =	vperm.xlane v43, v0  }
0x170: {  	v41 =	vadd.f32 v46, v41;
	v46 =	vshra.s32 v20, $0x1;
	v20 =	vmul.f32 $5.000000000e-01, v20  }
0x171: {  	v43 =	vadd.f32 v43, v45;
	v45 =	vperm.xlane v42, v0;
	v46 =	vsub.s32 $0x5F3759DF, v46  }
0x172: {  	v47 =	vadd.f32 v47, v50;
	v50 =	vperm.xlane v41, v0;
	v51 =	vmul.f32 v46, v20  }
0x173: {  	v52 =	vperm.xlane v43, v1;
	v42 =	vadd.f32 v45, v42;
	v45 =	vperm.xlane v48, v1  }
0x174: {  	v44 =	vadd.f32 v49, v44;
	v49 =	vperm.xlane v47, v1;
	v51 =	vmul.f32 v46, v51  }
0x175: {  	v41 =	vadd.f32 v50, v41;
	v43 =	vadd.f32 v43, v52;
	v52 =	vperm.xlane v42, v1  }
0x176: {  	v45 =	vadd.f32 v48, v45;
	v48 =	vperm.xlane v44, v1;
	v50 =	vsub.f32 $1.500000000e+00, v51  }
0x177: {  	v47 =	vadd.f32 v47, v49;
	v49 =	vperm.xlane v41, v1;
	v51 =	vperm.xlane v43, v2  }
0x178: {  	v42 =	vadd.f32 v52, v42;
	v52 =	vperm.xlane v45, v2;
	v46 =	vmul.f32 v46, v50  }
0x179: {  	v41 =	vadd.f32 v49, v41;
	v44 =	vadd.f32 v48, v44;
	v48 =	vperm.xlane v47, v2  }
0x17a: {  	v43 =	vadd.f32 v43, v51;
	v49 =	vperm.xlane v42, v2;
	v50 =	vmul.f32 v46, v20  }
0x17b: {  	v45 =	vadd.f32 v45, v52;
	v51 =	vperm.xlane v44, v2;
	v47 =	vadd.f32 v47, v48  }
0x17c: {  	v48 =	vperm.xlane v41, v2;
	v42 =	vadd.f32 v49, v42;
	v49 =	vmul.f32 v50, v46  }
0x17d: {  	v52 =	vperm.xlane v45, v3;
	v44 =	vadd.f32 v51, v44;
	v50 =	vperm.xlane v43, v3  }
0x17e: {  	v51 =	vperm.xlane v47, v3;
	v41 =	vadd.f32 v48, v41;
	v48 =	vsub.f32 $1.500000000e+00, v49  }
0x17f: {  	v45 =	vadd.f32 v45, v52;
	v43 =	vadd.f32 v43, v50;
	v49 =	vperm.xlane v42, v3  }
0x180: {  	v47 =	vadd.f32 v47, v51;
	v50 =	vperm.xlane v44, v3;
	v46 =	vmul.f32 v48, v46  }
0x181: {  	v42 =	vadd.f32 v49, v42;
	v48 =	vmul.f32 $1.562500000e-02, v43;
	v43 =	vperm.xlane v41, v3  }
0x182: {  	v45 =	vmul.f32 $1.562500000e-02, v45;
	v44 =	vadd.f32 v50, v44;
	v49 =	vmul.f32 v46, v20  }
0x183: {  	v50 =	vmul.f32 $1.562500000e-02, v47;
	v42 =	vmul.f32 $1.562500000e-02, v42;
	v41 =	vadd.f32 v43, v41  }
0x184: {  	v43 =	vmul.f32 v48, v48;
	v20 =	vsub.f32 v32, v48;
	v32 =	vmul.f32 v49, v46  }
0x185: {  	v47 =	vmul.f32 v45, v45;
	v22 =	vsub.f32 v22, v48;
	v44 =	vmul.f32 $1.562500000e-02, v44  }
0x186: {  	v51 =	vmul.f32 v50, v50;
	v49 =	vmul.f32 $1.562500000e-02, v41;
	v32 =	vsub.f32 $1.500000000e+00, v32  }
0x187: {  	v42 =	vsub.f32 v42, v43;
	v43 =	vsub.f32 v44, v47;
	v41 =	vmul.f32 v29, v4  }
0x188: {  	v29 =	vsub.f32 v49, v51;
	v49 =	vmul.f32 v32, v46;
	v32 =	vsub.f32 v26, v38  }
0x189: {  	v44 =	vadd.f32 $9.999999960e-13, v42;
	v42 =	vmul.f32 v27, v5;
	v46 =	vadd.f32 $9.999999960e-13, v43  }
0x18a: {  	v26 =	vsub.f32 v31, v48;
	v27 =	vadd.f32 $9.999999960e-13, v29;
	v29 =	vmul.f32 v49, v32  }
0x18b: {  	v31 =	vshra.s32 v44, $0x1;
	v43 =	vmul.f32 $5.000000000e-01, v44;
	v32 =	vshra.s32 v46, $0x1  }
0x18c: {  	v44 =	vmul.f32 $5.000000000e-01, v46;
	v47 =	vshra.s32 v27, $0x1;
	v29 =	vmul.f32 v29, v7  }
0x18d: {  	v51 =	vsub.s32 $0x5F3759DF, v31;
	v46 =	vmul.f32 $5.000000000e-01, v27;
	v52 =	vsub.s32 $0x5F3759DF, v32  }
0x18e: {  	v27 =	vmul.f32 v51, v43;
	v53 =	vsub.s32 $0x5F3759DF, v47;
	v29 =	vadd.f32 v29, v11  }
0x18f: {  	s14 =	sadd.s32 $0x100, s14;
	v31 =	vsub.f32 v28, v48;
	v28 =	vmul.f32 v52, v44;
	v47 =	vmul.f32 v53, v46  }
0x190: {  	v32 =	vsub.f32 v30, v45;
	v30 =	vsub.f32 v33, v45;
	v27 =	vmul.f32 v51, v27;
	[tilespmem:s14+$0x70] =	vst v29  }
0x191: {  	v28 =	vmul.f32 v52, v28;
	v33 =	vmul.f32 v53, v47;
	v29 =	vsub.f32 v34, v45  }
0x192: {  	v34 =	vsub.f32 $1.500000000e+00, v27;
	v27 =	vsub.f32 v35, v45;
	v45 =	vmul.f32 v25, v6  }
0x193: {  	v47 =	vmul.f32 v24, v7;
	v28 =	vsub.f32 $1.500000000e+00, v28;
	v35 =	vsub.f32 $1.500000000e+00, v33  }
0x194: {  	v33 =	vsub.f32 v36, v50;
	v25 =	vsub.f32 v37, v50;
	v48 =	vmul.f32 v51, v34  }
0x195: {  	v24 =	vsub.f32 v39, v50;
	v36 =	vmul.f32 v52, v28;
	v37 =	vmul.f32 v53, v35  }
0x196: {  	v18 =	vsub.f32 v18, v38;
	v28 =	vsub.f32 v40, v50;
	v34 =	vmul.f32 v48, v43  }
0x197: {  	v16 =	vsub.f32 v16, v38;
	v35 =	vmul.f32 v36, v44;
	v39 =	vmul.f32 v37, v46  }
0x198: {  	v17 =	vsub.f32 v17, v38;
	v18 =	vmul.f32 v49, v18;
	v34 =	vmul.f32 v34, v48  }
.Ltmp0:
0x199: {  	v21 =	vadd.f32 v21, v9;
	v35 =	vmul.f32 v35, v36;
	v38 =	vmul.f32 v39, v37;
	(pc) =	sbr.rel @p1 .LBB2_3-.Ltmp0, $4  }
0x19a: {  	v16 =	vmul.f32 v49, v16;
	v39 =	vsub.f32 $1.500000000e+00, v34;
	v34 =	vmul.f32 v49, v17  }
0x19b: {  	v40 =	vsub.f32 $1.500000000e+00, v35;
	v38 =	vsub.f32 $1.500000000e+00, v38;
	v17 =	vmul.f32 v18, v4;
	[tilespmem:s15+$0xFFFFFF90] =	vst v21  }
0x19c: {  	v16 =	vmul.f32 v16, v5;
	v35 =	vadd.f32 v19, v10;
	v21 =	vmul.f32 v39, v48  }
0x19d: {  	v23 =	vadd.f32 v23, v11;
	s29 =	sadd.s32 $0x100, s29;
	v19 =	vmul.f32 v40, v36;
	v18 =	vmul.f32 v38, v37  }
0x19e: {  	v36 =	vmul.f32 v21, v43  }
0x19f: {  	[tilespmem:s15+$0xFFFFFFA0] =	vst v35;
	v12 =	vadd.f32 v12, v8;
	v57 =	vmul.f32 v19, v44  }
0x1a0: {  	v13 =	vadd.f32 v13, v9;
	[tilespmem:s15+$0xFFFFFFB0] =	vst v23;
	v59 =	vmul.f32 v18, v46;
	v58 =	vmul.f32 v36, v21  }
0x1a1: {  	v60 =	vadd.f32 v14, v10;
	[tilespmem:s15+$0xFFFFFFC0] =	vst v12;
	v62 =	vmul.f32 v57, v19  }
0x1a2: {  	v61 =	vadd.f32 v15, v11;
	[tilespmem:s15+$0xFFFFFFD0] =	vst v13;
	v37 =	vmul.f32 v59, v18;
	v63 =	vsub.f32 $1.500000000e+00, v58  }
0x1a3: {  	v38 =	vadd.f32 v41, v8;
	[tilespmem:s15+$0xFFFFFFE0] =	vst v60;
	v15 =	vsub.f32 $1.500000000e+00, v62  }
0x1a4: {  	v39 =	vadd.f32 v42, v9;
	[tilespmem:s15+$0xFFFFFFF0] =	vst v61;
	v41 =	vsub.f32 $1.500000000e+00, v37;
	v13 =	vmul.f32 v63, v21  }
0x1a5: {  	v40 =	vmul.f32 v34, v6;
	v42 =	vadd.f32 v45, v10;
	[tilespmem:s15+$0x0] =	vst v38;
	v15 =	vmul.f32 v15, v19  }
0x1a6: {  	v43 =	vadd.f32 v47, v11;
	[tilespmem:s15+$0x10] =	vst v39;
	v45 =	vmul.f32 v41, v18;
	v44 =	vmul.f32 v13, v20  }
0x1a7: {  	v17 =	vadd.f32 v17, v8;
	[tilespmem:s15+$0x20] =	vst v42;
	v46 =	vmul.f32 v13, v22;
	v47 =	vmul.f32 v13, v26  }
0x1a8: {  	v16 =	vadd.f32 v16, v9;
	[tilespmem:s15+$0x30] =	vst v43;
	v13 =	vmul.f32 v13, v31;
	v12 =	vmul.f32 v44, v4  }
0x1a9: {  	v14 =	vadd.f32 v40, v10;
	[tilespmem:s14+$0x40] =	vst v17;
	v49 =	vmul.f32 v15, v32;
	v48 =	vmul.f32 v46, v5  }
0x1aa: {  	[tilespmem:s14+$0x50] =	vst v16;
	v51 =	vmul.f32 v15, v30;
	v50 =	vmul.f32 v47, v6;
	v12 =	vadd.f32 v12, v8  }
0x1ab: {  	[tilespmem:s14+$0x60] =	vst v14;
	v53 =	vmul.f32 v15, v29;
	v13 =	vmul.f32 v13, v7;
	v52 =	vadd.f32 v48, v9  }
0x1ac: {  	v15 =	vmul.f32 v15, v27;
	v55 =	vmul.f32 v51, v5;
	v16 =	vadd.f32 v50, v10;
	[tilespmem:s14+$0xFFFFFF80] =	vst v12  }
0x1ad: {  	v56 =	vmul.f32 v45, v33;
	v17 =	vmul.f32 v53, v6;
	v13 =	vadd.f32 v13, v11;
	[tilespmem:s14+$0xFFFFFF90] =	vst v52  }
0x1ae: {  	v15 =	vmul.f32 v15, v7;
	v58 =	vadd.f32 v55, v9;
	[tilespmem:s14+$0xFFFFFFA0] =	vst v16  }
0x1af: {  	v59 =	vmul.f32 v45, v24;
	v14 =	vmul.f32 v56, v4;
	v60 =	vadd.f32 v17, v10;
	[tilespmem:s14+$0xFFFFFFB0] =	vst v13  }
0x1b0: {  	v57 =	vmul.f32 v45, v25;
	v54 =	vmul.f32 v49, v4;
	v15 =	vadd.f32 v15, v11;
	[tilespmem:s14+$0xFFFFFFD0] =	vst v58  }
0x1b1: {  	v61 =	vmul.f32 v45, v28;
	v62 =	vmul.f32 v59, v6;
	v14 =	vadd.f32 v14, v8;
	[tilespmem:s14+$0xFFFFFFE0] =	vst v60  }
0x1b2: {  	v12 =	vadd.f32 v54, v8;
	v16 =	vmul.f32 v57, v5;
	[tilespmem:s14+$0xFFFFFFF0] =	vst v15  }
0x1b3: {  	p1 =	seq.s32 s16, $0x18;
	v63 =	vmul.f32 v61, v7;
	v13 =	vadd.f32 v62, v10;
	[tilespmem:s14+$0x0] =	vst v14  }
.Ltmp1:
0x1b4: {  	s13 =	sshll.u32 s16, $0xE;
	[tilespmem:s14+$0xFFFFFFC0] =	vst v12;
	v16 =	vadd.f32 v16, v9;
	(pc) =	sbr.rel @p1 .LBB2_6-.Ltmp1, $4  }
0x1b5: {  	s13 =	sadd.s32 s17, s13;
	v12 =	vadd.f32 v63, v11;
	[tilespmem:s14+$0x20] =	vst v13  }
0x1b6: {  	s13 =	sshrl.u32 s13, $0x3;
	[tilespmem:s14+$0x10] =	vst v16  }
0x1b7: {  	s13 =	sadd.s32 s3, s13;
	[tilespmem:s14+$0x30] =	vst v12  }
0x1b8: {  	[hbm4b:s13+s5] =	stream.linear.scatter [tilespmem:s2], [sflag:$0x3], $0x2000, $0x38;
	[tilespmem:$0xC400] =	vst v63  }
0x1b9: {  	s13 =	sshll.u32 s16, $0x8  }
0x1ba: {  	s13 =	sadd.s32 s13, s18  }
0x1bb: {  	s13 =	sshrl.u32 s13, $0x3  }
0x1bc: {  	s14 =	sadd.s32 s6, s13  }
0x1bd: {  	[tilespmem:s5], [sflag:$0x5] =	stream.linear.gather [hbm4b:s14+s5], $0x80, $0x38;
	[tilespmem:$0xC400] =	vst v63  }
0x1be: {  	_ =	swait.ge [sflag:s21], $0x80  }
0x1bf: {  	[sflag:s21] =	ssyncset.done $0x0  }
0x1c0: {  	s29 =	sadd.s32 s7, s13;
	[sflag:s21] =	ssyncadd.s32 $0xFFFFFF80  }
0x1c1: {  	[tilespmem:s23], [sflag:$0x5] =	stream.linear.gather [hbm4b:s29+s5], $0x80, $0x38;
	[tilespmem:$0xC400] =	vst v63  }
0x1c2: {  	_ =	swait.ge [sflag:s21], $0x80  }
0x1c3: {  	[sflag:s21] =	ssyncset.done $0x0  }
0x1c4: {  	s15 =	sadd.s32 s8, s13;
	[sflag:s21] =	ssyncadd.s32 $0xFFFFFF80  }
0x1c5: {  	[tilespmem:s24], [sflag:$0x5] =	stream.linear.gather [hbm4b:s15+s5], $0x80, $0x38;
	[tilespmem:$0xC400] =	vst v63  }
0x1c6: {  	_ =	swait.ge [sflag:s21], $0x80  }
0x1c7: {  	[sflag:s21] =	ssyncset.done $0x0  }
0x1c8: {  	s13 =	sadd.s32 s10, s13;
	[sflag:s21] =	ssyncadd.s32 $0xFFFFFF80  }
0x1c9: {  	[tilespmem:s25], [sflag:$0x5] =	stream.linear.gather [hbm4b:s13+s5], $0x80, $0x38;
	[tilespmem:$0xC400] =	vst v63  }
0x1ca: {  	_ =	swait.ge [sflag:s21], $0x80  }
0x1cb: {  	[sflag:s21] =	ssyncset.done $0x0  }
0x1cc: {  	[sflag:s21] =	ssyncadd.s32 $0xFFFFFF80  }
0x1cd: {  	v12 =	vld [tilespmem:$0x100]  }
0x1ce: {  	v13 =	vld [tilespmem:$0x180]  }
0x1cf: {  	v14 =	vld [tilespmem:$0x200]  }
0x1d0: {  	v15 =	vld [tilespmem:$0x110]  }
0x1d1: {  	v16 =	vld [tilespmem:$0x190]  }
0x1d2: {  	v17 =	vld [tilespmem:$0x210]  }
0x1d3: {  	v18 =	vld [tilespmem:$0x120]  }
0x1d4: {  	v19 =	vld [tilespmem:$0x1A0]  }
0x1d5: {  	v20 =	vld [tilespmem:$0x220]  }
0x1d6: {  	v21 =	vld [tilespmem:$0x130]  }
0x1d7: {  	v22 =	vld [tilespmem:$0x1B0]  }
0x1d8: {  	v23 =	vld [tilespmem:$0x230]  }
0x1d9: {  	v24 =	vld [tilespmem:$0x140]  }
0x1da: {  	v25 =	vld [tilespmem:$0x1C0]  }
0x1db: {  	v27 =	vld [tilespmem:$0x150]  }
0x1dc: {  	v28 =	vld [tilespmem:$0x1D0]  }
0x1dd: {  	v29 =	vld [tilespmem:$0x160]  }
0x1de: {  	v30 =	vld [tilespmem:$0x1E0];
	v12 =	vmul.u32 $0xE10, v12;
	v13 =	vmul.u32 $0x14, v13;
	v15 =	vmul.u32 $0xE10, v15  }
0x1df: {  	v41 =	vld [tilespmem:$0x170];
	v16 =	vmul.u32 $0x14, v16;
	v18 =	vmul.u32 $0xE10, v18;
	v19 =	vmul.u32 $0x14, v19  }
0x1e0: {  	v44 =	vld [tilespmem:$0x1F0];
	v39 =	vmul.u32 $0xE10, v21;
	v40 =	vmul.u32 $0x14, v22;
	v45 =	vmul.u32 $0xE10, v24  }
0x1e1: {  	v47 =	vld [tilespmem:$0x250];
	v46 =	vmul.u32 $0x14, v25;
	v52 =	vmul.u32 $0xE10, v27;
	v12 =	vadd.s32 v12, v13  }
0x1e2: {  	v50 =	vld [tilespmem:$0x260];
	v53 =	vmul.u32 $0x14, v28;
	v42 =	vadd.s32 v15, v16;
	v12 =	vadd.s32 v14, v12  }
0x1e3: {  	v26 =	vld [tilespmem:$0x240];
	v55 =	vmul.u32 $0xE10, v29;
	v43 =	vadd.s32 v18, v19;
	v48 =	vadd.s32 v17, v42;
	[tilespmem:$0x280] =	vst v12  }
0x1e4: {  	v54 =	vld [tilespmem:$0x270];
	v56 =	vmul.u32 $0x14, v30;
	v13 =	vadd.s32 v39, v40;
	v49 =	vadd.s32 v20, v43;
	[tilespmem:$0x290] =	vst v48  }
0x1e5: {  	v58 =	vmul.u32 $0xE10, v41;
	v57 =	vadd.s32 v52, v53;
	v13 =	vadd.s32 v23, v13;
	[tilespmem:$0x2A0] =	vst v49  }
0x1e6: {  	v16 =	vmul.u32 $0x14, v44;
	v60 =	vadd.s32 v55, v56;
	v59 =	vadd.s32 v47, v57;
	[tilespmem:$0x2B0] =	vst v13  }
0x1e7: {  	v51 =	vadd.s32 v45, v46;
	v61 =	vadd.s32 v50, v60;
	[tilespmem:$0x2D0] =	vst v59  }
0x1e8: {  	v12 =	vadd.s32 v26, v51;
	v62 =	vadd.s32 v58, v16;
	[tilespmem:$0x2E0] =	vst v61  }
0x1e9: {  	[tilespmem:$0x2C0] =	vst v12;
	v63 =	vadd.s32 v54, v62  }
0x1ea: {  	s28 =	simm.s32 $0x380;
	[tilespmem:$0x2F0] =	vst v63  }
0x1eb: {  	[tilespmem:s28], [sflag:$0x1] =	stream.indirect.gather [hbm4b:s11+s26], $0x40, s5, s26, $0xb8;
	[tilespmem:$0xC400] =	vst v63  }
0x1ec: {  	s29 =	simm.s32 $0x280  }
0x1ed: {  	[tilespmem:s30], [sflag:$0x1] =	stream.indirect.gather [hbm4b:s12+s26], $0x40, s29, s26, $0xb8;
	[tilespmem:$0xC400] =	vst v63  }
.LBB2_6:
0x1ee: {  	_ =	swait.ge [sflag:s20], $0x2000  }
0x1ef: {  	[sflag:s20] =	ssyncset.done $0x0  }
0x1f0: {  	[sflag:s20] =	ssyncadd.s32 $0xFFFFE000  }
0x1f1: {  	_ =	swait.ge [sflag:s20], $0x2000  }
0x1f2: {  	[sflag:s20] =	ssyncset.done $0x0  }
0x1f3: {  	s13 =	simm.s32 @!p0 $0x4;
	[sflag:s20] =	ssyncadd.s32 $0xFFFFE000  }
0x1f4: {  	_ =	swait.ge @!p0 [sflag:s13], $0x2000  }
0x1f5: {  	[sflag:s13] =	ssyncset.done @!p0 $0x0  }
0x1f6: {  	s15 =	simm.s32 $0x2470;
	[sflag:s13] =	ssyncadd.s32 @!p0 $0xFFFFE000  }
0x1f7: {  	s14 =	simm.s32 $0x6470;
	v12 =	vld [tilespmem:s15+$0xFFFFFFD0]  }
0x1f8: {  	v13 =	vld [tilespmem:s14+$0xFFFFFFD0]  }
0x1f9: {  	v14 =	vld [tilespmem:s15+$0xFFFFFFE0]  }
0x1fa: {  	v15 =	vld [tilespmem:s14+$0xFFFFFFE0]  }
0x1fb: {  	v16 =	vld [tilespmem:s15+$0xFFFFFFF0]  }
0x1fc: {  	v17 =	vld [tilespmem:s14+$0xFFFFFFF0]  }
0x1fd: {  	v18 =	vld [tilespmem:s15+$0x0]  }
0x1fe: {  	v19 =	vld [tilespmem:s14+$0x0]  }
0x1ff: {  	v28 =	vld [tilespmem:s14+$0xFFFFFF10]  }
0x200: {  	v20 =	vld [tilespmem:s15+$0xFFFFFF20]  }
0x201: {  	v21 =	vld [tilespmem:s14+$0xFFFFFF20]  }
0x202: {  	v22 =	vld [tilespmem:s15+$0xFFFFFF30]  }
0x203: {  	v26 =	vld [tilespmem:s15+$0xFFFFFF50]  }
0x204: {  	v30 =	vld [tilespmem:s14+$0xFFFFFF50]  }
0x205: {  	v42 =	vld [tilespmem:s15+$0xFFFFFF10];
	v13 =	vadd.f32 v13, v12;
	v14 =	vadd.f32 v15, v14  }
0x206: {  	v12 =	vadd.f32 v17, v16;
	v16 =	vadd.f32 v19, v18;
	v17 =	vld [tilespmem:s15+$0xFFFFFF40]  }
0x207: {  	v19 =	vld [tilespmem:s14+$0xFFFFFF40];
	v18 =	vadd.f32 v14, v13  }
0x208: {  	v31 =	vld [tilespmem:s15+$0xFFFFFF60];
	v23 =	vadd.f32 v16, v12;
	v24 =	vmul.f32 v13, v13;
	v25 =	vmul.f32 v14, v14  }
0x209: {  	v15 =	vld [tilespmem:s14+$0xFFFFFF30];
	v27 =	vmul.f32 v12, v12;
	v29 =	vmul.f32 v16, v16  }
0x20a: {  	v32 =	vld [tilespmem:s15+$0xFFFFFF80];
	v23 =	vadd.f32 v23, v18  }
0x20b: {  	v33 =	vld [tilespmem:s15+$0xFFFFFF90];
	v18 =	vadd.f32 v25, v24;
	v24 =	vadd.f32 v29, v27  }
0x20c: {  	v28 =	vadd.f32 v28, v42;
	v25 =	vld [tilespmem:s14+$0xFFFFFF60];
	v17 =	vadd.f32 v19, v17  }
0x20d: {  	v37 =	vld [tilespmem:s15+$0xFFFFFFB0];
	v19 =	vadd.f32 v30, v26;
	v24 =	vadd.f32 v24, v18;
	v29 =	vperm.xlane v23, v0  }
0x20e: {  	v59 =	vmul.f32 v28, v28;
	v27 =	vld [tilespmem:s15+$0xFFFFFF70];
	v18 =	vadd.f32 v15, v22;
	v22 =	vadd.f32 v21, v20  }
0x20f: {  	v15 =	vld [tilespmem:s14+$0xFFFFFF70];
	v30 =	vmul.f32 v17, v17;
	v23 =	vadd.f32 v23, v29;
	v29 =	vperm.xlane v24, v0  }
0x210: {  	v26 =	vld [tilespmem:s14+$0xFFFFFF80];
	v35 =	vmul.f32 v19, v19;
	v20 =	vmul.f32 v18, v18;
	v58 =	vadd.f32 v22, v28  }
0x211: {  	v46 =	vld [tilespmem:s14+$0xFFFFFFB0];
	v21 =	vadd.f32 v25, v31;
	v34 =	vperm.xlane v23, v1;
	v24 =	vadd.f32 v29, v24  }
0x212: {  	v54 =	vmul.f32 v22, v22;
	v25 =	vld [tilespmem:s14+$0xFFFFFF90];
	v29 =	vadd.f32 v17, v18;
	v30 =	vadd.f32 v30, v20  }
0x213: {  	v20 =	vld [tilespmem:s15+$0xFFFFFFA0];
	v36 =	vadd.f32 v21, v19;
	v31 =	vadd.f32 v23, v34;
	v45 =	vperm.xlane v24, v1  }
0x214: {  	v23 =	vadd.f32 v15, v27;
	v15 =	vmul.f32 v21, v21;
	v27 =	vld [tilespmem:s14+$0xFFFFFFA0];
	v29 =	vadd.f32 v29, v58  }
0x215: {  	v38 =	vperm.xlane v31, v2;
	v34 =	vadd.f32 v45, v24;
	v24 =	vadd.f32 v26, v32  }
0x216: {  	v15 =	vadd.f32 v15, v35;
	v47 =	vmul.f32 v23, v23;
	v42 =	vperm.xlane v29, v0  }
0x217: {  	v39 =	vld [tilespmem:s15+$0xFFFFFFC0];
	v25 =	vadd.f32 v25, v33;
	v31 =	vadd.f32 v31, v38;
	v48 =	vperm.xlane v34, v2  }
0x218: {  	v41 =	vld [tilespmem:s14+$0xFFFFFFC0];
	v49 =	vadd.f32 v24, v23;
	v40 =	vmul.f32 v24, v24;
	v29 =	vadd.f32 v29, v42  }
0x219: {  	v50 =	vmul.f32 v25, v25;
	v26 =	vadd.f32 v27, v20;
	v20 =	vadd.f32 v46, v37  }
0x21a: {  	v27 =	vperm.xlane v31, v3;
	v34 =	vadd.f32 v48, v34;
	v33 =	vadd.f32 v49, v36  }
0x21b: {  	v35 =	vadd.f32 v40, v47;
	v46 =	vperm.xlane v29, v1;
	v52 =	vadd.f32 v26, v25  }
0x21c: {  	v53 =	vmul.f32 v26, v26;
	v57 =	vmul.f32 v20, v20;
	v27 =	vadd.f32 v31, v27  }
0x21d: {  	v31 =	vperm.xlane v34, v3;
	v51 =	vadd.f32 v35, v15;
	v15 =	vadd.f32 v41, v39  }
0x21e: {  	v61 =	vperm.xlane v33, v0;
	v29 =	vadd.f32 v29, v46;
	v36 =	vadd.f32 v53, v50  }
0x21f: {  	v31 =	vadd.f32 v31, v34;
	v27 =	vmul.f32 $1.562500000e-02, v27;
	v55 =	vadd.f32 v15, v20  }
0x220: {  	v60 =	vmul.f32 v15, v15;
	v34 =	vadd.f32 v54, v59;
	v62 =	vperm.xlane v51, v0  }
0x221: {  	v33 =	vadd.f32 v33, v61;
	v31 =	vmul.f32 $1.562500000e-02, v31;
	v35 =	vadd.f32 v55, v52  }
0x222: {  	v56 =	vmul.f32 v27, v27;
	v39 =	vadd.f32 v60, v57;
	v30 =	vadd.f32 v30, v34  }
0x223: {  	v47 =	vperm.xlane v33, v1;
	v32 =	vadd.f32 v62, v51;
	v52 =	vperm.xlane v29, v2  }
0x224: {  	v31 =	vsub.f32 v31, v56;
	v63 =	vperm.xlane v35, v0;
	v36 =	vadd.f32 v39, v36  }
0x225: {  	v44 =	vperm.xlane v30, v0;
	v33 =	vadd.f32 v33, v47;
	v29 =	vadd.f32 v29, v52  }
0x226: {  	v50 =	vperm.xlane v32, v1;
	v31 =	vadd.f32 $9.999999960e-13, v31;
	v35 =	vadd.f32 v35, v63  }
0x227: {  	v39 =	vperm.xlane v36, v0;
	v30 =	vadd.f32 v44, v30;
	v54 =	vperm.xlane v33, v2  }
0x228: {  	v32 =	vadd.f32 v50, v32;
	v60 =	vperm.xlane v29, v3;
	v43 =	vshra.s32 v31, $0x1  }
0x229: {  	v31 =	vmul.f32 $5.000000000e-01, v31;
	v48 =	vperm.xlane v35, v1;
	v36 =	vadd.f32 v39, v36  }
0x22a: {  	v49 =	vperm.xlane v30, v1;
	v33 =	vadd.f32 v33, v54;
	v57 =	vperm.xlane v32, v2  }
0x22b: {  	v37 =	vsub.s32 $0x5F3759DF, v43;
	v35 =	vadd.f32 v35, v48;
	v53 =	vperm.xlane v36, v1  }
0x22c: {  	v29 =	vadd.f32 v29, v60;
	v45 =	vmul.f32 v37, v31;
	v30 =	vadd.f32 v49, v30  }
0x22d: {  	v61 =	vperm.xlane v33, v3;
	v56 =	vperm.xlane v35, v2;
	v36 =	vadd.f32 v53, v36  }
0x22e: {  	v32 =	vadd.f32 v57, v32;
	v29 =	vmul.f32 $1.562500000e-02, v29;
	v55 =	vperm.xlane v30, v2  }
0x22f: {  	v40 =	vmul.f32 v37, v45;
	v58 =	vadd.f32 v35, v56;
	v59 =	vperm.xlane v36, v2  }
0x230: {  	v33 =	vadd.f32 v33, v61;
	v44 =	vperm.xlane v32, v3;
	v30 =	vadd.f32 v55, v30  }
0x231: {  	v51 =	vsub.f32 $1.500000000e+00, v40;
	v63 =	vperm.xlane v58, v3;
	v35 =	vadd.f32 v59, v36  }
0x232: {  	v32 =	vadd.f32 v44, v32;
	v33 =	vmul.f32 $1.562500000e-02, v33;
	v62 =	vperm.xlane v30, v3  }
0x233: {  	v37 =	vmul.f32 v37, v51;
	v34 =	vadd.f32 v58, v63;
	v45 =	vperm.xlane v35, v3  }
0x234: {  	v32 =	vmul.f32 $1.562500000e-02, v32;
	v47 =	vmul.f32 v33, v33;
	v30 =	vadd.f32 v62, v30  }
0x235: {  	v46 =	vmul.f32 v29, v29;
	v35 =	vadd.f32 v45, v35;
	v34 =	vmul.f32 $1.562500000e-02, v34  }
0x236: {  	v32 =	vsub.f32 v32, v47;
	v49 =	vmul.f32 v37, v31;
	v30 =	vmul.f32 $1.562500000e-02, v30  }
0x237: {  	v35 =	vmul.f32 $1.562500000e-02, v35;
	v48 =	vmul.f32 v34, v34  }
0x238: {  	v32 =	vadd.f32 $9.999999960e-13, v32;
	v30 =	vsub.f32 v30, v46  }
0x239: {  	v36 =	vmul.f32 v49, v37;
	v35 =	vsub.f32 v35, v48  }
0x23a: {  	v51 =	vshra.s32 v32, $0x1;
	v30 =	vadd.f32 $9.999999960e-13, v30  }
0x23b: {  	v32 =	vmul.f32 $5.000000000e-01, v32;
	v36 =	vsub.f32 $1.500000000e+00, v36;
	v35 =	vadd.f32 $9.999999960e-13, v35  }
0x23c: {  	v39 =	vsub.s32 $0x5F3759DF, v51;
	v50 =	vshra.s32 v30, $0x1;
	v30 =	vmul.f32 $5.000000000e-01, v30  }
0x23d: {  	v38 =	vsub.s32 $0x5F3759DF, v50;
	v52 =	vshra.s32 v35, $0x1;
	v35 =	vmul.f32 $5.000000000e-01, v35  }
0x23e: {  	v54 =	vmul.f32 v39, v32;
	v53 =	vmul.f32 v38, v30;
	v40 =	vsub.s32 $0x5F3759DF, v52  }
0x23f: {  	v36 =	vmul.f32 v36, v37;
	v43 =	vmul.f32 v40, v35  }
0x240: {  	v55 =	vmul.f32 v39, v54;
	v41 =	vmul.f32 v38, v53  }
0x241: {  	v16 =	vsub.f32 v16, v27;
	v31 =	vmul.f32 v36, v31;
	v56 =	vmul.f32 v40, v43  }
0x242: {  	v37 =	vsub.f32 $1.500000000e+00, v55;
	v41 =	vsub.f32 $1.500000000e+00, v41  }
0x243: {  	v13 =	vsub.f32 v13, v27;
	v31 =	vmul.f32 v31, v36;
	v42 =	vsub.f32 $1.500000000e+00, v56  }
0x244: {  	v14 =	vsub.f32 v14, v27;
	v37 =	vmul.f32 v39, v37;
	v38 =	vmul.f32 v38, v41  }
0x245: {  	v27 =	vsub.f32 v12, v27;
	v31 =	vsub.f32 $1.500000000e+00, v31;
	v57 =	vmul.f32 v40, v42  }
0x246: {  	s13 =	simm.s32 $0x6570;
	v28 =	vsub.f32 v28, v29;
	v59 =	vmul.f32 v37, v32;
	v58 =	vmul.f32 v38, v30  }
0x247: {  	s15 =	simm.s32 $0x2570;
	v44 =	vsub.f32 v18, v29;
	v18 =	vld [tilespmem:s13+$0xFFFFFFD0];
	v31 =	vmul.f32 v31, v36;
	v42 =	vmul.f32 v57, v35  }
0x248: {  	v61 =	vsub.f32 v22, v29;
	v62 =	vld [tilespmem:s15+$0xFFFFFFD0];
	v60 =	vmul.f32 v59, v37;
	v40 =	vmul.f32 v58, v38  }
0x249: {  	v21 =	vsub.f32 v21, v33;
	v47 =	vld [tilespmem:s13+$0xFFFFFF20];
	v45 =	vsub.f32 v19, v33;
	v42 =	vmul.f32 v42, v57  }
0x24a: {  	v19 =	vld [tilespmem:s13+$0xFFFFFFE0];
	v22 =	vmul.f32 v31, v16;
	v16 =	vsub.f32 $1.500000000e+00, v60;
	v40 =	vsub.f32 $1.500000000e+00, v40  }
0x24b: {  	v63 =	vsub.f32 v17, v29;
	v46 =	vld [tilespmem:s15+$0xFFFFFF20];
	v17 =	vsub.f32 $1.500000000e+00, v42  }
0x24c: {  	v23 =	vsub.f32 v23, v33;
	v54 =	vld [tilespmem:s15+$0x0];
	v16 =	vmul.f32 v16, v37;
	v38 =	vmul.f32 v40, v38  }
0x24d: {  	v24 =	vsub.f32 v24, v33;
	v50 =	vld [tilespmem:s15+$0xFFFFFFE0];
	v12 =	vmul.f32 v31, v14;
	v51 =	vmul.f32 v17, v57  }
0x24e: {  	v25 =	vsub.f32 v25, v34;
	v55 =	vld [tilespmem:s13+$0x0];
	v29 =	vmul.f32 v16, v32;
	v17 =	vmul.f32 v38, v30  }
0x24f: {  	v33 =	vsub.f32 v26, v34;
	v52 =	vld [tilespmem:s15+$0xFFFFFFF0];
	v22 =	vmul.f32 v22, v7;
	v26 =	vmul.f32 v51, v35  }
0x250: {  	v18 =	vadd.f32 v18, v62;
	v53 =	vld [tilespmem:s13+$0xFFFFFFF0];
	v29 =	vmul.f32 v29, v16;
	v17 =	vmul.f32 v17, v38  }
0x251: {  	v49 =	vld [tilespmem:s15+$0xFFFFFF50];
	v41 =	vadd.f32 v47, v46;
	v30 =	vmul.f32 v31, v13;
	v26 =	vmul.f32 v26, v51  }
0x252: {  	v36 =	vld [tilespmem:s13+$0xFFFFFF80];
	v58 =	vmul.f32 v18, v18;
	v13 =	vsub.f32 $1.500000000e+00, v29;
	v17 =	vsub.f32 $1.500000000e+00, v17  }
0x253: {  	v56 =	vld [tilespmem:s13+$0xFFFFFF30];
	v29 =	vmul.f32 v31, v27;
	v30 =	vmul.f32 v30, v4;
	v14 =	vsub.f32 $1.500000000e+00, v26  }
0x254: {  	v46 =	vld [tilespmem:s15+$0xFFFFFF90];
	v26 =	vmul.f32 v17, v38;
	v38 =	vmul.f32 v13, v16;
	v17 =	vadd.f32 v19, v50  }
0x255: {  	v27 =	vld [tilespmem:s15+$0xFFFFFF30];
	v16 =	vadd.f32 v53, v52;
	v19 =	vadd.f32 v55, v54;
	v48 =	vmul.f32 v14, v51  }
0x256: {  	v57 =	vld [tilespmem:s15+$0xFFFFFF40];
	v50 =	vsub.f32 v20, v34;
	v32 =	vmul.f32 v26, v28;
	v31 =	vmul.f32 v26, v61  }
0x257: {  	v52 =	vld [tilespmem:s13+$0xFFFFFF50];
	v13 =	vadd.f32 v17, v18;
	v59 =	vmul.f32 v17, v17;
	v60 =	vmul.f32 v16, v16  }
0x258: {  	v53 =	vld [tilespmem:s13+$0xFFFFFFA0];
	v14 =	vadd.f32 v19, v16;
	v51 =	vmul.f32 v19, v19;
	v20 =	vmul.f32 v26, v44  }
0x259: {  	v28 =	vld [tilespmem:s13+$0xFFFFFF40];
	v42 =	vmul.f32 v26, v63;
	v43 =	vmul.f32 v38, v45;
	v45 =	vsub.f32 v15, v34  }
0x25a: {  	v44 =	vld [tilespmem:s15+$0xFFFFFF60];
	v15 =	vmul.f32 v38, v24;
	v61 =	vadd.f32 v14, v13;
	v26 =	vadd.f32 v59, v58  }
0x25b: {  	v63 =	vld [tilespmem:s13+$0xFFFFFF60];
	v62 =	vadd.f32 v51, v60;
	v13 =	vmul.f32 v38, v21;
	v14 =	vmul.f32 v38, v23  }
0x25c: {  	v34 =	vld [tilespmem:s15+$0xFFFFFF70];
	v21 =	vmul.f32 v48, v25;
	v39 =	vmul.f32 v48, v45  }
0x25d: {  	v38 =	vld [tilespmem:s13+$0xFFFFFF70];
	v15 =	vmul.f32 v15, v7;
	v23 =	vadd.f32 v62, v26;
	v55 =	vperm.xlane v61, v0  }
0x25e: {  	v26 =	vadd.f32 v56, v27;
	v62 =	vld [tilespmem:s15+$0xFFFFFFA0];
	v13 =	vmul.f32 v13, v5;
	v24 =	vadd.f32 v28, v57  }
0x25f: {  	v14 =	vmul.f32 v14, v6;
	v28 =	vld [tilespmem:s15+$0xFFFFFF80];
	v56 =	vadd.f32 v61, v55;
	v27 =	vperm.xlane v23, v0  }
0x260: {  	v25 =	vadd.f32 v52, v49;
	v57 =	vmul.f32 v26, v26;
	v61 =	vld [tilespmem:s13+$0xFFFFFF90];
	v58 =	vmul.f32 v24, v24  }
0x261: {  	v47 =	vadd.f32 v24, v26;
	v59 =	vperm.xlane v56, v1;
	v60 =	vadd.f32 v27, v23  }
0x262: {  	v54 =	vld [tilespmem:s15+$0xFFFFFFB0];
	v23 =	vmul.f32 v48, v33;
	v27 =	vadd.f32 v63, v44;
	v33 =	vadd.f32 v38, v34  }
0x263: {  	v51 =	vld [tilespmem:s13+$0xFFFFFFB0];
	v63 =	vmul.f32 v25, v25;
	v44 =	vadd.f32 v58, v57;
	v34 =	vadd.f32 v53, v62  }
0x264: {  	v52 =	vld [tilespmem:s15+$0xFFFFFF10];
	v35 =	vadd.f32 v56, v59;
	v57 =	vperm.xlane v60, v1;
	v38 =	vadd.f32 v27, v25  }
0x265: {  	v58 =	vmul.f32 v27, v27;
	v37 =	vadd.f32 v36, v28;
	v28 =	vadd.f32 v61, v46;
	v46 =	vld [tilespmem:s15+$0xFFFFFFC0]  }
0x266: {  	v55 =	vmul.f32 v33, v33;
	v59 =	vperm.xlane v35, v2;
	v49 =	vadd.f32 v57, v60;
	v57 =	vld [tilespmem:s13+$0xFFFFFFC0]  }
0x267: {  	v40 =	vadd.f32 v58, v63;
	v56 =	vmul.f32 v37, v37;
	v58 =	vld [tilespmem:s13+$0xFFFFFF10];
	v61 =	vadd.f32 v37, v33  }
0x268: {  	v53 =	vadd.f32 v34, v28;
	v35 =	vadd.f32 v35, v59;
	v60 =	vperm.xlane v49, v2  }
0x269: {  	v36 =	vmul.f32 v48, v50;
	v62 =	vadd.f32 v56, v55;
	v45 =	vadd.f32 v61, v38  }
0x26a: {  	v38 =	vadd.f32 v51, v54;
	v61 =	vmul.f32 v34, v34;
	v49 =	vadd.f32 v60, v49  }
0x26b: {  	v63 =	vperm.xlane v35, v3;
	v50 =	vadd.f32 v62, v40;
	v60 =	vmul.f32 v28, v28  }
0x26c: {  	v55 =	vmul.f32 v12, v5;
	v40 =	vadd.f32 v57, v46;
	v52 =	vadd.f32 v58, v52  }
0x26d: {  	v35 =	vadd.f32 v35, v63;
	v59 =	vperm.xlane v49, v3;
	v46 =	vadd.f32 v61, v60  }
0x26e: {  	v61 =	vmul.f32 v38, v38;
	v56 =	vperm.xlane v50, v0;
	v54 =	vadd.f32 v40, v38  }
0x26f: {  	v63 =	vadd.f32 v41, v52;
	v60 =	vmul.f32 v52, v52;
	v48 =	vadd.f32 v59, v49  }
0x270: {  	v35 =	vmul.f32 $1.562500000e-02, v35;
	v49 =	vmul.f32 v41, v41;
	v50 =	vadd.f32 v56, v50  }
0x271: {  	v56 =	vmul.f32 v32, v4;
	v53 =	vadd.f32 v54, v53;
	v47 =	vadd.f32 v47, v63  }
0x272: {  	v48 =	vmul.f32 $1.562500000e-02, v48;
	v62 =	vmul.f32 v35, v35;
	v49 =	vadd.f32 v49, v60  }
0x273: {  	v57 =	vperm.xlane v53, v0;
	v58 =	vperm.xlane v47, v0  }
0x274: {  	v48 =	vsub.f32 v48, v62;
	v62 =	vmul.f32 v40, v40;
	v44 =	vadd.f32 v44, v49  }
0x275: {  	v63 =	vperm.xlane v45, v0;
	v47 =	vadd.f32 v47, v58;
	v53 =	vadd.f32 v53, v57  }
0x276: {  	v57 =	vmul.f32 v31, v5;
	v51 =	vadd.f32 v62, v61;
	v48 =	vadd.f32 $9.999999960e-13, v48  }
0x277: {  	v45 =	vadd.f32 v45, v63;
	v60 =	vperm.xlane v44, v0;
	v63 =	vperm.xlane v47, v1  }
0x278: {  	v46 =	vadd.f32 v51, v46;
	v59 =	vshra.s32 v48, $0x1;
	v48 =	vmul.f32 $5.000000000e-01, v48  }
0x279: {  	v44 =	vadd.f32 v60, v44;
	v60 =	vperm.xlane v45, v1;
	v51 =	vsub.s32 $0x5F3759DF, v59  }
0x27a: {  	v47 =	vadd.f32 v47, v63;
	v63 =	vperm.xlane v50, v1;
	v61 =	vmul.f32 v51, v48  }
0x27b: {  	v58 =	vmul.f32 v20, v6;
	v62 =	vperm.xlane v46, v0;
	v45 =	vadd.f32 v45, v60  }
0x27c: {  	v60 =	vperm.xlane v47, v2;
	v50 =	vadd.f32 v63, v50;
	v54 =	vmul.f32 v51, v61  }
0x27d: {  	v61 =	vperm.xlane v53, v1;
	v46 =	vadd.f32 v62, v46;
	v62 =	vperm.xlane v44, v1  }
0x27e: {  	v47 =	vadd.f32 v47, v60;
	v60 =	vperm.xlane v50, v2;
	v54 =	vsub.f32 $1.500000000e+00, v54  }
0x27f: {  	v49 =	vadd.f32 v53, v61;
	v44 =	vadd.f32 v62, v44;
	v61 =	vperm.xlane v46, v1  }
0x280: {  	v62 =	vperm.xlane v45, v2;
	v53 =	vmul.f32 v29, v6;
	v50 =	vadd.f32 v60, v50  }
0x281: {  	v51 =	vmul.f32 v51, v54;
	v63 =	vperm.xlane v49, v2;
	v46 =	vadd.f32 v61, v46  }
0x282: {  	v59 =	vperm.xlane v44, v2;
	v45 =	vadd.f32 v45, v62;
	v62 =	vperm.xlane v47, v3  }
0x283: {  	v54 =	vadd.f32 v22, v11;
	v49 =	vadd.f32 v49, v63;
	v12 =	vmul.f32 v51, v48  }
0x284: {  	v44 =	vadd.f32 v59, v44;
	v61 =	vperm.xlane v46, v2;
	v63 =	vperm.xlane v45, v3  }
0x285: {  	v29 =	vadd.f32 v47, v62;
	v59 =	vmul.f32 v42, v7;
	v12 =	vmul.f32 v12, v51  }
0x286: {  	v46 =	vadd.f32 v61, v46;
	v22 =	vadd.f32 v45, v63;
	v31 =	vperm.xlane v49, v3  }
0x287: {  	v60 =	vperm.xlane v44, v3;
	v29 =	vmul.f32 $1.562500000e-02, v29;
	v20 =	vsub.f32 $1.500000000e+00, v12  }
0x288: {  	v31 =	vadd.f32 v49, v31;
	v49 =	vadd.f32 v30, v8;
	v61 =	vperm.xlane v46, v3  }
0x289: {  	v32 =	vadd.f32 v60, v44;
	v45 =	vmul.f32 $1.562500000e-02, v22;
	v30 =	vmul.f32 v20, v51  }
0x28a: {  	v63 =	vmul.f32 v29, v29;
	v20 =	vperm.xlane v50, v3  }
0x28b: {  	v32 =	vmul.f32 $1.562500000e-02, v32;
	v22 =	vmul.f32 v30, v48  }
0x28c: {  	v12 =	vmul.f32 v43, v4;
	v42 =	vadd.f32 v61, v46;
	v62 =	vadd.f32 v20, v50  }
0x28d: {  	v48 =	vmul.f32 $1.562500000e-02, v31;
	v32 =	vsub.f32 v32, v63;
	v31 =	vmul.f32 v22, v30  }
0x28e: {  	v20 =	vsub.f32 v52, v29;
	v52 =	vmul.f32 v45, v45;
	v43 =	vmul.f32 $1.562500000e-02, v62  }
0x28f: {  	v60 =	vmul.f32 $1.562500000e-02, v42;
	v32 =	vadd.f32 $9.999999960e-13, v32;
	v31 =	vsub.f32 $1.500000000e+00, v31  }
0x290: {  	v22 =	vsub.f32 v41, v29;
	v61 =	vmul.f32 v48, v48;
	v62 =	vsub.f32 v43, v52  }
0x291: {  	v43 =	vmul.f32 $5.000000000e-01, v32;
	v50 =	vmul.f32 v31, v30;
	v30 =	vshra.s32 v32, $0x1  }
0x292: {  	v41 =	vsub.f32 v60, v61;
	v31 =	vadd.f32 $9.999999960e-13, v62;
	v63 =	vsub.s32 $0x5F3759DF, v30  }
0x293: {  	v19 =	vsub.f32 v19, v35;
	v18 =	vsub.f32 v18, v35;
	v32 =	vmul.f32 v63, v43  }
0x294: {  	v26 =	vsub.f32 v26, v29;
	v30 =	vadd.f32 $9.999999960e-13, v41;
	v52 =	vshra.s32 v31, $0x1  }
0x295: {  	v44 =	vmul.f32 $5.000000000e-01, v31;
	v31 =	vsub.f32 v24, v29;
	v29 =	vmul.f32 v63, v32  }
0x296: {  	v17 =	vsub.f32 v17, v35;
	v24 =	vshra.s32 v30, $0x1;
	v60 =	vsub.s32 $0x5F3759DF, v52  }
0x297: {  	v46 =	vmul.f32 $5.000000000e-01, v30;
	v32 =	vsub.f32 v25, v45;
	v25 =	vsub.f32 $1.500000000e+00, v29  }
0x298: {  	v16 =	vsub.f32 v16, v35;
	v24 =	vsub.s32 $0x5F3759DF, v24;
	v61 =	vmul.f32 v60, v44  }
0x299: {  	v35 =	vadd.f32 v58, v10;
	v52 =	vmul.f32 v63, v25;
	v25 =	vmul.f32 v24, v46  }
0x29a: {  	v47 =	vmul.f32 v39, v7;
	v42 =	vmul.f32 v23, v5;
	v62 =	vadd.f32 v55, v9  }
0x29b: {  	v29 =	vsub.f32 v33, v45;
	v33 =	vmul.f32 v60, v61;
	v25 =	vmul.f32 v24, v25  }
0x29c: {  	v41 =	vmul.f32 v21, v4;
	v19 =	vmul.f32 v50, v19;
	v30 =	vsub.f32 v27, v45  }
0x29d: {  	v18 =	vmul.f32 v50, v18;
	v21 =	vsub.f32 $1.500000000e+00, v33;
	v23 =	vsub.f32 $1.500000000e+00, v25  }
0x29e: {  	v27 =	vsub.f32 v37, v45;
	v19 =	vmul.f32 v19, v7;
	v45 =	vmul.f32 v36, v6  }
0x29f: {  	s15 =	simm.s32 $0xA470;
	v53 =	vadd.f32 v53, v10;
	v36 =	vmul.f32 v60, v21;
	v23 =	vmul.f32 v24, v23  }
0x2a0: {  	[tilespmem:s15+$0xFFFFFFE0] =	vst v62;
	v62 =	vmul.f32 v50, v17;
	v19 =	vadd.f32 v19, v11;
	v21 =	vmul.f32 v52, v43  }
0x2a1: {  	[tilespmem:s15+$0x0] =	vst v54;
	v61 =	vadd.f32 v57, v9;
	v51 =	vmul.f32 v36, v44;
	v54 =	vmul.f32 v23, v46  }
0x2a2: {  	v63 =	vadd.f32 v56, v8;
	v33 =	vsub.f32 v28, v48;
	v21 =	vmul.f32 v21, v52  }
0x2a3: {  	[tilespmem:s15+$0xFFFFFFF0] =	vst v53;
	v28 =	vsub.f32 v40, v48;
	v56 =	vmul.f32 v51, v36;
	v60 =	vmul.f32 v54, v23  }
0x2a4: {  	[tilespmem:s15+$0xFFFFFFD0] =	vst v49;
	v17 =	vmul.f32 v18, v4;
	v25 =	vsub.f32 v34, v48;
	v21 =	vsub.f32 $1.500000000e+00, v21  }
0x2a5: {  	s14 =	simm.s32 $0xA570;
	[tilespmem:s15+$0xFFFFFF10] =	vst v63;
	v34 =	vmul.f32 v50, v16;
	v63 =	vsub.f32 $1.500000000e+00, v56;
	v37 =	vsub.f32 $1.500000000e+00, v60  }
0x2a6: {  	[tilespmem:s14+$0x0] =	vst v19;
	v16 =	vmul.f32 v62, v5;
	v24 =	vsub.f32 v38, v48;
	v21 =	vmul.f32 v21, v52  }
0x2a7: {  	s28 =	simm.s32 $0x4;
	s29 =	simm.s32 $0x2670;
	[tilespmem:s15+$0xFFFFFF20] =	vst v61;
	v19 =	vmul.f32 v63, v36;
	v18 =	vmul.f32 v37, v23;
	v23 =	vadd.f32 v59, v11  }
.LBB2_7:
0x2a8: {  	v36 =	vld [tilespmem:s29+$0xFFFFFFD0];
	v37 =	vmul.f32 v21, v43;
	v34 =	vmul.f32 v34, v6;
	s13 =	sadd.s32 $0x100, s13;
	[tilespmem:s15+$0xFFFFFF30] =	vst v35;
	v12 =	vadd.f32 v12, v8  }
0x2a9: {  	v13 =	vadd.f32 v13, v9;
	v35 =	vld [tilespmem:s13+$0xFFFFFFD0];
	v38 =	vmul.f32 v19, v44;
	v39 =	vmul.f32 v18, v46;
	[tilespmem:s15+$0xFFFFFF40] =	vst v23  }
0x2aa: {  	v23 =	vld [tilespmem:s29+$0xFFFFFFE0];
	v37 =	vmul.f32 v37, v21;
	[tilespmem:s15+$0xFFFFFF50] =	vst v12;
	v12 =	vadd.f32 v14, v10;
	v14 =	vadd.f32 v15, v11  }
0x2ab: {  	v15 =	vld [tilespmem:s13+$0xFFFFFFE0];
	v38 =	vmul.f32 v38, v19;
	v39 =	vmul.f32 v39, v18;
	[tilespmem:s15+$0xFFFFFF60] =	vst v13;
	v13 =	vadd.f32 v41, v8  }
0x2ac: {  	v40 =	vld [tilespmem:s29+$0xFFFFFFF0];
	v37 =	vsub.f32 $1.500000000e+00, v37;
	[tilespmem:s15+$0xFFFFFF70] =	vst v12;
	v12 =	vadd.f32 v42, v9  }
0x2ad: {  	v42 =	vld [tilespmem:s13+$0xFFFFFFF0];
	v38 =	vsub.f32 $1.500000000e+00, v38;
	v39 =	vsub.f32 $1.500000000e+00, v39;
	[tilespmem:s15+$0xFFFFFF80] =	vst v14  }
0x2ae: {  	v14 =	vld [tilespmem:s29+$0x0];
	v21 =	vmul.f32 v37, v21;
	[tilespmem:s15+$0xFFFFFF90] =	vst v13;
	v13 =	vadd.f32 v45, v10;
	v37 =	vadd.f32 v47, v11  }
0x2af: {  	v17 =	vadd.f32 v17, v8;
	v43 =	vld [tilespmem:s13+$0x0];
	v19 =	vmul.f32 v38, v19;
	v38 =	vmul.f32 v39, v18;
	[tilespmem:s15+$0xFFFFFFA0] =	vst v12  }
0x2b0: {  	s28 =	sadd.s32 $0x4, s28;
	v41 =	vld [tilespmem:s13+$0xFFFFFF10];
	v12 =	vmul.f32 v21, v20;
	v20 =	vmul.f32 v21, v22;
	v22 =	vadd.f32 v16, v9;
	[tilespmem:s15+$0xFFFFFFB0] =	vst v13  }
0x2b1: {  	p0 =	slt.u32 s28, $0x7C;
	v39 =	vmul.f32 v21, v26;
	v44 =	vmul.f32 v21, v31;
	v21 =	vadd.f32 v34, v10;
	v13 =	vld [tilespmem:s29+$0xFFFFFF20];
	[tilespmem:s15+$0xFFFFFFC0] =	vst v37;
	s15 =	smov.u32 s14  }
0x2b2: {  	v32 =	vmul.f32 v19, v32;
	v37 =	vmul.f32 v19, v30;
	v31 =	vld [tilespmem:s13+$0xFFFFFF20];
	[tilespmem:s14+$0xFFFFFFD0] =	vst v17  }
0x2b3: {  	v18 =	vadd.f32 v35, v36;
	v16 =	vadd.f32 v15, v23;
	v15 =	vmul.f32 v19, v29;
	v30 =	vld [tilespmem:s29+$0xFFFFFF30];
	[tilespmem:s14+$0xFFFFFFE0] =	vst v22  }
0x2b4: {  	v17 =	vadd.f32 v42, v40;
	v40 =	vmul.f32 v19, v27;
	v23 =	vld [tilespmem:s13+$0xFFFFFF30];
	v26 =	vadd.f32 v43, v14;
	[tilespmem:s14+$0xFFFFFFF0] =	vst v21  }
0x2b5: {  	v29 =	vmul.f32 v38, v33;
	v19 =	vadd.f32 v16, v18;
	v27 =	vmul.f32 v38, v25;
	v14 =	vld [tilespmem:s29+$0xFFFFFF40]  }
0x2b6: {  	v34 =	vmul.f32 v18, v18;
	v35 =	vmul.f32 v16, v16;
	v33 =	vld [tilespmem:s13+$0xFFFFFF40];
	v21 =	vadd.f32 v26, v17  }
0x2b7: {  	v36 =	vmul.f32 v26, v26;
	v22 =	vadd.f32 v31, v13;
	v13 =	vld [tilespmem:s29+$0xFFFFFF50];
	v31 =	vmul.f32 v17, v17  }
0x2b8: {  	v25 =	vmul.f32 v38, v24;
	v24 =	vmul.f32 v38, v28;
	v42 =	vld [tilespmem:s13+$0xFFFFFF50];
	v43 =	vadd.f32 v21, v19  }
0x2b9: {  	v19 =	vadd.f32 v35, v34;
	v45 =	vmul.f32 v22, v22;
	v38 =	vld [tilespmem:s29+$0xFFFFFF60];
	v34 =	vadd.f32 v36, v31  }
0x2ba: {  	v12 =	vmul.f32 v12, v4;
	v21 =	vmul.f32 v20, v5;
	v31 =	vadd.f32 v23, v30;
	v35 =	vld [tilespmem:s13+$0xFFFFFF60]  }
0x2bb: {  	v23 =	vperm.xlane v43, v0;
	v28 =	vadd.f32 v33, v14;
	v14 =	vld [tilespmem:s29+$0xFFFFFF70];
	v20 =	vadd.f32 v34, v19  }
0x2bc: {  	v12 =	vadd.f32 v12, v8;
	v34 =	vmul.f32 v31, v31;
	v19 =	vmul.f32 v39, v6;
	v36 =	vld [tilespmem:s13+$0xFFFFFF70]  }
0x2bd: {  	v30 =	vadd.f32 v42, v13;
	v39 =	vld [tilespmem:s29+$0xFFFFFF80];
	v13 =	vadd.f32 v43, v23;
	v42 =	vperm.xlane v20, v0  }
0x2be: {  	v43 =	vadd.f32 v28, v31;
	v46 =	vmul.f32 v28, v28;
	v23 =	vmul.f32 v44, v7;
	v47 =	vld [tilespmem:s13+$0xFFFFFF80];
	[tilespmem:s14+$0xFFFFFF10] =	vst v12  }
0x2bf: {  	v33 =	vadd.f32 v35, v38;
	v38 =	vld [tilespmem:s29+$0xFFFFFF90];
	v35 =	vperm.xlane v13, v1;
	v20 =	vadd.f32 v42, v20  }
0x2c0: {  	v12 =	vmul.f32 v32, v4;
	v42 =	vadd.f32 v46, v34;
	v44 =	vmul.f32 v30, v30;
	v46 =	vld [tilespmem:s13+$0xFFFFFF90]  }
0x2c1: {  	v34 =	vadd.f32 v36, v14;
	v32 =	vld [tilespmem:s29+$0xFFFFFFA0];
	v48 =	vadd.f32 v13, v35;
	v14 =	vperm.xlane v20, v1  }
0x2c2: {  	v49 =	vadd.f32 v33, v30;
	v36 =	vmul.f32 v33, v33;
	v13 =	vmul.f32 v37, v5;
	v50 =	vld [tilespmem:s13+$0xFFFFFFA0]  }
0x2c3: {  	v35 =	vadd.f32 v47, v39;
	v39 =	vld [tilespmem:s29+$0xFFFFFFB0];
	v37 =	vperm.xlane v48, v2;
	v20 =	vadd.f32 v14, v20  }
0x2c4: {  	v44 =	vadd.f32 v36, v44;
	v47 =	vmul.f32 v34, v34;
	v14 =	vmul.f32 v15, v6;
	v51 =	vld [tilespmem:s13+$0xFFFFFFB0]  }
0x2c5: {  	v36 =	vadd.f32 v46, v38;
	v38 =	vld [tilespmem:s29+$0xFFFFFFC0];
	v46 =	vadd.f32 v48, v37;
	v48 =	vperm.xlane v20, v2  }
0x2c6: {  	v15 =	vmul.f32 v40, v7;
	v52 =	vadd.f32 v35, v34;
	v53 =	vmul.f32 v35, v35;
	v54 =	vld [tilespmem:s13+$0xFFFFFFC0]  }
0x2c7: {  	v55 =	vld [tilespmem:s29+$0xFFFFFF10];
	v37 =	vadd.f32 v50, v32;
	v32 =	vperm.xlane v46, v3;
	v20 =	vadd.f32 v48, v20  }
0x2c8: {  	v48 =	vadd.f32 v52, v49;
	v40 =	vadd.f32 v53, v47;
	v47 =	vmul.f32 v36, v36  }
0x2c9: {  	v39 =	vadd.f32 v51, v39;
	v32 =	vadd.f32 v46, v32;
	v46 =	vperm.xlane v20, v3  }
0x2ca: {  	v44 =	vadd.f32 v40, v44;
	v49 =	vadd.f32 v37, v36;
	v50 =	vmul.f32 v37, v37  }
0x2cb: {  	v40 =	vadd.f32 v54, v38;
	v20 =	vadd.f32 v46, v20;
	v38 =	vmul.f32 $1.562500000e-02, v32  }
0x2cc: {  	v46 =	vmul.f32 v39, v39;
	v32 =	vadd.f32 v41, v55;
	v41 =	vadd.f32 v50, v47  }
0x2cd: {  	v47 =	vadd.f32 v40, v39;
	v20 =	vmul.f32 $1.562500000e-02, v20;
	v50 =	vmul.f32 v38, v38  }
0x2ce: {  	v53 =	vmul.f32 v40, v40;
	v51 =	vadd.f32 v22, v32;
	v52 =	vmul.f32 v32, v32  }
0x2cf: {  	v54 =	vperm.xlane v48, v0;
	v47 =	vadd.f32 v47, v49;
	v20 =	vsub.f32 v20, v50  }
0x2d0: {  	v49 =	vperm.xlane v44, v0;
	v43 =	vadd.f32 v43, v51;
	v45 =	vadd.f32 v45, v52  }
0x2d1: {  	v46 =	vadd.f32 v53, v46;
	v50 =	vperm.xlane v47, v0;
	v20 =	vadd.f32 $9.999999960e-13, v20  }
0x2d2: {  	v48 =	vadd.f32 v48, v54;
	v42 =	vadd.f32 v42, v45;
	v45 =	vperm.xlane v43, v0  }
0x2d3: {  	v41 =	vadd.f32 v46, v41;
	v46 =	vshra.s32 v20, $0x1;
	v20 =	vmul.f32 $5.000000000e-01, v20  }
0x2d4: {  	v43 =	vadd.f32 v43, v45;
	v45 =	vperm.xlane v42, v0;
	v46 =	vsub.s32 $0x5F3759DF, v46  }
0x2d5: {  	v47 =	vadd.f32 v47, v50;
	v50 =	vperm.xlane v41, v0;
	v51 =	vmul.f32 v46, v20  }
0x2d6: {  	v52 =	vperm.xlane v43, v1;
	v42 =	vadd.f32 v45, v42;
	v45 =	vperm.xlane v48, v1  }
0x2d7: {  	v44 =	vadd.f32 v49, v44;
	v49 =	vperm.xlane v47, v1;
	v51 =	vmul.f32 v46, v51  }
0x2d8: {  	v41 =	vadd.f32 v50, v41;
	v43 =	vadd.f32 v43, v52;
	v52 =	vperm.xlane v42, v1  }
0x2d9: {  	v45 =	vadd.f32 v48, v45;
	v48 =	vperm.xlane v44, v1;
	v50 =	vsub.f32 $1.500000000e+00, v51  }
0x2da: {  	v47 =	vadd.f32 v47, v49;
	v49 =	vperm.xlane v41, v1;
	v51 =	vperm.xlane v43, v2  }
0x2db: {  	v42 =	vadd.f32 v52, v42;
	v52 =	vperm.xlane v45, v2;
	v46 =	vmul.f32 v46, v50  }
0x2dc: {  	v41 =	vadd.f32 v49, v41;
	v44 =	vadd.f32 v48, v44;
	v48 =	vperm.xlane v47, v2  }
0x2dd: {  	v43 =	vadd.f32 v43, v51;
	v49 =	vperm.xlane v42, v2;
	v50 =	vmul.f32 v46, v20  }
0x2de: {  	v45 =	vadd.f32 v45, v52;
	v51 =	vperm.xlane v44, v2;
	v47 =	vadd.f32 v47, v48  }
0x2df: {  	v48 =	vperm.xlane v41, v2;
	v42 =	vadd.f32 v49, v42;
	v49 =	vmul.f32 v50, v46  }
0x2e0: {  	v52 =	vperm.xlane v45, v3;
	v44 =	vadd.f32 v51, v44;
	v50 =	vperm.xlane v43, v3  }
0x2e1: {  	v51 =	vperm.xlane v47, v3;
	v41 =	vadd.f32 v48, v41;
	v48 =	vsub.f32 $1.500000000e+00, v49  }
0x2e2: {  	v45 =	vadd.f32 v45, v52;
	v43 =	vadd.f32 v43, v50;
	v49 =	vperm.xlane v42, v3  }
0x2e3: {  	v47 =	vadd.f32 v47, v51;
	v50 =	vperm.xlane v44, v3;
	v46 =	vmul.f32 v48, v46  }
0x2e4: {  	v42 =	vadd.f32 v49, v42;
	v48 =	vmul.f32 $1.562500000e-02, v43;
	v43 =	vperm.xlane v41, v3  }
0x2e5: {  	v45 =	vmul.f32 $1.562500000e-02, v45;
	v44 =	vadd.f32 v50, v44;
	v49 =	vmul.f32 v46, v20  }
0x2e6: {  	v50 =	vmul.f32 $1.562500000e-02, v47;
	v42 =	vmul.f32 $1.562500000e-02, v42;
	v41 =	vadd.f32 v43, v41  }
0x2e7: {  	v43 =	vmul.f32 v48, v48;
	v20 =	vsub.f32 v32, v48;
	v32 =	vmul.f32 v49, v46  }
0x2e8: {  	v47 =	vmul.f32 v45, v45;
	v22 =	vsub.f32 v22, v48;
	v44 =	vmul.f32 $1.562500000e-02, v44  }
0x2e9: {  	v51 =	vmul.f32 v50, v50;
	v49 =	vmul.f32 $1.562500000e-02, v41;
	v32 =	vsub.f32 $1.500000000e+00, v32  }
0x2ea: {  	v42 =	vsub.f32 v42, v43;
	v43 =	vsub.f32 v44, v47;
	v41 =	vmul.f32 v29, v4  }
0x2eb: {  	v29 =	vsub.f32 v49, v51;
	v49 =	vmul.f32 v32, v46;
	v32 =	vsub.f32 v26, v38  }
0x2ec: {  	v44 =	vadd.f32 $9.999999960e-13, v42;
	v42 =	vmul.f32 v27, v5;
	v46 =	vadd.f32 $9.999999960e-13, v43  }
0x2ed: {  	v26 =	vsub.f32 v31, v48;
	v27 =	vadd.f32 $9.999999960e-13, v29;
	v29 =	vmul.f32 v49, v32  }
0x2ee: {  	v31 =	vshra.s32 v44, $0x1;
	v43 =	vmul.f32 $5.000000000e-01, v44;
	v32 =	vshra.s32 v46, $0x1  }
0x2ef: {  	v44 =	vmul.f32 $5.000000000e-01, v46;
	v47 =	vshra.s32 v27, $0x1;
	v29 =	vmul.f32 v29, v7  }
0x2f0: {  	v51 =	vsub.s32 $0x5F3759DF, v31;
	v46 =	vmul.f32 $5.000000000e-01, v27;
	v52 =	vsub.s32 $0x5F3759DF, v32  }
0x2f1: {  	v27 =	vmul.f32 v51, v43;
	v53 =	vsub.s32 $0x5F3759DF, v47;
	v29 =	vadd.f32 v29, v11  }
0x2f2: {  	s14 =	sadd.s32 $0x100, s14;
	v31 =	vsub.f32 v28, v48;
	v28 =	vmul.f32 v52, v44;
	v47 =	vmul.f32 v53, v46  }
0x2f3: {  	v32 =	vsub.f32 v30, v45;
	v30 =	vsub.f32 v33, v45;
	v27 =	vmul.f32 v51, v27;
	[tilespmem:s14+$0x0] =	vst v29  }
0x2f4: {  	v28 =	vmul.f32 v52, v28;
	v33 =	vmul.f32 v53, v47;
	v29 =	vsub.f32 v34, v45  }
0x2f5: {  	v34 =	vsub.f32 $1.500000000e+00, v27;
	v27 =	vsub.f32 v35, v45;
	v45 =	vmul.f32 v25, v6  }
0x2f6: {  	v47 =	vmul.f32 v24, v7;
	v28 =	vsub.f32 $1.500000000e+00, v28;
	v35 =	vsub.f32 $1.500000000e+00, v33  }
0x2f7: {  	v33 =	vsub.f32 v36, v50;
	v25 =	vsub.f32 v37, v50;
	v48 =	vmul.f32 v51, v34  }
0x2f8: {  	v24 =	vsub.f32 v39, v50;
	v36 =	vmul.f32 v52, v28;
	v37 =	vmul.f32 v53, v35  }
0x2f9: {  	v18 =	vsub.f32 v18, v38;
	v28 =	vsub.f32 v40, v50;
	v34 =	vmul.f32 v48, v43  }
0x2fa: {  	v16 =	vsub.f32 v16, v38;
	v35 =	vmul.f32 v36, v44;
	v39 =	vmul.f32 v37, v46  }
0x2fb: {  	v17 =	vsub.f32 v17, v38;
	v18 =	vmul.f32 v49, v18;
	v34 =	vmul.f32 v34, v48  }
.Ltmp2:
0x2fc: {  	v21 =	vadd.f32 v21, v9;
	v35 =	vmul.f32 v35, v36;
	v38 =	vmul.f32 v39, v37;
	(pc) =	sbr.rel @p0 .LBB2_7-.Ltmp2, $4  }
0x2fd: {  	v16 =	vmul.f32 v49, v16;
	v39 =	vsub.f32 $1.500000000e+00, v34;
	v34 =	vmul.f32 v49, v17  }
0x2fe: {  	v40 =	vsub.f32 $1.500000000e+00, v35;
	v38 =	vsub.f32 $1.500000000e+00, v38;
	v17 =	vmul.f32 v18, v4;
	[tilespmem:s15+$0xFFFFFF20] =	vst v21  }
0x2ff: {  	v16 =	vmul.f32 v16, v5;
	v35 =	vadd.f32 v19, v10;
	v21 =	vmul.f32 v39, v48  }
0x300: {  	v23 =	vadd.f32 v23, v11;
	s29 =	sadd.s32 $0x100, s29;
	v19 =	vmul.f32 v40, v36;
	v18 =	vmul.f32 v38, v37  }
0x301: {  	v36 =	vmul.f32 v21, v43  }
0x302: {  	[tilespmem:s15+$0xFFFFFF30] =	vst v35;
	v12 =	vadd.f32 v12, v8;
	v57 =	vmul.f32 v19, v44  }
0x303: {  	v13 =	vadd.f32 v13, v9;
	[tilespmem:s15+$0xFFFFFF40] =	vst v23;
	v59 =	vmul.f32 v18, v46;
	v58 =	vmul.f32 v36, v21  }
0x304: {  	v60 =	vadd.f32 v14, v10;
	[tilespmem:s15+$0xFFFFFF50] =	vst v12;
	v62 =	vmul.f32 v57, v19  }
0x305: {  	v61 =	vadd.f32 v15, v11;
	[tilespmem:s15+$0xFFFFFF60] =	vst v13;
	v37 =	vmul.f32 v59, v18;
	v63 =	vsub.f32 $1.500000000e+00, v58  }
0x306: {  	v38 =	vadd.f32 v41, v8;
	[tilespmem:s15+$0xFFFFFF70] =	vst v60;
	v15 =	vsub.f32 $1.500000000e+00, v62  }
0x307: {  	v39 =	vadd.f32 v42, v9;
	[tilespmem:s15+$0xFFFFFF80] =	vst v61;
	v41 =	vsub.f32 $1.500000000e+00, v37;
	v13 =	vmul.f32 v63, v21  }
0x308: {  	v40 =	vmul.f32 v34, v6;
	v42 =	vadd.f32 v45, v10;
	[tilespmem:s15+$0xFFFFFF90] =	vst v38;
	v15 =	vmul.f32 v15, v19  }
0x309: {  	v43 =	vadd.f32 v47, v11;
	[tilespmem:s15+$0xFFFFFFA0] =	vst v39;
	v45 =	vmul.f32 v41, v18;
	v44 =	vmul.f32 v13, v20  }
0x30a: {  	v17 =	vadd.f32 v17, v8;
	[tilespmem:s15+$0xFFFFFFB0] =	vst v42;
	v46 =	vmul.f32 v13, v22;
	v47 =	vmul.f32 v13, v26  }
0x30b: {  	v16 =	vadd.f32 v16, v9;
	[tilespmem:s15+$0xFFFFFFC0] =	vst v43;
	v13 =	vmul.f32 v13, v31;
	v12 =	vmul.f32 v44, v4  }
0x30c: {  	v14 =	vadd.f32 v40, v10;
	[tilespmem:s14+$0xFFFFFFD0] =	vst v17;
	v49 =	vmul.f32 v15, v32;
	v48 =	vmul.f32 v46, v5  }
0x30d: {  	[tilespmem:s14+$0xFFFFFFE0] =	vst v16;
	v51 =	vmul.f32 v15, v30;
	v50 =	vmul.f32 v47, v6;
	v12 =	vadd.f32 v12, v8  }
0x30e: {  	[tilespmem:s14+$0xFFFFFFF0] =	vst v14;
	v53 =	vmul.f32 v15, v29;
	v13 =	vmul.f32 v13, v7;
	v52 =	vadd.f32 v48, v9  }
0x30f: {  	v15 =	vmul.f32 v15, v27;
	v55 =	vmul.f32 v51, v5;
	v16 =	vadd.f32 v50, v10;
	[tilespmem:s14+$0xFFFFFF10] =	vst v12  }
0x310: {  	v56 =	vmul.f32 v45, v33;
	v17 =	vmul.f32 v53, v6;
	v13 =	vadd.f32 v13, v11;
	[tilespmem:s14+$0xFFFFFF20] =	vst v52  }
0x311: {  	v15 =	vmul.f32 v15, v7;
	v58 =	vadd.f32 v55, v9;
	[tilespmem:s14+$0xFFFFFF30] =	vst v16  }
0x312: {  	v59 =	vmul.f32 v45, v24;
	v14 =	vmul.f32 v56, v4;
	v60 =	vadd.f32 v17, v10;
	[tilespmem:s14+$0xFFFFFF40] =	vst v13  }
0x313: {  	v57 =	vmul.f32 v45, v25;
	v54 =	vmul.f32 v49, v4;
	v15 =	vadd.f32 v15, v11;
	[tilespmem:s14+$0xFFFFFF60] =	vst v58  }
0x314: {  	v61 =	vmul.f32 v45, v28;
	v62 =	vmul.f32 v59, v6;
	v14 =	vadd.f32 v14, v8;
	[tilespmem:s14+$0xFFFFFF70] =	vst v60  }
0x315: {  	s16 =	sadd.s32 $0x1, s16;
	v12 =	vadd.f32 v54, v8;
	v16 =	vmul.f32 v57, v5;
	[tilespmem:s14+$0xFFFFFF80] =	vst v15  }
0x316: {  	p0 =	sne.s32 s16, $0x19;
	v63 =	vmul.f32 v61, v7;
	v13 =	vadd.f32 v62, v10;
	[tilespmem:s14+$0xFFFFFF90] =	vst v14  }
.Ltmp3:
0x317: {  	s13 =	sshll.u32 s19, $0xD;
	[tilespmem:s14+$0xFFFFFF50] =	vst v12;
	v16 =	vadd.f32 v16, v9;
	(pc) =	sbr.rel @p0 .LBB2_2-.Ltmp3, $4  }
0x318: {  	s13 =	sadd.s32 s17, s13;
	v12 =	vadd.f32 v63, v11;
	[tilespmem:s14+$0xFFFFFFB0] =	vst v13  }
0x319: {  	s13 =	sshrl.u32 s13, $0x3;
	[tilespmem:s14+$0xFFFFFFA0] =	vst v16  }
0x31a: {  	s13 =	sadd.s32 s3, s13;
	[tilespmem:s14+$0xFFFFFFC0] =	vst v12  }
0x31b: {  	[hbm4b:s13+s5] =	stream.linear.scatter [tilespmem:s22], [sflag:$0x4], $0x2000, $0x38;
	[tilespmem:$0xC400] =	vst v63  }
0x31c: {  	s13 =	simm.s32 $0x3  }
0x31d: {  	_ =	swait.ge [sflag:s13], $0x2000  }
0x31e: {  	[sflag:s13] =	ssyncset.done $0x0  }
0x31f: {  	s14 =	simm.s32 $0x4;
	[sflag:s13] =	ssyncadd.s32 $0xFFFFE000  }
0x320: {  	_ =	swait.ge [sflag:s14], $0x2000  }
0x321: {  	s15 =	rddreg [dreg:$0xa]  }
0x322: {  	s29 =	rddreg [dreg:$0x9];
	s15 =	sadd.s32 $0x1, s15  }
0x323: {  	p0 =	sne.s32 s15, s29  }
.Ltmp4:
0x324: {  	_ = 	snop;
	(pc) =	sbr.rel @p0 .LBB2_1-.Ltmp4, $3  }
0x325: {  	_ =	sdelay $0x1  }
0x326: {  	[sflag:s14] =	ssyncset.done $0x0  }
0x327: {  	[sflag:s14] =	ssyncadd.s32 $0xFFFFE000  }
0x328: {  	_ =	sfence.sel $0x180000  }
0x329: {  	[bflag:$0x0] =	sbarrier.arrive $0xFFFF  }
0x32a: {  	_ =	strace $0x90000047  }
0x32b: {  	s0 =	stileid.u32;
	[bflag:$0x2] =	sbarrier.arrive $0xFFFF  }
0x32c: {  	p0 =	sne.s32 s0, $0x0;
	s0 =	rddreg [dreg:$0x4]  }
0x32d: {  	s0 =	sadd.s32 @!p0 $0x100000, s0  }
0x32e: {  	[sflag:s0] =	ssyncadd.tile.s32 @!p0 $0x1;
	_ =	shalt  }
.Lfunc_end2:
_tile_overlayer_lowered:
.L_overlay_start_2:
0x32f: {  	(tag) =	ssettag $0x2  }
0x330: {  	s0 =	rddreg [dreg:$0x0];
	s2 =	stileid.u32  }
0x331: {  	s1 =	rddreg [dreg:$0x1];
	p0 =	sne.s32 s2, $0x0  }
0x332: {  	s3 =	rddreg [dreg:$0x2];
	[bflag:$0x3] =	sbarrier.arrive $0xFFFF;
	s2 =	simm.s32 @!p0 $0x1C05  }
0x333: {  	[timem:s3], [sflag:s2] =	dma.local @!p0 [hbm:s0], s1  }
0x334: {  	s0 =	simm.s32 @!p0 $0x5  }
0x335: {  	_ =	swait.ge @!p0 [sflag:s0], s1  }
0x336: {  	s1 =	ssub.s32 @!p0 $0x0, s1;
	[sflag:s0] =	ssyncset.done @!p0 $0x0  }
0x337: {  	[sflag:s0] =	ssyncadd.s32 @!p0 s1  }
0x338: {  	[bflag:$0x3] =	sbarrier.arrive $0xFFFF  }
0x339: {  	_ =	shalt  }

// kernel: sparse-core-data-format-call.cloned.1.call-start
scs
called_computation_lowered:
.L_overlay_start_0:
0x0: {  	s2 =	sld [smem:$0x3FD9]  }
0x1: {  	s3 =	sld [smem:$0x3FFE];
	_ =	sdelay $0x1  }
0x2: {  	s1 =	srdreg.scid  }
0x3: {  	s0 =	sand.u32 $0x1, s1  }
0x4: {  	s18 =	sshll.u32 s0, $0xA;
	s2 =	sadd.s32 s3, s2  }
0x5: {  	s2 =	sadd.s32 s2, s18  }
0x6: {  	[smem:$0x3FBE] =	sst s2  }
0x7: {  	_ = 	snop  }
0x8: {  	s2 =	sld [smem:$0x3FD0];
	(tm) =	ssettm $0x1  }
0x9: {  	s19 =	sld [smem:$0x3FFB];
	_ =	sdelay $0x3  }
0xa: {  	_ =	strace s19  }
0xb: {  	s3 =	sld [smem:$0x3FFC];
	_ =	sdelay $0x3  }
0xc: {  	_ =	strace s3  }
0xd: {  	s3 =	sld [smem:$0x3FFD];
	_ =	sdelay $0x3  }
0xe: {  	_ =	strace s3  }
0xf: {  	_ =	strace $0x8FFFFFFF  }
0x10: {  	s20 =	sld [smem:$0x3FDB];
	_ =	sdelay $0x1  }
0x11: {  	s4 =	simm.s32 $_scs_section_size  }
0x12: {  	s5 =	simm.s32 $_size__tile_overlayer_lowered;
	s6 =	simm.s32 $_tile_overlayer_lowered  }
0x13: {  	s23 =	simm.s32 $0x1BFF;
	s22 =	sshll.u32 s6, $0x1;
	s3 =	sadd.s32 s4, s20  }
0x14: {  	s7 =	simm.s32 $0x0;
	s21 =	sshll.u32 s5, $0x1;
	s5 =	sadd.s32 s22, s3  }
0x15: {  	[timem:s7], [sflag:s23] =	dma.local [hbm:s5], s21  }
0x16: {  	_ =	swait.ge [sflag:s23], s21  }
0x17: {  	s4 =	ssub.s32 $0x0, s21;
	[sflag:s23] =	ssyncset.done $0x0  }
0x18: {  	[sflag:s23] =	ssyncadd.s32 s4;
	_ =	sdelay $0x1  }
0x19: {  	s24 =	simm.s32 $0x1B8B  }
0x1a: {  	_ =	swait.ge [sflag:s24], $0x1  }
0x1b: {  	[sflag:s24] =	ssyncset.done $0x0  }
0x1c: {  	s26 =	simm.s32 $0x1B8E;
	s25 =	sld [smem:$0x3FFE];
	[sflag:s24] =	ssyncadd.s32 $0xFFFFFFFF  }
0x1d: {  	s27 =	simm.s32 $execute0_lowered;
	[smem:$0x3FD2] =	sst s26  }
0x1e: {  	s5 =	sshll.u32 s27, $0x1;
	_ =	strace $0x80000049;
	[dreg:$0x1] =	wrdreg $0xFFFFFFFF  }
0x1f: {  	s28 =	simm.s32 $_size_execute0_lowered;
	s3 =	sadd.s32 s3, s5;
	[dreg:$0x0] =	wrdreg $0x0  }
0x20: {  	s5 =	sshll.u32 s28, $0x1;
	[dreg:$0x2] =	wrdreg s3  }
0x21: {  	[dreg:$0x3] =	wrdreg s5  }
0x22: {  	[dreg:$0x4] =	wrdreg $0xC0  }
0x23: {  	_ =	task [dreg:s7], $0x5FFFF  }
0x24: {  	[dreg:$0x1] =	wrdreg $0xFFFFFFFF  }
0x25: {  	[dreg:$0x0] =	wrdreg $0x60  }
0x26: {  	[dreg:$0x2] =	wrdreg s25  }
0x27: {  	[dreg:$0x3] =	wrdreg s2  }
0x28: {  	[dreg:$0x4] =	wrdreg $0x9  }
0x29: {  	_ =	task.clear_ibuf [dreg:s7], $0x5FFFF;
	_ =	strace $0x90000049  }
0x2a: {  	s29 =	simm.s32 $0x9;
	_ =	strace $0x8000004B  }
0x2b: {  	_ =	swait.ge [sflag:s29], $0x1  }
0x2c: {  	[sflag:s29] =	ssyncadd.s32 $0xFFFFFFFF  }
0x2d: {  	_ =	strace $0x9000004B  }
0x2e: {  	_ =	sfence  }
0x2f: {  	s30 =	sld [smem:$0x0];
	_ =	sdelay $0x2  }
0x30: {  	s31 =	sshll.u32 s1, $0xD;
	s1 =	sshrl.u32 s1, $0x2  }
0x31: {  	s3 =	sand.u32 $0x4000, s31;
	s1 =	sadd.s32 s1, s30  }
0x32: {  	s0 =	sor.u32 s3, s0;
	s1 =	sshll.u32 s1, $0x11  }
0x33: {  	s0 =	sor.u32 s1, s0  }
0x34: {  	s0 =	sadd.s32 $0x8F2B, s0  }
0x35: {  	[sflag:s0] =	ssyncadd.remote.s32 $0x1  }
0x36: {  	_ =	sfence.sel $0xFFFF  }
0x37: {  	[dreg:$0x0] =	wrdreg $0xFFFFFFFF;
	(pc) =	sbr.abs _section_cstart, $3  }
0x38: {  	[dreg:$0x1] =	wrdreg $0xFFFFFFFF  }
0x39: {  	_ =	task.clear_ibuf [dreg:s7], $0x2FFFF;
	_ =	strace $0x9FFFFFFF  }
0x3a: {  	(tm) =	ssettm $0x7FFFFFFF  }
0x3b: {  	_ =	shalt  }
tec
execute0_lowered:
.L_overlay_start_1:
0x0: {  	(tag) =	ssettag $0x1  }
0x1: {  	s0 =	stileid.u32;
	s6 =	rddreg [dreg:$0x0]  }
0x2: {  	s2 =	rddreg [dreg:$0x1];
	s5 =	srdreg.scid  }
0x3: {  	s31 =	simm.s32 $0x2;
	s13 =	simm.s32 $0x0;
	s1 =	sshll.u32 s0, $0x7  }
0x4: {  	s14 =	simm.s32 $0x0;
	s12 =	simm.s32 $0x0;
	s3 =	sand.u32 $0x380, s1  }
0x5: {  	s5 =	sshll.u32 s5, $0x4;
	s6 =	sadd.s32 $0xC00, s6;
	s4 =	ssub.s32 $0x400, s3  }
0x6: {  	s1 =	rddreg [dreg:$0x2];
	_ =	strace $0x8000004A;
	s7 =	sand.u32 $0x380, s4  }
0x7: {  	s5 =	sand.u32 $0x10, s5;
	p0 =	sne.s32 s7, $0x0;
	s7 =	simm.s32 $0x1  }
.Ltmp0:
0x8: {  	s8 =	sshrl.u32 s4, $0xA;
	s7 =	simm.s32 @!p0 $0x0;
	(pc) =	sbr.rel .LBB1_1-.Ltmp0, $4  }
0x9: {  	s9 =	sor.u32 s0, s5;
	s4 =	simm.s32 $0x1;
	s30 =	sadd.s32 s7, s8  }
0xa: {  	s11 =	smov.u32 s3;
	[sflag:s4] =	ssyncpa.u1 $0x0;
	s5 =	smul.u32 $0x32, s30  }
0xb: {  	[sflag:s31] =	ssyncpa.u1 $0x0;
	p0 =	por $0x0, $0x0;
	s7 =	sshrl.u32 s9, $0x3  }
0xc: {  	s9 =	simm.s32 $0x2000;
	s10 =	smov.u32 s7;
	s8 =	sor.u32 $0x1, s5  }
.LBB1_4:
0xd: {  	s17 =	sand.u32 $0x1F80, s14;
	s13 =	sshll.u32 s13, $0xD  }
0xe: {  	[tilespmem:s16+$0x810 ss:$0x81] =	vst.msk $0xffff, v2;
	s18 =	sshrl.u32 s14, $0x3;
	s31 =	sand.u32 $0x7, s14;
	s17 =	sadd.s32 s2, s17  }
0xf: {  	[tilespmem:s16+$0x1020 ss:$0x81] =	vst.msk $0xffff, v0;
	s18 =	sand.u32 $0xF, s18;
	s14 =	sshll.u32 s31, $0x12;
	s13 =	sadd.s32 s13, s17  }
0x10: {  	[tilespmem:s16+$0x0 ss:$0x81] =	vst.msk $0xffff, v1;
	s14 =	sor.u32 $0x400, s14;
	s13 =	sadd.s32 s18, s13  }
0x11: {  	[hbm4b:s13+s14] =	stream.strided.scatter [tilespmem:s15], [sflag:$0x2], $0x2000, s9, s14, $0x20;
	[tilespmem:$0x8080] =	vst v63  }
.LBB1_5:
0x12: {  	s15 =	sadd.s32 $0x4, s10  }
0x13: {  	s13 =	sadd.s32 $0x400, s11;
	s17 =	smov.u32 s11;
	p2 =	sgt.s32 s15, $0xC7  }
0x14: {  	s17 =	smov.u32 @p2 s13  }
0x15: {  	s15 =	smov.u32 @p2 s7;
	p2 =	sgt.s32 s17, $0x3FF  }
0x16: {  	s17 =	smov.u32 @p2 s3;
	p2 =	sne.s32 s12, s8  }
.Ltmp1:
0x17: {  	p1 =	slt.u32 s12, $0x2;
	(pc) =	sbr.rel @!p2 .LBB1_6-.Ltmp1, $4  }
0x18: {  	s16 =	simm.s32 @!p1 $0x2  }
0x19: {  	s14 =	smov.u32 s11;
	p0 =	por !p0, !p0;
	_ =	swait.ge @!p1 [sflag:s16], $0x2000  }
0x1a: {  	s13 =	smov.u32 s10;
	[sflag:s16] =	ssyncset.done @!p1 $0x0;
	s10 =	smov.u32 s15  }
0x1b: {  	s12 =	sadd.s32 $0x1, s12;
	[sflag:s16] =	ssyncadd.s32 @!p1 $0xFFFFE000;
	s11 =	smov.u32 s17  }
.LBB1_1:
0x1c: {  	p1 =	sge.u32 s12, s5  }
0x1d: {  	s15 =	sand.u32 @!p1 $0x1FFFFFF, s10  }
0x1e: {  	s16 =	smulhi.u32 @!p1 $0x147AE15, s15;
	_ =	sdelay $0x1  }
0x1f: {  	s16 =	smul.u32 @!p1 $0xC8, s16  }
0x20: {  	s17 =	sxor.u32 @!p1 $0xFFFFFFFF, s12;
	s18 =	smul.u32 @!p1 $0xC80, s11  }
0x21: {  	s31 =	sadd.s32 $0xFFFFFFFF, s12;
	s17 =	sshll.u32 @!p1 s17, $0xD;
	s15 =	ssub.s32 @!p1 s15, s16  }
0x22: {  	s16 =	sand.u32 @!p1 $0x2000, s17;
	s17 =	sadd.s32 @!p1 s6, s18;
	s15 =	sshll.u32 @!p1 s15, $0x4  }
0x23: {  	s18 =	simm.s32 @!p1 $0x6400;
	s15 =	sadd.s32 @!p1 s15, s17;
	s17 =	simm.s32 @!p1 $0x40  }
0x24: {  	[tilespmem:s16], [sflag:$0x1] =	stream.strided.gather @!p1 [hbm4b:s15+s17], $0x2000, s18, s17, $0x38;
	[tilespmem:$0x8080] =	vst v63  }
0x25: {  	p1 =	sge.u32 s31, s5  }
.Ltmp2:
0x26: {  	_ = 	snop;
	(pc) =	sbr.rel @p1 .LBB1_5-.Ltmp2, $1  }
0x27: {  	_ =	sdelay $0x3  }
0x28: {  	s15 =	simm.s32 $0x1  }
0x29: {  	_ =	swait.ge [sflag:s4], $0x2000;
	s15 =	simm.s32 @!p0 $0x0  }
0x2a: {  	[sflag:s4] =	ssyncset.done $0x0;
	s16 =	sshll.u32 s15, $0xD  }
0x2b: {  	[sflag:s4] =	ssyncadd.s32 $0xFFFFE000;
	s19 =	sor.u32 $0x20, s16  }
0x2c: {  	s15 =	smul.u32 $0x8100, s15;
	v3 =	vld [tilespmem:s19+$0x10]  }
0x2d: {  	s30 =	sand.u32 $0x1, s12;
	v2 =	vld [tilespmem:s19+$0xFFFFFFF0]  }
0x2e: {  	s16 =	smul.u32 $0x8100, s30;
	s15 =	sshrl.u32 s15, $0x2;
	v0 =	vld [tilespmem:s19+$0x0]  }
0x2f: {  	v1 =	vld [tilespmem:s19+$0xFFFFFFE0];
	s17 =	sor.u32 $0x4000, s15  }
0x30: {  	s31 =	sshrl.u32 s16, $0x2;
	s16 =	sadd.s32 $0x0, s17  }
0x31: {  	s18 =	simm.s32 $0x4;
	s19 =	sadd.s32 $0x40, s19;
	s15 =	sor.u32 $0x4000, s31;
	[tilespmem:s16+$0x1830 ss:$0x81] =	vst.msk $0xffff, v3  }
.LBB1_3:
0x32: {  	v3 =	vld [tilespmem:s19+$0x10];
	p1 =	sne.s32 s18, $0x1FC;
	[tilespmem:s16+$0x810 ss:$0x81] =	vst.msk $0xffff, v2;
	s20 =	smov.u32 s18;
	s18 =	sadd.s32 $0x4, s18  }
.Ltmp3:
0x33: {  	v2 =	vld [tilespmem:s19+$0xFFFFFFF0];
	[tilespmem:s16+$0x1020 ss:$0x81] =	vst.msk $0xffff, v0;
	(pc) =	sbr.rel @p1 .LBB1_3-.Ltmp3, $4  }
0x34: {  	v0 =	vld [tilespmem:s19+$0x0];
	[tilespmem:s16+$0x0 ss:$0x81] =	vst.msk $0xffff, v1  }
0x35: {  	s16 =	sshra.s32 s20, $0x2;
	v1 =	vld [tilespmem:s19+$0xFFFFFFE0]  }
0x36: {  	s16 =	sadd.s32 s16, s17  }
0x37: {  	s19 =	sadd.s32 $0x40, s19;
	[tilespmem:s16+$0x1830 ss:$0x81] =	vst.msk $0xffff, v3  }
.Ltmp4:
0x38: {  	_ = 	snop;
	(pc) =	sbr.rel .LBB1_4-.Ltmp4, $1  }
0x39: {  	_ =	sdelay $0x3  }
.LBB1_6:
0x3a: {  	_ =	sfence.sel $0x180000  }
0x3b: {  	s2 =	simm.s32 $0x1;
	[bflag:$0x0] =	sbarrier.arrive $0xFFFF  }
0x3c: {  	s31 =	simm.s32 $0x2;
	[sflag:s2] =	ssyncpa.u1 $0x1  }
0x3d: {  	[sflag:s31] =	ssyncpa.u1 $0x1  }
0x3e: {  	p0 =	sne.s32 s0, $0x0;
	_ =	strace $0x9000004A  }
0x3f: {  	s0 =	sadd.s32 @!p0 $0x100000, s1;
	[bflag:$0x2] =	sbarrier.arrive $0xFFFF  }
0x40: {  	[sflag:s0] =	ssyncadd.tile.s32 @!p0 $0x1;
	_ =	shalt  }
.Lfunc_end1:
_tile_overlayer_lowered:
.L_overlay_start_2:
0x41: {  	(tag) =	ssettag $0x2  }
0x42: {  	s0 =	rddreg [dreg:$0x0];
	s2 =	stileid.u32  }
0x43: {  	s1 =	rddreg [dreg:$0x1];
	p0 =	sne.s32 s2, $0x0  }
0x44: {  	s3 =	rddreg [dreg:$0x2];
	[bflag:$0x3] =	sbarrier.arrive $0xFFFF;
	s2 =	simm.s32 @!p0 $0x1C01  }
0x45: {  	[timem:s3], [sflag:s2] =	dma.local @!p0 [hbm:s0], s1  }
0x46: {  	s0 =	simm.s32 @!p0 $0x1  }
0x47: {  	_ =	swait.ge @!p0 [sflag:s0], s1  }
0x48: {  	s1 =	ssub.s32 @!p0 $0x0, s1;
	[sflag:s0] =	ssyncset.done @!p0 $0x0  }
0x49: {  	[sflag:s0] =	ssyncadd.s32 @!p0 s1  }
0x4a: {  	[bflag:$0x3] =	sbarrier.arrive $0xFFFF  }
0x4b: {  	_ =	shalt  }

</sc_bundles>
